<compile_context>
chip_gen: v7x
topology: tpu7x:2x2x1
jax: 0.10.2.dev20260603
libtpu: 0.0.44.dev20260713+nightly
codegen_flags: <defaults>
</compile_context>

<pallas_src>
import functools

import jax
import jax.numpy as jnp
from jax import lax
from jax.experimental import pallas as pl
from jax.experimental.pallas import tpu as pltpu
from jax.experimental.pallas import tpu_sc as plsc

N_NODES = 10000
N_EDGES = 320000
D_IN = 128
D_HID = 64
D2 = 16

NC = 2
NS = 16
NW = NC * NS
CH = 128
NP = 10240
NCHT = N_EDGES // CH
FULL = 80
LASTW = NW - 1
LAST = NCHT - LASTW * FULL
RPT = NP // NS

_mesh = plsc.VectorSubcoreMesh(core_axis_name="c", subcore_axis_name="s")
_sc_params = pltpu.CompilerParams(use_tc_tiling_on_sc=False)


def _worker(c, s):
    return s * NC + c


def _load_chunks(ei_hbm, row, w, idx_v):
    @pl.when(w < LASTW)
    def _():
        pltpu.sync_copy(ei_hbm.at[row, pl.ds(w * FULL, FULL)], idx_v)

    @pl.when(w == LASTW)
    def _():
        pltpu.sync_copy(ei_hbm.at[row, pl.ds(LASTW * FULL, LAST)],
                        idx_v.at[pl.ds(0, LAST)])


def _fill(buf, value, d):
    vec = jnp.full((16,), value, jnp.float32)
    nsub = d // 16

    def body(i, carry):
        r = i // nsub
        k = (i % nsub) * 16
        buf[r, pl.ds(k, 16)] = vec
        return carry

    lax.fori_loop(0, CH * nsub, body, 0)


@functools.partial(
    pl.kernel,
    out_type=jax.ShapeDtypeStruct((NC * NP, D2), jnp.float32),
    mesh=_mesh,
    scratch_types=[
        pltpu.VMEM((FULL, CH), jnp.int32),
        pltpu.VMEM((CH, D2), jnp.float32),
        pltpu.VMEM_SHARED((NP, D2), jnp.float32),
        pltpu.SemaphoreType.DMA,
    ],
    compiler_params=_sc_params,
)
def _deg_kernel(ei_hbm, out_hbm, dst_v, msg_v, acc_sh, sem):
    c = lax.axis_index("c")
    s = lax.axis_index("s")
    w = _worker(c, s)
    r0 = s * RPT
    _load_chunks(ei_hbm, 1, w, dst_v)

    _fill(msg_v, 0.0, D2)

    @pl.when(c != 0)
    def _():
        for i in range(RPT // CH):
            pltpu.sync_copy(msg_v, acc_sh.at[pl.ds(r0 + i * CH, CH)])

    _fill(msg_v, 1.0, D2)

    @pl.when(c == 0)
    def _():
        for i in range(RPT // CH):
            pltpu.sync_copy(msg_v, acc_sh.at[pl.ds(r0 + i * CH, CH)])

    plsc.subcore_barrier()
    nch = jnp.where(w == LASTW, LAST, FULL)

    def body(j, carry):
        @pl.when(j >= 8)
        def _():
            pltpu.make_async_copy(msg_v, acc_sh.at[dst_v.at[j - 8]], sem).wait()

        pltpu.async_copy(msg_v, acc_sh.at[dst_v.at[j]], sem, add=True)
        return carry

    lax.fori_loop(0, nch, body, 0)

    def drain(j, carry):
        pltpu.make_async_copy(msg_v, acc_sh.at[dst_v.at[j]], sem).wait()
        return carry

    lax.fori_loop(jnp.maximum(nch - 8, 0), nch, drain, 0)
    plsc.subcore_barrier()
    pltpu.sync_copy(acc_sh.at[pl.ds(r0, RPT)], out_hbm.at[pl.ds(c * NP + r0, RPT)])


def _make_seg_kernel(d, stage_in_spmem):
    @functools.partial(
        pl.kernel,
        out_type=jax.ShapeDtypeStruct((NC * NP, d), jnp.float32),
        mesh=_mesh,
        scratch_types=[
            pltpu.VMEM((FULL, CH), jnp.int32),
            pltpu.VMEM((FULL, CH), jnp.int32),
            pltpu.VMEM((2, CH, d), jnp.float32),
            pltpu.VMEM_SHARED((NP, d), jnp.float32),
            pltpu.VMEM_SHARED((NP, d) if stage_in_spmem else (8, d), jnp.float32),
            pltpu.SemaphoreType.DMA((2,)),
        ],
        compiler_params=_sc_params,
    )
    def _seg(ei_hbm, tbl_hbm, out_hbm, src_v, dst_v, msg_v, acc_sh, tbl_sh, gsem):
        c = lax.axis_index("c")
        s = lax.axis_index("s")
        w = _worker(c, s)
        r0 = s * RPT
        _load_chunks(ei_hbm, 0, w, src_v)
        _load_chunks(ei_hbm, 1, w, dst_v)
        if stage_in_spmem:
            pltpu.sync_copy(tbl_hbm.at[pl.ds(r0, RPT)], tbl_sh.at[pl.ds(r0, RPT)])
            tbl = tbl_sh
        else:
            tbl = tbl_hbm

        @pl.when(c == 0)
        def _():
            pltpu.sync_copy(tbl_hbm.at[pl.ds(r0, RPT)], acc_sh.at[pl.ds(r0, RPT)])

        @pl.when(c != 0)
        def _():
            _fill(msg_v.at[0], 0.0, d)
            for i in range(RPT // CH):
                pltpu.sync_copy(msg_v.at[0], acc_sh.at[pl.ds(r0 + i * CH, CH)])

        plsc.subcore_barrier()
        nch = jnp.where(w == LASTW, LAST, FULL)

        pltpu.async_copy(tbl.at[src_v.at[0]], msg_v.at[0], gsem.at[0])

        def body(j, carry):
            p = lax.rem(j, 2)
            q = 1 - p

            @pl.when(j + 1 < nch)
            def _():
                pltpu.async_copy(tbl.at[src_v.at[j + 1]], msg_v.at[q],
                                 gsem.at[q])

            pltpu.make_async_copy(tbl.at[src_v.at[j]], msg_v.at[p],
                                  gsem.at[p]).wait()
            pltpu.sync_copy(msg_v.at[p], acc_sh.at[dst_v.at[j]], add=True)
            return carry

        lax.fori_loop(0, nch, body, 0)
        plsc.subcore_barrier()
        pltpu.sync_copy(acc_sh.at[pl.ds(r0, RPT)], out_hbm.at[pl.ds(c * NP + r0, RPT)])

    return _seg


_seg64 = _make_seg_kernel(D_HID, stage_in_spmem=False)
_seg16 = _make_seg_kernel(D2, stage_in_spmem=True)


def _tc1_body(deg_ref, x_ref, w1_ref, dis_ref, h1s_ref):
    deg = deg_ref[:NP, 0:1] + deg_ref[NP:, 0:1]
    dis = lax.rsqrt(deg)
    h1 = jnp.dot(x_ref[...], w1_ref[...], preferred_element_type=jnp.float32)
    dis_ref[...] = jnp.broadcast_to(dis, (NP, D2))
    h1s_ref[...] = jnp.concatenate(
        [dis[:N_NODES] * h1, jnp.zeros((NP - N_NODES, D_HID), jnp.float32)])


def _tc_mid_body(s1_ref, dis_ref, b1_ref, w2_ref, g_ref):
    dis = dis_ref[:, 0:1]
    a1 = s1_ref[:NP, :] + s1_ref[NP:, :]
    h = jnp.maximum(dis * a1 + b1_ref[...], 0.0)
    w2p = jnp.concatenate(
        [w2_ref[...], jnp.zeros((D_HID, D2 - 2), jnp.float32)], axis=1)
    g_ref[...] = dis * jnp.dot(h, w2p, preferred_element_type=jnp.float32)


_tc1 = pl.pallas_call(
    _tc1_body,
    out_shape=(
        jax.ShapeDtypeStruct((NP, D2), jnp.float32),
        jax.ShapeDtypeStruct((NP, D_HID), jnp.float32),
    ),
)

_tc_mid = pl.pallas_call(
    _tc_mid_body,
    out_shape=jax.ShapeDtypeStruct((NP, D2), jnp.float32),
)


def kernel(x, edge_index, W1, b1, W2, b2):
    ei3d = edge_index.astype(jnp.int32).reshape(2, NCHT, CH)

    degp = _deg_kernel(ei3d)
    dis16, h1s = _tc1(degp, x, W1)
    s1p = _seg64(ei3d, h1s)
    g = _tc_mid(s1p, dis16, b1.reshape(1, D_HID), W2)
    s2p = _seg16(ei3d, g)
    a2 = s2p[:N_NODES, :2] + s2p[NP:NP + N_NODES, :2]
    return dis16[:N_NODES, 0:1] * a2 + b2.reshape(1, 2)

# --- scband reference (transcript-rebuilt; emitter-appended) ---
"""Pipeline reference for scband-gcn-13331578486814 (READ-ONLY COPY).

The authoritative reference and input builder live on the scoring server;
editing this copy changes nothing except your own understanding.
"""

import jax, jax.numpy as jnp
import numpy as np

N_NODES = 10000
N_EDGES = 320000
D_IN = 128
D_HID = 64
D_OUT = 2


def setup_inputs(seed: int = 0) -> dict:
    key = jax.random.key(seed)
    k1, k2, k3, k4, k5, k6 = jax.random.split(key, 6)
    x = jax.random.normal(k1, (N_NODES, D_IN), dtype=jnp.float32)
    edge_index = jax.random.randint(k2, (2, N_EDGES), 0, N_NODES, dtype=jnp.int64)
    # GCNConv layer 1 params (glorot-ish init)
    W1 = jax.random.normal(k3, (D_IN, D_HID), dtype=jnp.float32) * (1.0 / np.sqrt(D_IN))
    b1 = jnp.zeros((D_HID,), dtype=jnp.float32)
    # GCNConv layer 2 params
    W2 = jax.random.normal(k4, (D_HID, D_OUT), dtype=jnp.float32) * (1.0 / np.sqrt(D_HID))
    b2 = jnp.zeros((D_OUT,), dtype=jnp.float32)
    return {"x": x, "edge_index": edge_index, "W1": W1, "b1": b1, "W2": W2, "b2": b2}


def _gcn_conv(x, src, dst, W, b):
    """Faithful PyG GCNConv: D^{-1/2} (A+I) D^{-1/2} X W + b with self-loops."""
    n = x.shape[0]
    # degree counts on dst side (edge weights = 1), self-loops already appended
    deg = jnp.zeros((n,), dtype=jnp.float32).at[dst].add(1.0)
    deg_inv_sqrt = jnp.where(deg > 0, jax.lax.rsqrt(deg), 0.0)
    norm = deg_inv_sqrt[src] * deg_inv_sqrt[dst]
    h = x @ W  # linear transform first (as in PyG)
    msg = jnp.take(h, src, axis=0) * norm[:, None]
    out = jax.ops.segment_sum(msg, dst, num_segments=n)
    return out + b


def reference(x, edge_index, W1, b1, W2, b2):
    n = x.shape[0]
    loop = jnp.arange(n, dtype=edge_index.dtype)
    src = jnp.concatenate([edge_index[0], loop])
    dst = jnp.concatenate([edge_index[1], loop])
    h = _gcn_conv(x, src, dst, W1, b1)
    h = jax.nn.relu(h)
    h = _gcn_conv(h, src, dst, W2, b2)
    return h

if __name__ == "__main__":
    import jax
    _d = setup_inputs()
    print(jax.jit(kernel)(*tuple(_d.values())))

</pallas_src>

<mosaic_0001>
#map = affine_map<(d0, d1) -> (0, 0, 0)>
#map1 = affine_map<(d0, d1) -> (0, 0)>
module attributes {stable_mosaic.version = 14 : i64} {
  func.func @_deg_kernel(%arg0: i32, %arg1: i32, %arg2: memref<2x2500x128xi32, #tpu.memory_space<hbm>>, %arg3: memref<20480x16xf32, #tpu.memory_space<hbm>>, %arg4: memref<80x128xi32, #tpu.memory_space<vmem>>, %arg5: memref<128x16xf32, #tpu.memory_space<vmem>>, %arg6: memref<10240x16xf32, #tpu.memory_space<vmem_shared>>, %arg7: memref<!tpu.dma_semaphore, #tpu.memory_space<semaphore_mem>>) attributes {dimension_semantics = [#tpu.dimension_semantics<core_parallel>, #tpu.dimension_semantics<subcore_parallel>], iteration_bounds = array<i64: 2, 16>, scalar_prefetch = 0 : i64, scratch_operands = 4 : i64, tpu.core_type = #tpu.core_type<sc_vector_subcore>, window_params = [{transform_indices = #map}, {transform_indices = #map1}]} {
    %mul3A = arith.constant 2 : i32
    %mul3A_0 = arith.muli %arg1, %mul3A : i32
    %add3A = arith.addi %mul3A_0, %arg0 : i32
    %mul3A_1 = arith.constant 640 : i32
    %mul3A_2 = arith.muli %arg1, %mul3A_1 : i32
    %lt3A = arith.constant 31 : i32
    %lt3A_3 = arith.cmpi slt, %add3A, %lt3A : i32
    %convert_element_type3A = arith.extui %lt3A_3 : i1 to i32
    %cond3A = arith.constant 0 : i32
    %cond3A_4 = arith.cmpi ne, %convert_element_type3A, %cond3A : i32
    scf.if %cond3A_4 {
      %mul3A_59 = arith.constant 80 : i32
      %mul3A_60 = arith.muli %add3A, %mul3A_59 : i32
      %run_scoped3A = arith.constant 1 : i32
      "tpu.region"() ({
        %run_scoped3A_61 = tpu.sem_alloc : memref<!tpu.dma_semaphore, #tpu.memory_space<semaphore_mem>>
        %dma_start3A = arith.constant 0 : i32
        %dma_start3A_62 = tpu.memref_slice %arg2[%run_scoped3A, %mul3A_60, %dma_start3A] : memref<2x2500x128xi32, #tpu.memory_space<hbm>> -> memref<1x80x128xi32, #tpu.memory_space<hbm>>
        %dma_start3A_63 = tpu.memref_squeeze %dma_start3A_62 : memref<1x80x128xi32, #tpu.memory_space<hbm>> -> memref<80x128xi32, #tpu.memory_space<hbm>>
        %dma_start3A_64 = arith.constant 0 : i32
        %dma_start3A_65 = tpu.memref_slice %arg2[%run_scoped3A, %mul3A_60, %dma_start3A_64] : memref<2x2500x128xi32, #tpu.memory_space<hbm>> -> memref<1x80x128xi32, #tpu.memory_space<hbm>>
        %dma_start3A_66 = tpu.memref_squeeze %dma_start3A_65 : memref<1x80x128xi32, #tpu.memory_space<hbm>> -> memref<80x128xi32, #tpu.memory_space<hbm>>
        tpu.enqueue_dma source(%dma_start3A_66 : memref<80x128xi32, #tpu.memory_space<hbm>>) target(%arg4 : memref<80x128xi32, #tpu.memory_space<vmem>>) target_semaphore(%run_scoped3A_61 : memref<!tpu.dma_semaphore, #tpu.memory_space<semaphore_mem>>)
        %dma_wait3A = arith.constant 0 : i32
        %dma_wait3A_67 = tpu.memref_slice %arg2[%run_scoped3A, %mul3A_60, %dma_wait3A] : memref<2x2500x128xi32, #tpu.memory_space<hbm>> -> memref<1x80x128xi32, #tpu.memory_space<hbm>>
        %dma_wait3A_68 = tpu.memref_squeeze %dma_wait3A_67 : memref<1x80x128xi32, #tpu.memory_space<hbm>> -> memref<80x128xi32, #tpu.memory_space<hbm>>
        %dma_wait3A_69 = arith.constant 0 : i32
        %dma_wait3A_70 = tpu.memref_slice %arg2[%run_scoped3A, %mul3A_60, %dma_wait3A_69] : memref<2x2500x128xi32, #tpu.memory_space<hbm>> -> memref<1x80x128xi32, #tpu.memory_space<hbm>>
        %dma_wait3A_71 = tpu.memref_squeeze %dma_wait3A_70 : memref<1x80x128xi32, #tpu.memory_space<hbm>> -> memref<80x128xi32, #tpu.memory_space<hbm>>
        tpu.wait_dma2 semaphore(%run_scoped3A_61 : memref<!tpu.dma_semaphore, #tpu.memory_space<semaphore_mem>>) src(%dma_wait3A_71 : memref<80x128xi32, #tpu.memory_space<hbm>>) dst(%arg4 : memref<80x128xi32, #tpu.memory_space<vmem>>)
        tpu.yield
      }) : () -> ()
    } else {
    }
    %eq3A = arith.constant 31 : i32
    %eq3A_5 = arith.cmpi eq, %add3A, %eq3A : i32
    %convert_element_type3A_6 = arith.extui %eq3A_5 : i1 to i32
    %cond3A_7 = arith.constant 0 : i32
    %cond3A_8 = arith.cmpi ne, %convert_element_type3A_6, %cond3A_7 : i32
    scf.if %cond3A_8 {
      %run_scoped3A = arith.constant 1 : i32
      "tpu.region"() ({
        %run_scoped3A_59 = tpu.sem_alloc : memref<!tpu.dma_semaphore, #tpu.memory_space<semaphore_mem>>
        %dma_start3A = arith.constant 0 : i32
        %dma_start3A_60 = arith.constant 0 : i32
        %dma_start3A_61 = tpu.memref_slice %arg4[%dma_start3A, %dma_start3A_60] : memref<80x128xi32, #tpu.memory_space<vmem>> -> memref<20x128xi32, #tpu.memory_space<vmem>>
        %dma_start3A_62 = arith.constant 2480 : i32
        %dma_start3A_63 = arith.constant 0 : i32
        %dma_start3A_64 = tpu.memref_slice %arg2[%run_scoped3A, %dma_start3A_62, %dma_start3A_63] : memref<2x2500x128xi32, #tpu.memory_space<hbm>> -> memref<1x20x128xi32, #tpu.memory_space<hbm>>
        %dma_start3A_65 = tpu.memref_squeeze %dma_start3A_64 : memref<1x20x128xi32, #tpu.memory_space<hbm>> -> memref<20x128xi32, #tpu.memory_space<hbm>>
        %dma_start3A_66 = arith.constant 0 : i32
        %dma_start3A_67 = arith.constant 0 : i32
        %dma_start3A_68 = tpu.memref_slice %arg4[%dma_start3A_66, %dma_start3A_67] : memref<80x128xi32, #tpu.memory_space<vmem>> -> memref<20x128xi32, #tpu.memory_space<vmem>>
        %dma_start3A_69 = arith.constant 2480 : i32
        %dma_start3A_70 = arith.constant 0 : i32
        %dma_start3A_71 = tpu.memref_slice %arg2[%run_scoped3A, %dma_start3A_69, %dma_start3A_70] : memref<2x2500x128xi32, #tpu.memory_space<hbm>> -> memref<1x20x128xi32, #tpu.memory_space<hbm>>
        %dma_start3A_72 = tpu.memref_squeeze %dma_start3A_71 : memref<1x20x128xi32, #tpu.memory_space<hbm>> -> memref<20x128xi32, #tpu.memory_space<hbm>>
        tpu.enqueue_dma source(%dma_start3A_72 : memref<20x128xi32, #tpu.memory_space<hbm>>) target(%dma_start3A_68 : memref<20x128xi32, #tpu.memory_space<vmem>>) target_semaphore(%run_scoped3A_59 : memref<!tpu.dma_semaphore, #tpu.memory_space<semaphore_mem>>)
        %dma_wait3A = arith.constant 0 : i32
        %dma_wait3A_73 = arith.constant 0 : i32
        %dma_wait3A_74 = tpu.memref_slice %arg4[%dma_wait3A, %dma_wait3A_73] : memref<80x128xi32, #tpu.memory_space<vmem>> -> memref<20x128xi32, #tpu.memory_space<vmem>>
        %dma_wait3A_75 = arith.constant 2480 : i32
        %dma_wait3A_76 = arith.constant 0 : i32
        %dma_wait3A_77 = tpu.memref_slice %arg2[%run_scoped3A, %dma_wait3A_75, %dma_wait3A_76] : memref<2x2500x128xi32, #tpu.memory_space<hbm>> -> memref<1x20x128xi32, #tpu.memory_space<hbm>>
        %dma_wait3A_78 = tpu.memref_squeeze %dma_wait3A_77 : memref<1x20x128xi32, #tpu.memory_space<hbm>> -> memref<20x128xi32, #tpu.memory_space<hbm>>
        %dma_wait3A_79 = arith.constant 0 : i32
        %dma_wait3A_80 = arith.constant 0 : i32
        %dma_wait3A_81 = tpu.memref_slice %arg4[%dma_wait3A_79, %dma_wait3A_80] : memref<80x128xi32, #tpu.memory_space<vmem>> -> memref<20x128xi32, #tpu.memory_space<vmem>>
        %dma_wait3A_82 = arith.constant 2480 : i32
        %dma_wait3A_83 = arith.constant 0 : i32
        %dma_wait3A_84 = tpu.memref_slice %arg2[%run_scoped3A, %dma_wait3A_82, %dma_wait3A_83] : memref<2x2500x128xi32, #tpu.memory_space<hbm>> -> memref<1x20x128xi32, #tpu.memory_space<hbm>>
        %dma_wait3A_85 = tpu.memref_squeeze %dma_wait3A_84 : memref<1x20x128xi32, #tpu.memory_space<hbm>> -> memref<20x128xi32, #tpu.memory_space<hbm>>
        tpu.wait_dma2 semaphore(%run_scoped3A_59 : memref<!tpu.dma_semaphore, #tpu.memory_space<semaphore_mem>>) src(%dma_wait3A_85 : memref<20x128xi32, #tpu.memory_space<hbm>>) dst(%dma_wait3A_81 : memref<20x128xi32, #tpu.memory_space<vmem>>)
        tpu.yield
      }) : () -> ()
    } else {
    }
    %broadcast_in_dim3A = arith.constant 0.000000e+00 : f32
    %broadcast_in_dim3A_9 = vector.broadcast %broadcast_in_dim3A : f32 to vector<16xf32>
    %scan3A = arith.constant 0 : i32
    %scan3A_10 = arith.constant 0 : i32
    %scan3A_11 = arith.constant 128 : i32
    %scan3A_12 = arith.addi %scan3A_10, %scan3A_11 : i32
    %scan3A_13 = arith.constant 1 : i32
    scf.for %scan3A_59 = %scan3A_10 to %scan3A_12 step %scan3A_13  : i32 {
      %jit3A_60 = arith.constant 1 : i32
      %div3A = arith.divsi %scan3A_59, %jit3A_60 : i32
      %sign3A = arith.constant 0 : i32
      %sign3A_61 = arith.cmpi sgt, %scan3A_59, %sign3A : i32
      %sign3A_62 = arith.extui %sign3A_61 : i1 to i32
      %sign3A_63 = arith.constant 0 : i32
      %sign3A_64 = arith.cmpi slt, %scan3A_59, %sign3A_63 : i32
      %sign3A_65 = arith.extui %sign3A_64 : i1 to i32
      %sign3A_66 = arith.subi %sign3A_62, %sign3A_65 : i32
      %sign3A_67 = arith.constant 0 : i32
      %sign3A_68 = arith.cmpi sgt, %jit3A_60, %sign3A_67 : i32
      %sign3A_69 = arith.extui %sign3A_68 : i1 to i32
      %sign3A_70 = arith.constant 0 : i32
      %sign3A_71 = arith.cmpi slt, %jit3A_60, %sign3A_70 : i32
      %sign3A_72 = arith.extui %sign3A_71 : i1 to i32
      %sign3A_73 = arith.subi %sign3A_69, %sign3A_72 : i32
      %ne3A_74 = arith.cmpi ne, %sign3A_66, %sign3A_73 : i32
      %rem3A = arith.remsi %scan3A_59, %jit3A_60 : i32
      %ne3A_75 = arith.constant 0 : i32
      %ne3A_76 = arith.cmpi ne, %rem3A, %ne3A_75 : i32
      %and3A = arith.andi %ne3A_74, %ne3A_76 : i1
      %sub3A_77 = arith.constant 1 : i32
      %sub3A_78 = arith.subi %div3A, %sub3A_77 : i32
      %select_n3A_79 = arith.select %and3A, %sub3A_78, %div3A : i32
      %jit3A_80 = arith.constant 1 : i32
      %eq3A_81 = arith.constant 0 : i32
      %eq3A_82 = arith.cmpi eq, %jit3A_80, %eq3A_81 : i32
      %jit3A_83 = arith.constant 1 : i32
      %select_n3A_84 = arith.select %eq3A_82, %jit3A_83, %jit3A_80 : i32
      %rem3A_85 = arith.remsi %scan3A_59, %select_n3A_84 : i32
      %ne3A_86 = arith.constant 0 : i32
      %ne3A_87 = arith.cmpi ne, %rem3A_85, %ne3A_86 : i32
      %lt3A_88 = arith.constant 0 : i32
      %lt3A_89 = arith.cmpi slt, %rem3A_85, %lt3A_88 : i32
      %lt3A_90 = arith.constant 0 : i32
      %lt3A_91 = arith.cmpi slt, %select_n3A_84, %lt3A_90 : i32
      %ne3A_92 = arith.xori %lt3A_89, %lt3A_91 : i1
      %and3A_93 = arith.andi %ne3A_92, %ne3A_87 : i1
      %add3A_94 = arith.addi %rem3A_85, %select_n3A_84 : i32
      %select_n3A_95 = arith.select %and3A_93, %add3A_94, %rem3A_85 : i32
      %mul3A_96 = arith.constant 16 : i32
      %mul3A_97 = arith.muli %select_n3A_95, %mul3A_96 : i32
      %swap3A = arith.index_cast %select_n3A_79 : i32 to index
      %swap3A_98 = arith.index_cast %mul3A_97 : i32 to index
      %swap3A_99 = tpu.vector_load %arg5[%swap3A, %swap3A_98] {strides = array<i32>} : memref<128x16xf32, #tpu.memory_space<vmem>>, vector<1x16xf32>,
      %swap3A_100 = vector.shape_cast %swap3A_99 : vector<1x16xf32> to vector<16xf32>
      %swap3A_101 = vector.shape_cast %broadcast_in_dim3A_9 : vector<16xf32> to vector<1x16xf32>
      tpu.vector_store %arg5[%swap3A, %swap3A_98], %swap3A_101 {strides = array<i32>} : memref<128x16xf32, #tpu.memory_space<vmem>>, vector<1x16xf32>,
    }
    %scan3A_14 = arith.constant 128 : i32
    %ne3A = arith.constant 0 : i32
    %ne3A_15 = arith.cmpi ne, %arg0, %ne3A : i32
    %convert_element_type3A_16 = arith.extui %ne3A_15 : i1 to i32
    %cond3A_17 = arith.constant 0 : i32
    %cond3A_18 = arith.cmpi ne, %convert_element_type3A_16, %cond3A_17 : i32
    scf.if %cond3A_18 {
      %add3A_59 = arith.constant 0 : i32
      %add3A_60 = arith.addi %mul3A_2, %add3A_59 : i32
      "tpu.region"() ({
        %run_scoped3A = tpu.sem_alloc : memref<!tpu.dma_semaphore, #tpu.memory_space<semaphore_mem>>
        %dma_start3A = arith.constant 0 : i32
        %dma_start3A_69 = tpu.memref_slice %arg6[%add3A_60, %dma_start3A] : memref<10240x16xf32, #tpu.memory_space<vmem_shared>> -> memref<128x16xf32, #tpu.memory_space<vmem_shared>>
        %dma_start3A_70 = arith.constant 0 : i32
        %dma_start3A_71 = tpu.memref_slice %arg6[%add3A_60, %dma_start3A_70] : memref<10240x16xf32, #tpu.memory_space<vmem_shared>> -> memref<128x16xf32, #tpu.memory_space<vmem_shared>>
        tpu.enqueue_dma source(%arg5 : memref<128x16xf32, #tpu.memory_space<vmem>>) target(%dma_start3A_71 : memref<128x16xf32, #tpu.memory_space<vmem_shared>>) target_semaphore(%run_scoped3A : memref<!tpu.dma_semaphore, #tpu.memory_space<semaphore_mem>>)
        %dma_wait3A = arith.constant 0 : i32
        %dma_wait3A_72 = tpu.memref_slice %arg6[%add3A_60, %dma_wait3A] : memref<10240x16xf32, #tpu.memory_space<vmem_shared>> -> memref<128x16xf32, #tpu.memory_space<vmem_shared>>
        %dma_wait3A_73 = arith.constant 0 : i32
        %dma_wait3A_74 = tpu.memref_slice %arg6[%add3A_60, %dma_wait3A_73] : memref<10240x16xf32, #tpu.memory_space<vmem_shared>> -> memref<128x16xf32, #tpu.memory_space<vmem_shared>>
        tpu.wait_dma2 semaphore(%run_scoped3A : memref<!tpu.dma_semaphore, #tpu.memory_space<semaphore_mem>>) src(%arg5 : memref<128x16xf32, #tpu.memory_space<vmem>>) dst(%dma_wait3A_74 : memref<128x16xf32, #tpu.memory_space<vmem_shared>>)
        tpu.yield
      }) : () -> ()
      %add3A_61 = arith.constant 128 : i32
      %add3A_62 = arith.addi %mul3A_2, %add3A_61 : i32
      "tpu.region"() ({
        %run_scoped3A = tpu.sem_alloc : memref<!tpu.dma_semaphore, #tpu.memory_space<semaphore_mem>>
        %dma_start3A = arith.constant 0 : i32
        %dma_start3A_69 = tpu.memref_slice %arg6[%add3A_62, %dma_start3A] : memref<10240x16xf32, #tpu.memory_space<vmem_shared>> -> memref<128x16xf32, #tpu.memory_space<vmem_shared>>
        %dma_start3A_70 = arith.constant 0 : i32
        %dma_start3A_71 = tpu.memref_slice %arg6[%add3A_62, %dma_start3A_70] : memref<10240x16xf32, #tpu.memory_space<vmem_shared>> -> memref<128x16xf32, #tpu.memory_space<vmem_shared>>
        tpu.enqueue_dma source(%arg5 : memref<128x16xf32, #tpu.memory_space<vmem>>) target(%dma_start3A_71 : memref<128x16xf32, #tpu.memory_space<vmem_shared>>) target_semaphore(%run_scoped3A : memref<!tpu.dma_semaphore, #tpu.memory_space<semaphore_mem>>)
        %dma_wait3A = arith.constant 0 : i32
        %dma_wait3A_72 = tpu.memref_slice %arg6[%add3A_62, %dma_wait3A] : memref<10240x16xf32, #tpu.memory_space<vmem_shared>> -> memref<128x16xf32, #tpu.memory_space<vmem_shared>>
        %dma_wait3A_73 = arith.constant 0 : i32
        %dma_wait3A_74 = tpu.memref_slice %arg6[%add3A_62, %dma_wait3A_73] : memref<10240x16xf32, #tpu.memory_space<vmem_shared>> -> memref<128x16xf32, #tpu.memory_space<vmem_shared>>
        tpu.wait_dma2 semaphore(%run_scoped3A : memref<!tpu.dma_semaphore, #tpu.memory_space<semaphore_mem>>) src(%arg5 : memref<128x16xf32, #tpu.memory_space<vmem>>) dst(%dma_wait3A_74 : memref<128x16xf32, #tpu.memory_space<vmem_shared>>)
        tpu.yield
      }) : () -> ()
      %add3A_63 = arith.constant 256 : i32
      %add3A_64 = arith.addi %mul3A_2, %add3A_63 : i32
      "tpu.region"() ({
        %run_scoped3A = tpu.sem_alloc : memref<!tpu.dma_semaphore, #tpu.memory_space<semaphore_mem>>
        %dma_start3A = arith.constant 0 : i32
        %dma_start3A_69 = tpu.memref_slice %arg6[%add3A_64, %dma_start3A] : memref<10240x16xf32, #tpu.memory_space<vmem_shared>> -> memref<128x16xf32, #tpu.memory_space<vmem_shared>>
        %dma_start3A_70 = arith.constant 0 : i32
        %dma_start3A_71 = tpu.memref_slice %arg6[%add3A_64, %dma_start3A_70] : memref<10240x16xf32, #tpu.memory_space<vmem_shared>> -> memref<128x16xf32, #tpu.memory_space<vmem_shared>>
        tpu.enqueue_dma source(%arg5 : memref<128x16xf32, #tpu.memory_space<vmem>>) target(%dma_start3A_71 : memref<128x16xf32, #tpu.memory_space<vmem_shared>>) target_semaphore(%run_scoped3A : memref<!tpu.dma_semaphore, #tpu.memory_space<semaphore_mem>>)
        %dma_wait3A = arith.constant 0 : i32
        %dma_wait3A_72 = tpu.memref_slice %arg6[%add3A_64, %dma_wait3A] : memref<10240x16xf32, #tpu.memory_space<vmem_shared>> -> memref<128x16xf32, #tpu.memory_space<vmem_shared>>
        %dma_wait3A_73 = arith.constant 0 : i32
        %dma_wait3A_74 = tpu.memref_slice %arg6[%add3A_64, %dma_wait3A_73] : memref<10240x16xf32, #tpu.memory_space<vmem_shared>> -> memref<128x16xf32, #tpu.memory_space<vmem_shared>>
        tpu.wait_dma2 semaphore(%run_scoped3A : memref<!tpu.dma_semaphore, #tpu.memory_space<semaphore_mem>>) src(%arg5 : memref<128x16xf32, #tpu.memory_space<vmem>>) dst(%dma_wait3A_74 : memref<128x16xf32, #tpu.memory_space<vmem_shared>>)
        tpu.yield
      }) : () -> ()
      %add3A_65 = arith.constant 384 : i32
      %add3A_66 = arith.addi %mul3A_2, %add3A_65 : i32
      "tpu.region"() ({
        %run_scoped3A = tpu.sem_alloc : memref<!tpu.dma_semaphore, #tpu.memory_space<semaphore_mem>>
        %dma_start3A = arith.constant 0 : i32
        %dma_start3A_69 = tpu.memref_slice %arg6[%add3A_66, %dma_start3A] : memref<10240x16xf32, #tpu.memory_space<vmem_shared>> -> memref<128x16xf32, #tpu.memory_space<vmem_shared>>
        %dma_start3A_70 = arith.constant 0 : i32
        %dma_start3A_71 = tpu.memref_slice %arg6[%add3A_66, %dma_start3A_70] : memref<10240x16xf32, #tpu.memory_space<vmem_shared>> -> memref<128x16xf32, #tpu.memory_space<vmem_shared>>
        tpu.enqueue_dma source(%arg5 : memref<128x16xf32, #tpu.memory_space<vmem>>) target(%dma_start3A_71 : memref<128x16xf32, #tpu.memory_space<vmem_shared>>) target_semaphore(%run_scoped3A : memref<!tpu.dma_semaphore, #tpu.memory_space<semaphore_mem>>)
        %dma_wait3A = arith.constant 0 : i32
        %dma_wait3A_72 = tpu.memref_slice %arg6[%add3A_66, %dma_wait3A] : memref<10240x16xf32, #tpu.memory_space<vmem_shared>> -> memref<128x16xf32, #tpu.memory_space<vmem_shared>>
        %dma_wait3A_73 = arith.constant 0 : i32
        %dma_wait3A_74 = tpu.memref_slice %arg6[%add3A_66, %dma_wait3A_73] : memref<10240x16xf32, #tpu.memory_space<vmem_shared>> -> memref<128x16xf32, #tpu.memory_space<vmem_shared>>
        tpu.wait_dma2 semaphore(%run_scoped3A : memref<!tpu.dma_semaphore, #tpu.memory_space<semaphore_mem>>) src(%arg5 : memref<128x16xf32, #tpu.memory_space<vmem>>) dst(%dma_wait3A_74 : memref<128x16xf32, #tpu.memory_space<vmem_shared>>)
        tpu.yield
      }) : () -> ()
      %add3A_67 = arith.constant 512 : i32
      %add3A_68 = arith.addi %mul3A_2, %add3A_67 : i32
      "tpu.region"() ({
        %run_scoped3A = tpu.sem_alloc : memref<!tpu.dma_semaphore, #tpu.memory_space<semaphore_mem>>
        %dma_start3A = arith.constant 0 : i32
        %dma_start3A_69 = tpu.memref_slice %arg6[%add3A_68, %dma_start3A] : memref<10240x16xf32, #tpu.memory_space<vmem_shared>> -> memref<128x16xf32, #tpu.memory_space<vmem_shared>>
        %dma_start3A_70 = arith.constant 0 : i32
        %dma_start3A_71 = tpu.memref_slice %arg6[%add3A_68, %dma_start3A_70] : memref<10240x16xf32, #tpu.memory_space<vmem_shared>> -> memref<128x16xf32, #tpu.memory_space<vmem_shared>>
        tpu.enqueue_dma source(%arg5 : memref<128x16xf32, #tpu.memory_space<vmem>>) target(%dma_start3A_71 : memref<128x16xf32, #tpu.memory_space<vmem_shared>>) target_semaphore(%run_scoped3A : memref<!tpu.dma_semaphore, #tpu.memory_space<semaphore_mem>>)
        %dma_wait3A = arith.constant 0 : i32
        %dma_wait3A_72 = tpu.memref_slice %arg6[%add3A_68, %dma_wait3A] : memref<10240x16xf32, #tpu.memory_space<vmem_shared>> -> memref<128x16xf32, #tpu.memory_space<vmem_shared>>
        %dma_wait3A_73 = arith.constant 0 : i32
        %dma_wait3A_74 = tpu.memref_slice %arg6[%add3A_68, %dma_wait3A_73] : memref<10240x16xf32, #tpu.memory_space<vmem_shared>> -> memref<128x16xf32, #tpu.memory_space<vmem_shared>>
        tpu.wait_dma2 semaphore(%run_scoped3A : memref<!tpu.dma_semaphore, #tpu.memory_space<semaphore_mem>>) src(%arg5 : memref<128x16xf32, #tpu.memory_space<vmem>>) dst(%dma_wait3A_74 : memref<128x16xf32, #tpu.memory_space<vmem_shared>>)
        tpu.yield
      }) : () -> ()
    } else {
    }
    %broadcast_in_dim3A_19 = arith.constant 1.000000e+00 : f32
    %broadcast_in_dim3A_20 = vector.broadcast %broadcast_in_dim3A_19 : f32 to vector<16xf32>
    %scan3A_21 = arith.constant 0 : i32
    %scan3A_22 = arith.constant 0 : i32
    %scan3A_23 = arith.constant 128 : i32
    %scan3A_24 = arith.addi %scan3A_22, %scan3A_23 : i32
    %scan3A_25 = arith.constant 1 : i32
    scf.for %scan3A_59 = %scan3A_22 to %scan3A_24 step %scan3A_25  : i32 {
      %jit3A_60 = arith.constant 1 : i32
      %div3A = arith.divsi %scan3A_59, %jit3A_60 : i32
      %sign3A = arith.constant 0 : i32
      %sign3A_61 = arith.cmpi sgt, %scan3A_59, %sign3A : i32
      %sign3A_62 = arith.extui %sign3A_61 : i1 to i32
      %sign3A_63 = arith.constant 0 : i32
      %sign3A_64 = arith.cmpi slt, %scan3A_59, %sign3A_63 : i32
      %sign3A_65 = arith.extui %sign3A_64 : i1 to i32
      %sign3A_66 = arith.subi %sign3A_62, %sign3A_65 : i32
      %sign3A_67 = arith.constant 0 : i32
      %sign3A_68 = arith.cmpi sgt, %jit3A_60, %sign3A_67 : i32
      %sign3A_69 = arith.extui %sign3A_68 : i1 to i32
      %sign3A_70 = arith.constant 0 : i32
      %sign3A_71 = arith.cmpi slt, %jit3A_60, %sign3A_70 : i32
      %sign3A_72 = arith.extui %sign3A_71 : i1 to i32
      %sign3A_73 = arith.subi %sign3A_69, %sign3A_72 : i32
      %ne3A_74 = arith.cmpi ne, %sign3A_66, %sign3A_73 : i32
      %rem3A = arith.remsi %scan3A_59, %jit3A_60 : i32
      %ne3A_75 = arith.constant 0 : i32
      %ne3A_76 = arith.cmpi ne, %rem3A, %ne3A_75 : i32
      %and3A = arith.andi %ne3A_74, %ne3A_76 : i1
      %sub3A_77 = arith.constant 1 : i32
      %sub3A_78 = arith.subi %div3A, %sub3A_77 : i32
      %select_n3A_79 = arith.select %and3A, %sub3A_78, %div3A : i32
      %jit3A_80 = arith.constant 1 : i32
      %eq3A_81 = arith.constant 0 : i32
      %eq3A_82 = arith.cmpi eq, %jit3A_80, %eq3A_81 : i32
      %jit3A_83 = arith.constant 1 : i32
      %select_n3A_84 = arith.select %eq3A_82, %jit3A_83, %jit3A_80 : i32
      %rem3A_85 = arith.remsi %scan3A_59, %select_n3A_84 : i32
      %ne3A_86 = arith.constant 0 : i32
      %ne3A_87 = arith.cmpi ne, %rem3A_85, %ne3A_86 : i32
      %lt3A_88 = arith.constant 0 : i32
      %lt3A_89 = arith.cmpi slt, %rem3A_85, %lt3A_88 : i32
      %lt3A_90 = arith.constant 0 : i32
      %lt3A_91 = arith.cmpi slt, %select_n3A_84, %lt3A_90 : i32
      %ne3A_92 = arith.xori %lt3A_89, %lt3A_91 : i1
      %and3A_93 = arith.andi %ne3A_92, %ne3A_87 : i1
      %add3A_94 = arith.addi %rem3A_85, %select_n3A_84 : i32
      %select_n3A_95 = arith.select %and3A_93, %add3A_94, %rem3A_85 : i32
      %mul3A_96 = arith.constant 16 : i32
      %mul3A_97 = arith.muli %select_n3A_95, %mul3A_96 : i32
      %swap3A = arith.index_cast %select_n3A_79 : i32 to index
      %swap3A_98 = arith.index_cast %mul3A_97 : i32 to index
      %swap3A_99 = tpu.vector_load %arg5[%swap3A, %swap3A_98] {strides = array<i32>} : memref<128x16xf32, #tpu.memory_space<vmem>>, vector<1x16xf32>,
      %swap3A_100 = vector.shape_cast %swap3A_99 : vector<1x16xf32> to vector<16xf32>
      %swap3A_101 = vector.shape_cast %broadcast_in_dim3A_20 : vector<16xf32> to vector<1x16xf32>
      tpu.vector_store %arg5[%swap3A, %swap3A_98], %swap3A_101 {strides = array<i32>} : memref<128x16xf32, #tpu.memory_space<vmem>>, vector<1x16xf32>,
    }
    %scan3A_26 = arith.constant 128 : i32
    %eq3A_27 = arith.constant 0 : i32
    %eq3A_28 = arith.cmpi eq, %arg0, %eq3A_27 : i32
    %convert_element_type3A_29 = arith.extui %eq3A_28 : i1 to i32
    %cond3A_30 = arith.constant 0 : i32
    %cond3A_31 = arith.cmpi ne, %convert_element_type3A_29, %cond3A_30 : i32
    scf.if %cond3A_31 {
      %add3A_59 = arith.constant 0 : i32
      %add3A_60 = arith.addi %mul3A_2, %add3A_59 : i32
      "tpu.region"() ({
        %run_scoped3A = tpu.sem_alloc : memref<!tpu.dma_semaphore, #tpu.memory_space<semaphore_mem>>
        %dma_start3A = arith.constant 0 : i32
        %dma_start3A_69 = tpu.memref_slice %arg6[%add3A_60, %dma_start3A] : memref<10240x16xf32, #tpu.memory_space<vmem_shared>> -> memref<128x16xf32, #tpu.memory_space<vmem_shared>>
        %dma_start3A_70 = arith.constant 0 : i32
        %dma_start3A_71 = tpu.memref_slice %arg6[%add3A_60, %dma_start3A_70] : memref<10240x16xf32, #tpu.memory_space<vmem_shared>> -> memref<128x16xf32, #tpu.memory_space<vmem_shared>>
        tpu.enqueue_dma source(%arg5 : memref<128x16xf32, #tpu.memory_space<vmem>>) target(%dma_start3A_71 : memref<128x16xf32, #tpu.memory_space<vmem_shared>>) target_semaphore(%run_scoped3A : memref<!tpu.dma_semaphore, #tpu.memory_space<semaphore_mem>>)
        %dma_wait3A = arith.constant 0 : i32
        %dma_wait3A_72 = tpu.memref_slice %arg6[%add3A_60, %dma_wait3A] : memref<10240x16xf32, #tpu.memory_space<vmem_shared>> -> memref<128x16xf32, #tpu.memory_space<vmem_shared>>
        %dma_wait3A_73 = arith.constant 0 : i32
        %dma_wait3A_74 = tpu.memref_slice %arg6[%add3A_60, %dma_wait3A_73] : memref<10240x16xf32, #tpu.memory_space<vmem_shared>> -> memref<128x16xf32, #tpu.memory_space<vmem_shared>>
        tpu.wait_dma2 semaphore(%run_scoped3A : memref<!tpu.dma_semaphore, #tpu.memory_space<semaphore_mem>>) src(%arg5 : memref<128x16xf32, #tpu.memory_space<vmem>>) dst(%dma_wait3A_74 : memref<128x16xf32, #tpu.memory_space<vmem_shared>>)
        tpu.yield
      }) : () -> ()
      %add3A_61 = arith.constant 128 : i32
      %add3A_62 = arith.addi %mul3A_2, %add3A_61 : i32
      "tpu.region"() ({
        %run_scoped3A = tpu.sem_alloc : memref<!tpu.dma_semaphore, #tpu.memory_space<semaphore_mem>>
        %dma_start3A = arith.constant 0 : i32
        %dma_start3A_69 = tpu.memref_slice %arg6[%add3A_62, %dma_start3A] : memref<10240x16xf32, #tpu.memory_space<vmem_shared>> -> memref<128x16xf32, #tpu.memory_space<vmem_shared>>
        %dma_start3A_70 = arith.constant 0 : i32
        %dma_start3A_71 = tpu.memref_slice %arg6[%add3A_62, %dma_start3A_70] : memref<10240x16xf32, #tpu.memory_space<vmem_shared>> -> memref<128x16xf32, #tpu.memory_space<vmem_shared>>
        tpu.enqueue_dma source(%arg5 : memref<128x16xf32, #tpu.memory_space<vmem>>) target(%dma_start3A_71 : memref<128x16xf32, #tpu.memory_space<vmem_shared>>) target_semaphore(%run_scoped3A : memref<!tpu.dma_semaphore, #tpu.memory_space<semaphore_mem>>)
        %dma_wait3A = arith.constant 0 : i32
        %dma_wait3A_72 = tpu.memref_slice %arg6[%add3A_62, %dma_wait3A] : memref<10240x16xf32, #tpu.memory_space<vmem_shared>> -> memref<128x16xf32, #tpu.memory_space<vmem_shared>>
        %dma_wait3A_73 = arith.constant 0 : i32
        %dma_wait3A_74 = tpu.memref_slice %arg6[%add3A_62, %dma_wait3A_73] : memref<10240x16xf32, #tpu.memory_space<vmem_shared>> -> memref<128x16xf32, #tpu.memory_space<vmem_shared>>
        tpu.wait_dma2 semaphore(%run_scoped3A : memref<!tpu.dma_semaphore, #tpu.memory_space<semaphore_mem>>) src(%arg5 : memref<128x16xf32, #tpu.memory_space<vmem>>) dst(%dma_wait3A_74 : memref<128x16xf32, #tpu.memory_space<vmem_shared>>)
        tpu.yield
      }) : () -> ()
      %add3A_63 = arith.constant 256 : i32
      %add3A_64 = arith.addi %mul3A_2, %add3A_63 : i32
      "tpu.region"() ({
        %run_scoped3A = tpu.sem_alloc : memref<!tpu.dma_semaphore, #tpu.memory_space<semaphore_mem>>
        %dma_start3A = arith.constant 0 : i32
        %dma_start3A_69 = tpu.memref_slice %arg6[%add3A_64, %dma_start3A] : memref<10240x16xf32, #tpu.memory_space<vmem_shared>> -> memref<128x16xf32, #tpu.memory_space<vmem_shared>>
        %dma_start3A_70 = arith.constant 0 : i32
        %dma_start3A_71 = tpu.memref_slice %arg6[%add3A_64, %dma_start3A_70] : memref<10240x16xf32, #tpu.memory_space<vmem_shared>> -> memref<128x16xf32, #tpu.memory_space<vmem_shared>>
        tpu.enqueue_dma source(%arg5 : memref<128x16xf32, #tpu.memory_space<vmem>>) target(%dma_start3A_71 : memref<128x16xf32, #tpu.memory_space<vmem_shared>>) target_semaphore(%run_scoped3A : memref<!tpu.dma_semaphore, #tpu.memory_space<semaphore_mem>>)
        %dma_wait3A = arith.constant 0 : i32
        %dma_wait3A_72 = tpu.memref_slice %arg6[%add3A_64, %dma_wait3A] : memref<10240x16xf32, #tpu.memory_space<vmem_shared>> -> memref<128x16xf32, #tpu.memory_space<vmem_shared>>
        %dma_wait3A_73 = arith.constant 0 : i32
        %dma_wait3A_74 = tpu.memref_slice %arg6[%add3A_64, %dma_wait3A_73] : memref<10240x16xf32, #tpu.memory_space<vmem_shared>> -> memref<128x16xf32, #tpu.memory_space<vmem_shared>>
        tpu.wait_dma2 semaphore(%run_scoped3A : memref<!tpu.dma_semaphore, #tpu.memory_space<semaphore_mem>>) src(%arg5 : memref<128x16xf32, #tpu.memory_space<vmem>>) dst(%dma_wait3A_74 : memref<128x16xf32, #tpu.memory_space<vmem_shared>>)
        tpu.yield
      }) : () -> ()
      %add3A_65 = arith.constant 384 : i32
      %add3A_66 = arith.addi %mul3A_2, %add3A_65 : i32
      "tpu.region"() ({
        %run_scoped3A = tpu.sem_alloc : memref<!tpu.dma_semaphore, #tpu.memory_space<semaphore_mem>>
        %dma_start3A = arith.constant 0 : i32
        %dma_start3A_69 = tpu.memref_slice %arg6[%add3A_66, %dma_start3A] : memref<10240x16xf32, #tpu.memory_space<vmem_shared>> -> memref<128x16xf32, #tpu.memory_space<vmem_shared>>
        %dma_start3A_70 = arith.constant 0 : i32
        %dma_start3A_71 = tpu.memref_slice %arg6[%add3A_66, %dma_start3A_70] : memref<10240x16xf32, #tpu.memory_space<vmem_shared>> -> memref<128x16xf32, #tpu.memory_space<vmem_shared>>
        tpu.enqueue_dma source(%arg5 : memref<128x16xf32, #tpu.memory_space<vmem>>) target(%dma_start3A_71 : memref<128x16xf32, #tpu.memory_space<vmem_shared>>) target_semaphore(%run_scoped3A : memref<!tpu.dma_semaphore, #tpu.memory_space<semaphore_mem>>)
        %dma_wait3A = arith.constant 0 : i32
        %dma_wait3A_72 = tpu.memref_slice %arg6[%add3A_66, %dma_wait3A] : memref<10240x16xf32, #tpu.memory_space<vmem_shared>> -> memref<128x16xf32, #tpu.memory_space<vmem_shared>>
        %dma_wait3A_73 = arith.constant 0 : i32
        %dma_wait3A_74 = tpu.memref_slice %arg6[%add3A_66, %dma_wait3A_73] : memref<10240x16xf32, #tpu.memory_space<vmem_shared>> -> memref<128x16xf32, #tpu.memory_space<vmem_shared>>
        tpu.wait_dma2 semaphore(%run_scoped3A : memref<!tpu.dma_semaphore, #tpu.memory_space<semaphore_mem>>) src(%arg5 : memref<128x16xf32, #tpu.memory_space<vmem>>) dst(%dma_wait3A_74 : memref<128x16xf32, #tpu.memory_space<vmem_shared>>)
        tpu.yield
      }) : () -> ()
      %add3A_67 = arith.constant 512 : i32
      %add3A_68 = arith.addi %mul3A_2, %add3A_67 : i32
      "tpu.region"() ({
        %run_scoped3A = tpu.sem_alloc : memref<!tpu.dma_semaphore, #tpu.memory_space<semaphore_mem>>
        %dma_start3A = arith.constant 0 : i32
        %dma_start3A_69 = tpu.memref_slice %arg6[%add3A_68, %dma_start3A] : memref<10240x16xf32, #tpu.memory_space<vmem_shared>> -> memref<128x16xf32, #tpu.memory_space<vmem_shared>>
        %dma_start3A_70 = arith.constant 0 : i32
        %dma_start3A_71 = tpu.memref_slice %arg6[%add3A_68, %dma_start3A_70] : memref<10240x16xf32, #tpu.memory_space<vmem_shared>> -> memref<128x16xf32, #tpu.memory_space<vmem_shared>>
        tpu.enqueue_dma source(%arg5 : memref<128x16xf32, #tpu.memory_space<vmem>>) target(%dma_start3A_71 : memref<128x16xf32, #tpu.memory_space<vmem_shared>>) target_semaphore(%run_scoped3A : memref<!tpu.dma_semaphore, #tpu.memory_space<semaphore_mem>>)
        %dma_wait3A = arith.constant 0 : i32
        %dma_wait3A_72 = tpu.memref_slice %arg6[%add3A_68, %dma_wait3A] : memref<10240x16xf32, #tpu.memory_space<vmem_shared>> -> memref<128x16xf32, #tpu.memory_space<vmem_shared>>
        %dma_wait3A_73 = arith.constant 0 : i32
        %dma_wait3A_74 = tpu.memref_slice %arg6[%add3A_68, %dma_wait3A_73] : memref<10240x16xf32, #tpu.memory_space<vmem_shared>> -> memref<128x16xf32, #tpu.memory_space<vmem_shared>>
        tpu.wait_dma2 semaphore(%run_scoped3A : memref<!tpu.dma_semaphore, #tpu.memory_space<semaphore_mem>>) src(%arg5 : memref<128x16xf32, #tpu.memory_space<vmem>>) dst(%dma_wait3A_74 : memref<128x16xf32, #tpu.memory_space<vmem_shared>>)
        tpu.yield
      }) : () -> ()
    } else {
    }
    %barrier3A = arith.constant 0 : index
    tpu.barrier barrier_id(%barrier3A)
    %eq3A_32 = arith.constant 31 : i32
    %eq3A_33 = arith.cmpi eq, %add3A, %eq3A_32 : i32
    %jit3A = arith.constant 20 : i32
    %jit3A_34 = arith.constant 80 : i32
    %select_n3A = arith.select %eq3A_33, %jit3A, %jit3A_34 : i32
    %while3A = arith.constant 0 : i32
    %while3A_35 = arith.constant 0 : i32
    %while3A_36 = arith.subi %select_n3A, %while3A_35 : i32
    %while3A_37 = arith.addi %while3A_35, %while3A_36 : i32
    %while3A_38 = arith.constant 1 : i32
    %while3A_39 = arith.divsi %while3A_36, %while3A_38 : i32
    %while3A_40 = arith.muli %while3A_39, %while3A_38 : i32
    %while3A_41 = arith.addi %while3A_35, %while3A_40 : i32
    %while3A_42 = arith.constant 1 : i32
    scf.for %while3A_59 = %while3A_35 to %while3A_41 step %while3A_42  : i32 {
      %ge3A = arith.constant 8 : i32
      %ge3A_60 = arith.cmpi sge, %while3A_59, %ge3A : i32
      %convert_element_type3A_61 = arith.extui %ge3A_60 : i1 to i32
      %cond3A_62 = arith.constant 0 : i32
      %cond3A_63 = arith.cmpi ne, %convert_element_type3A_61, %cond3A_62 : i32
      scf.if %cond3A_63 {
        %sub3A_69 = arith.constant 8 : i32
        %sub3A_70 = arith.subi %while3A_59, %sub3A_69 : i32
        %dma_wait3A = arith.constant 0 : i32
        %dma_wait3A_71 = tpu.memref_slice %arg4[%sub3A_70, %dma_wait3A] : memref<80x128xi32, #tpu.memory_space<vmem>> -> memref<1x128xi32, #tpu.memory_space<vmem>>
        %dma_wait3A_72 = tpu.memref_squeeze %dma_wait3A_71 : memref<1x128xi32, #tpu.memory_space<vmem>> -> memref<128xi32, #tpu.memory_space<vmem>>
        %dma_wait3A_73 = arith.constant 0 : i32
        %dma_wait3A_74 = arith.constant 0 : i32
        %dma_wait3A_75 = tpu.memref_slice %arg6[%dma_wait3A_73, %dma_wait3A_74] : memref<10240x16xf32, #tpu.memory_space<vmem_shared>> -> memref<10240x16xf32, #tpu.memory_space<vmem_shared>>
        tpu.wait_indirect_dma semaphore(%arg7 : memref<!tpu.dma_semaphore, #tpu.memory_space<semaphore_mem>>) src(%arg5 : memref<128x16xf32, #tpu.memory_space<vmem>>) dst(%dma_wait3A_75 : memref<10240x16xf32, #tpu.memory_space<vmem_shared>>)
      } else {
      }
      %dma_start3A = arith.constant 0 : i32
      %dma_start3A_64 = tpu.memref_slice %arg4[%while3A_59, %dma_start3A] : memref<80x128xi32, #tpu.memory_space<vmem>> -> memref<1x128xi32, #tpu.memory_space<vmem>>
      %dma_start3A_65 = tpu.memref_squeeze %dma_start3A_64 : memref<1x128xi32, #tpu.memory_space<vmem>> -> memref<128xi32, #tpu.memory_space<vmem>>
      %dma_start3A_66 = arith.constant 0 : i32
      %dma_start3A_67 = arith.constant 0 : i32
      %dma_start3A_68 = tpu.memref_slice %arg6[%dma_start3A_66, %dma_start3A_67] : memref<10240x16xf32, #tpu.memory_space<vmem_shared>> -> memref<10240x16xf32, #tpu.memory_space<vmem_shared>>
      tpu.enqueue_indirect_dma source(%arg5 : memref<128x16xf32, #tpu.memory_space<vmem>>) target(%dma_start3A_68 : memref<10240x16xf32, #tpu.memory_space<vmem_shared>>) offsets(%dma_start3A_65 : memref<128xi32, #tpu.memory_space<vmem>>) semaphore(%arg7 : memref<!tpu.dma_semaphore, #tpu.memory_space<semaphore_mem>>) {add = true}
    }
    %while3A_43 = arith.constant 1 : i32
    scf.for %while3A_59 = %while3A_41 to %while3A_37 step %while3A_43  : i32 {
      %ge3A = arith.constant 8 : i32
      %ge3A_60 = arith.cmpi sge, %while3A_59, %ge3A : i32
      %convert_element_type3A_61 = arith.extui %ge3A_60 : i1 to i32
      %cond3A_62 = arith.constant 0 : i32
      %cond3A_63 = arith.cmpi ne, %convert_element_type3A_61, %cond3A_62 : i32
      scf.if %cond3A_63 {
        %sub3A_69 = arith.constant 8 : i32
        %sub3A_70 = arith.subi %while3A_59, %sub3A_69 : i32
        %dma_wait3A = arith.constant 0 : i32
        %dma_wait3A_71 = tpu.memref_slice %arg4[%sub3A_70, %dma_wait3A] : memref<80x128xi32, #tpu.memory_space<vmem>> -> memref<1x128xi32, #tpu.memory_space<vmem>>
        %dma_wait3A_72 = tpu.memref_squeeze %dma_wait3A_71 : memref<1x128xi32, #tpu.memory_space<vmem>> -> memref<128xi32, #tpu.memory_space<vmem>>
        %dma_wait3A_73 = arith.constant 0 : i32
        %dma_wait3A_74 = arith.constant 0 : i32
        %dma_wait3A_75 = tpu.memref_slice %arg6[%dma_wait3A_73, %dma_wait3A_74] : memref<10240x16xf32, #tpu.memory_space<vmem_shared>> -> memref<10240x16xf32, #tpu.memory_space<vmem_shared>>
        tpu.wait_indirect_dma semaphore(%arg7 : memref<!tpu.dma_semaphore, #tpu.memory_space<semaphore_mem>>) src(%arg5 : memref<128x16xf32, #tpu.memory_space<vmem>>) dst(%dma_wait3A_75 : memref<10240x16xf32, #tpu.memory_space<vmem_shared>>)
      } else {
      }
      %dma_start3A = arith.constant 0 : i32
      %dma_start3A_64 = tpu.memref_slice %arg4[%while3A_59, %dma_start3A] : memref<80x128xi32, #tpu.memory_space<vmem>> -> memref<1x128xi32, #tpu.memory_space<vmem>>
      %dma_start3A_65 = tpu.memref_squeeze %dma_start3A_64 : memref<1x128xi32, #tpu.memory_space<vmem>> -> memref<128xi32, #tpu.memory_space<vmem>>
      %dma_start3A_66 = arith.constant 0 : i32
      %dma_start3A_67 = arith.constant 0 : i32
      %dma_start3A_68 = tpu.memref_slice %arg6[%dma_start3A_66, %dma_start3A_67] : memref<10240x16xf32, #tpu.memory_space<vmem_shared>> -> memref<10240x16xf32, #tpu.memory_space<vmem_shared>>
      tpu.enqueue_indirect_dma source(%arg5 : memref<128x16xf32, #tpu.memory_space<vmem>>) target(%dma_start3A_68 : memref<10240x16xf32, #tpu.memory_space<vmem_shared>>) offsets(%dma_start3A_65 : memref<128xi32, #tpu.memory_space<vmem>>) semaphore(%arg7 : memref<!tpu.dma_semaphore, #tpu.memory_space<semaphore_mem>>) {add = true}
    }
    %sub3A = arith.constant 8 : i32
    %sub3A_44 = arith.subi %select_n3A, %sub3A : i32
    %max3A = arith.constant 0 : i32
    %max3A_45 = arith.maxsi %sub3A_44, %max3A : i32
    %while3A_46 = arith.constant 0 : i32
    %while3A_47 = arith.subi %select_n3A, %max3A_45 : i32
    %while3A_48 = arith.addi %max3A_45, %while3A_47 : i32
    %while3A_49 = arith.constant 1 : i32
    %while3A_50 = arith.divsi %while3A_47, %while3A_49 : i32
    %while3A_51 = arith.muli %while3A_50, %while3A_49 : i32
    %while3A_52 = arith.addi %max3A_45, %while3A_51 : i32
    %while3A_53 = arith.constant 1 : i32
    scf.for %while3A_59 = %max3A_45 to %while3A_52 step %while3A_53  : i32 {
      %dma_wait3A = arith.constant 0 : i32
      %dma_wait3A_60 = tpu.memref_slice %arg4[%while3A_59, %dma_wait3A] : memref<80x128xi32, #tpu.memory_space<vmem>> -> memref<1x128xi32, #tpu.memory_space<vmem>>
      %dma_wait3A_61 = tpu.memref_squeeze %dma_wait3A_60 : memref<1x128xi32, #tpu.memory_space<vmem>> -> memref<128xi32, #tpu.memory_space<vmem>>
      %dma_wait3A_62 = arith.constant 0 : i32
      %dma_wait3A_63 = arith.constant 0 : i32
      %dma_wait3A_64 = tpu.memref_slice %arg6[%dma_wait3A_62, %dma_wait3A_63] : memref<10240x16xf32, #tpu.memory_space<vmem_shared>> -> memref<10240x16xf32, #tpu.memory_space<vmem_shared>>
      tpu.wait_indirect_dma semaphore(%arg7 : memref<!tpu.dma_semaphore, #tpu.memory_space<semaphore_mem>>) src(%arg5 : memref<128x16xf32, #tpu.memory_space<vmem>>) dst(%dma_wait3A_64 : memref<10240x16xf32, #tpu.memory_space<vmem_shared>>)
    }
    %while3A_54 = arith.constant 1 : i32
    scf.for %while3A_59 = %while3A_52 to %while3A_48 step %while3A_54  : i32 {
      %dma_wait3A = arith.constant 0 : i32
      %dma_wait3A_60 = tpu.memref_slice %arg4[%while3A_59, %dma_wait3A] : memref<80x128xi32, #tpu.memory_space<vmem>> -> memref<1x128xi32, #tpu.memory_space<vmem>>
      %dma_wait3A_61 = tpu.memref_squeeze %dma_wait3A_60 : memref<1x128xi32, #tpu.memory_space<vmem>> -> memref<128xi32, #tpu.memory_space<vmem>>
      %dma_wait3A_62 = arith.constant 0 : i32
      %dma_wait3A_63 = arith.constant 0 : i32
      %dma_wait3A_64 = tpu.memref_slice %arg6[%dma_wait3A_62, %dma_wait3A_63] : memref<10240x16xf32, #tpu.memory_space<vmem_shared>> -> memref<10240x16xf32, #tpu.memory_space<vmem_shared>>
      tpu.wait_indirect_dma semaphore(%arg7 : memref<!tpu.dma_semaphore, #tpu.memory_space<semaphore_mem>>) src(%arg5 : memref<128x16xf32, #tpu.memory_space<vmem>>) dst(%dma_wait3A_64 : memref<10240x16xf32, #tpu.memory_space<vmem_shared>>)
    }
    %barrier3A_55 = arith.constant 0 : index
    tpu.barrier barrier_id(%barrier3A_55)
    %mul3A_56 = arith.constant 10240 : i32
    %mul3A_57 = arith.muli %arg0, %mul3A_56 : i32
    %add3A_58 = arith.addi %mul3A_57, %mul3A_2 : i32
    "tpu.region"() ({
      %run_scoped3A = tpu.sem_alloc : memref<!tpu.dma_semaphore, #tpu.memory_space<semaphore_mem>>
      %dma_start3A = arith.constant 0 : i32
      %dma_start3A_59 = tpu.memref_slice %arg3[%add3A_58, %dma_start3A] : memref<20480x16xf32, #tpu.memory_space<hbm>> -> memref<640x16xf32, #tpu.memory_space<hbm>>
      %dma_start3A_60 = arith.constant 0 : i32
      %dma_start3A_61 = tpu.memref_slice %arg6[%mul3A_2, %dma_start3A_60] : memref<10240x16xf32, #tpu.memory_space<vmem_shared>> -> memref<640x16xf32, #tpu.memory_space<vmem_shared>>
      tpu.enqueue_dma source(%dma_start3A_61 : memref<640x16xf32, #tpu.memory_space<vmem_shared>>) target(%dma_start3A_59 : memref<640x16xf32, #tpu.memory_space<hbm>>) target_semaphore(%run_scoped3A : memref<!tpu.dma_semaphore, #tpu.memory_space<semaphore_mem>>)
      %dma_wait3A = arith.constant 0 : i32
      %dma_wait3A_62 = tpu.memref_slice %arg3[%add3A_58, %dma_wait3A] : memref<20480x16xf32, #tpu.memory_space<hbm>> -> memref<640x16xf32, #tpu.memory_space<hbm>>
      %dma_wait3A_63 = arith.constant 0 : i32
      %dma_wait3A_64 = tpu.memref_slice %arg6[%mul3A_2, %dma_wait3A_63] : memref<10240x16xf32, #tpu.memory_space<vmem_shared>> -> memref<640x16xf32, #tpu.memory_space<vmem_shared>>
      tpu.wait_dma2 semaphore(%run_scoped3A : memref<!tpu.dma_semaphore, #tpu.memory_space<semaphore_mem>>) src(%dma_wait3A_64 : memref<640x16xf32, #tpu.memory_space<vmem_shared>>) dst(%dma_wait3A_62 : memref<640x16xf32, #tpu.memory_space<hbm>>)
      tpu.yield
    }) : () -> ()
    return
  }
}

#map = affine_map<(d0, d1) -> (0, 0, 0)>
#map1 = affine_map<(d0, d1) -> (0, 0)>
module attributes {stable_mosaic.version = 14 : i64} {
  func.func @_seg(%arg0: i32, %arg1: i32, %arg2: memref<2x2500x128xi32, #tpu.memory_space<hbm>>, %arg3: memref<10240x64xf32, #tpu.memory_space<hbm>>, %arg4: memref<20480x64xf32, #tpu.memory_space<hbm>>, %arg5: memref<80x128xi32, #tpu.memory_space<vmem>>, %arg6: memref<80x128xi32, #tpu.memory_space<vmem>>, %arg7: memref<2x128x64xf32, #tpu.memory_space<vmem>>, %arg8: memref<10240x64xf32, #tpu.memory_space<vmem_shared>>, %arg9: memref<8x64xf32, #tpu.memory_space<vmem_shared>>, %arg10: memref<2x!tpu.dma_semaphore, #tpu.memory_space<semaphore_mem>>) attributes {dimension_semantics = [#tpu.dimension_semantics<core_parallel>, #tpu.dimension_semantics<subcore_parallel>], iteration_bounds = array<i64: 2, 16>, scalar_prefetch = 0 : i64, scratch_operands = 6 : i64, tpu.core_type = #tpu.core_type<sc_vector_subcore>, window_params = [{transform_indices = #map}, {transform_indices = #map1}, {transform_indices = #map1}]} {
    %mul3A = arith.constant 2 : i32
    %mul3A_0 = arith.muli %arg1, %mul3A : i32
    %add3A = arith.addi %mul3A_0, %arg0 : i32
    %mul3A_1 = arith.constant 640 : i32
    %mul3A_2 = arith.muli %arg1, %mul3A_1 : i32
    %lt3A = arith.constant 31 : i32
    %lt3A_3 = arith.cmpi slt, %add3A, %lt3A : i32
    %convert_element_type3A = arith.extui %lt3A_3 : i1 to i32
    %cond3A = arith.constant 0 : i32
    %cond3A_4 = arith.cmpi ne, %convert_element_type3A, %cond3A : i32
    scf.if %cond3A_4 {
      %mul3A_58 = arith.constant 80 : i32
      %mul3A_59 = arith.muli %add3A, %mul3A_58 : i32
      %run_scoped3A = arith.constant 0 : i32
      "tpu.region"() ({
        %run_scoped3A_60 = tpu.sem_alloc : memref<!tpu.dma_semaphore, #tpu.memory_space<semaphore_mem>>
        %dma_start3A_61 = arith.constant 0 : i32
        %dma_start3A_62 = tpu.memref_slice %arg2[%run_scoped3A, %mul3A_59, %dma_start3A_61] : memref<2x2500x128xi32, #tpu.memory_space<hbm>> -> memref<1x80x128xi32, #tpu.memory_space<hbm>>
        %dma_start3A_63 = tpu.memref_squeeze %dma_start3A_62 : memref<1x80x128xi32, #tpu.memory_space<hbm>> -> memref<80x128xi32, #tpu.memory_space<hbm>>
        %dma_start3A_64 = arith.constant 0 : i32
        %dma_start3A_65 = tpu.memref_slice %arg2[%run_scoped3A, %mul3A_59, %dma_start3A_64] : memref<2x2500x128xi32, #tpu.memory_space<hbm>> -> memref<1x80x128xi32, #tpu.memory_space<hbm>>
        %dma_start3A_66 = tpu.memref_squeeze %dma_start3A_65 : memref<1x80x128xi32, #tpu.memory_space<hbm>> -> memref<80x128xi32, #tpu.memory_space<hbm>>
        tpu.enqueue_dma source(%dma_start3A_66 : memref<80x128xi32, #tpu.memory_space<hbm>>) target(%arg5 : memref<80x128xi32, #tpu.memory_space<vmem>>) target_semaphore(%run_scoped3A_60 : memref<!tpu.dma_semaphore, #tpu.memory_space<semaphore_mem>>)
        %dma_wait3A = arith.constant 0 : i32
        %dma_wait3A_67 = tpu.memref_slice %arg2[%run_scoped3A, %mul3A_59, %dma_wait3A] : memref<2x2500x128xi32, #tpu.memory_space<hbm>> -> memref<1x80x128xi32, #tpu.memory_space<hbm>>
        %dma_wait3A_68 = tpu.memref_squeeze %dma_wait3A_67 : memref<1x80x128xi32, #tpu.memory_space<hbm>> -> memref<80x128xi32, #tpu.memory_space<hbm>>
        %dma_wait3A_69 = arith.constant 0 : i32
        %dma_wait3A_70 = tpu.memref_slice %arg2[%run_scoped3A, %mul3A_59, %dma_wait3A_69] : memref<2x2500x128xi32, #tpu.memory_space<hbm>> -> memref<1x80x128xi32, #tpu.memory_space<hbm>>
        %dma_wait3A_71 = tpu.memref_squeeze %dma_wait3A_70 : memref<1x80x128xi32, #tpu.memory_space<hbm>> -> memref<80x128xi32, #tpu.memory_space<hbm>>
        tpu.wait_dma2 semaphore(%run_scoped3A_60 : memref<!tpu.dma_semaphore, #tpu.memory_space<semaphore_mem>>) src(%dma_wait3A_71 : memref<80x128xi32, #tpu.memory_space<hbm>>) dst(%arg5 : memref<80x128xi32, #tpu.memory_space<vmem>>)
        tpu.yield
      }) : () -> ()
    } else {
    }
    %eq3A = arith.constant 31 : i32
    %eq3A_5 = arith.cmpi eq, %add3A, %eq3A : i32
    %convert_element_type3A_6 = arith.extui %eq3A_5 : i1 to i32
    %cond3A_7 = arith.constant 0 : i32
    %cond3A_8 = arith.cmpi ne, %convert_element_type3A_6, %cond3A_7 : i32
    scf.if %cond3A_8 {
      %run_scoped3A = arith.constant 0 : i32
      "tpu.region"() ({
        %run_scoped3A_58 = tpu.sem_alloc : memref<!tpu.dma_semaphore, #tpu.memory_space<semaphore_mem>>
        %dma_start3A_59 = arith.constant 0 : i32
        %dma_start3A_60 = arith.constant 0 : i32
        %dma_start3A_61 = tpu.memref_slice %arg5[%dma_start3A_59, %dma_start3A_60] : memref<80x128xi32, #tpu.memory_space<vmem>> -> memref<20x128xi32, #tpu.memory_space<vmem>>
        %dma_start3A_62 = arith.constant 2480 : i32
        %dma_start3A_63 = arith.constant 0 : i32
        %dma_start3A_64 = tpu.memref_slice %arg2[%run_scoped3A, %dma_start3A_62, %dma_start3A_63] : memref<2x2500x128xi32, #tpu.memory_space<hbm>> -> memref<1x20x128xi32, #tpu.memory_space<hbm>>
        %dma_start3A_65 = tpu.memref_squeeze %dma_start3A_64 : memref<1x20x128xi32, #tpu.memory_space<hbm>> -> memref<20x128xi32, #tpu.memory_space<hbm>>
        %dma_start3A_66 = arith.constant 0 : i32
        %dma_start3A_67 = arith.constant 0 : i32
        %dma_start3A_68 = tpu.memref_slice %arg5[%dma_start3A_66, %dma_start3A_67] : memref<80x128xi32, #tpu.memory_space<vmem>> -> memref<20x128xi32, #tpu.memory_space<vmem>>
        %dma_start3A_69 = arith.constant 2480 : i32
        %dma_start3A_70 = arith.constant 0 : i32
        %dma_start3A_71 = tpu.memref_slice %arg2[%run_scoped3A, %dma_start3A_69, %dma_start3A_70] : memref<2x2500x128xi32, #tpu.memory_space<hbm>> -> memref<1x20x128xi32, #tpu.memory_space<hbm>>
        %dma_start3A_72 = tpu.memref_squeeze %dma_start3A_71 : memref<1x20x128xi32, #tpu.memory_space<hbm>> -> memref<20x128xi32, #tpu.memory_space<hbm>>
        tpu.enqueue_dma source(%dma_start3A_72 : memref<20x128xi32, #tpu.memory_space<hbm>>) target(%dma_start3A_68 : memref<20x128xi32, #tpu.memory_space<vmem>>) target_semaphore(%run_scoped3A_58 : memref<!tpu.dma_semaphore, #tpu.memory_space<semaphore_mem>>)
        %dma_wait3A = arith.constant 0 : i32
        %dma_wait3A_73 = arith.constant 0 : i32
        %dma_wait3A_74 = tpu.memref_slice %arg5[%dma_wait3A, %dma_wait3A_73] : memref<80x128xi32, #tpu.memory_space<vmem>> -> memref<20x128xi32, #tpu.memory_space<vmem>>
        %dma_wait3A_75 = arith.constant 2480 : i32
        %dma_wait3A_76 = arith.constant 0 : i32
        %dma_wait3A_77 = tpu.memref_slice %arg2[%run_scoped3A, %dma_wait3A_75, %dma_wait3A_76] : memref<2x2500x128xi32, #tpu.memory_space<hbm>> -> memref<1x20x128xi32, #tpu.memory_space<hbm>>
        %dma_wait3A_78 = tpu.memref_squeeze %dma_wait3A_77 : memref<1x20x128xi32, #tpu.memory_space<hbm>> -> memref<20x128xi32, #tpu.memory_space<hbm>>
        %dma_wait3A_79 = arith.constant 0 : i32
        %dma_wait3A_80 = arith.constant 0 : i32
        %dma_wait3A_81 = tpu.memref_slice %arg5[%dma_wait3A_79, %dma_wait3A_80] : memref<80x128xi32, #tpu.memory_space<vmem>> -> memref<20x128xi32, #tpu.memory_space<vmem>>
        %dma_wait3A_82 = arith.constant 2480 : i32
        %dma_wait3A_83 = arith.constant 0 : i32
        %dma_wait3A_84 = tpu.memref_slice %arg2[%run_scoped3A, %dma_wait3A_82, %dma_wait3A_83] : memref<2x2500x128xi32, #tpu.memory_space<hbm>> -> memref<1x20x128xi32, #tpu.memory_space<hbm>>
        %dma_wait3A_85 = tpu.memref_squeeze %dma_wait3A_84 : memref<1x20x128xi32, #tpu.memory_space<hbm>> -> memref<20x128xi32, #tpu.memory_space<hbm>>
        tpu.wait_dma2 semaphore(%run_scoped3A_58 : memref<!tpu.dma_semaphore, #tpu.memory_space<semaphore_mem>>) src(%dma_wait3A_85 : memref<20x128xi32, #tpu.memory_space<hbm>>) dst(%dma_wait3A_81 : memref<20x128xi32, #tpu.memory_space<vmem>>)
        tpu.yield
      }) : () -> ()
    } else {
    }
    %lt3A_9 = arith.constant 31 : i32
    %lt3A_10 = arith.cmpi slt, %add3A, %lt3A_9 : i32
    %convert_element_type3A_11 = arith.extui %lt3A_10 : i1 to i32
    %cond3A_12 = arith.constant 0 : i32
    %cond3A_13 = arith.cmpi ne, %convert_element_type3A_11, %cond3A_12 : i32
    scf.if %cond3A_13 {
      %mul3A_58 = arith.constant 80 : i32
      %mul3A_59 = arith.muli %add3A, %mul3A_58 : i32
      %run_scoped3A = arith.constant 1 : i32
      "tpu.region"() ({
        %run_scoped3A_60 = tpu.sem_alloc : memref<!tpu.dma_semaphore, #tpu.memory_space<semaphore_mem>>
        %dma_start3A_61 = arith.constant 0 : i32
        %dma_start3A_62 = tpu.memref_slice %arg2[%run_scoped3A, %mul3A_59, %dma_start3A_61] : memref<2x2500x128xi32, #tpu.memory_space<hbm>> -> memref<1x80x128xi32, #tpu.memory_space<hbm>>
        %dma_start3A_63 = tpu.memref_squeeze %dma_start3A_62 : memref<1x80x128xi32, #tpu.memory_space<hbm>> -> memref<80x128xi32, #tpu.memory_space<hbm>>
        %dma_start3A_64 = arith.constant 0 : i32
        %dma_start3A_65 = tpu.memref_slice %arg2[%run_scoped3A, %mul3A_59, %dma_start3A_64] : memref<2x2500x128xi32, #tpu.memory_space<hbm>> -> memref<1x80x128xi32, #tpu.memory_space<hbm>>
        %dma_start3A_66 = tpu.memref_squeeze %dma_start3A_65 : memref<1x80x128xi32, #tpu.memory_space<hbm>> -> memref<80x128xi32, #tpu.memory_space<hbm>>
        tpu.enqueue_dma source(%dma_start3A_66 : memref<80x128xi32, #tpu.memory_space<hbm>>) target(%arg6 : memref<80x128xi32, #tpu.memory_space<vmem>>) target_semaphore(%run_scoped3A_60 : memref<!tpu.dma_semaphore, #tpu.memory_space<semaphore_mem>>)
        %dma_wait3A = arith.constant 0 : i32
        %dma_wait3A_67 = tpu.memref_slice %arg2[%run_scoped3A, %mul3A_59, %dma_wait3A] : memref<2x2500x128xi32, #tpu.memory_space<hbm>> -> memref<1x80x128xi32, #tpu.memory_space<hbm>>
        %dma_wait3A_68 = tpu.memref_squeeze %dma_wait3A_67 : memref<1x80x128xi32, #tpu.memory_space<hbm>> -> memref<80x128xi32, #tpu.memory_space<hbm>>
        %dma_wait3A_69 = arith.constant 0 : i32
        %dma_wait3A_70 = tpu.memref_slice %arg2[%run_scoped3A, %mul3A_59, %dma_wait3A_69] : memref<2x2500x128xi32, #tpu.memory_space<hbm>> -> memref<1x80x128xi32, #tpu.memory_space<hbm>>
        %dma_wait3A_71 = tpu.memref_squeeze %dma_wait3A_70 : memref<1x80x128xi32, #tpu.memory_space<hbm>> -> memref<80x128xi32, #tpu.memory_space<hbm>>
        tpu.wait_dma2 semaphore(%run_scoped3A_60 : memref<!tpu.dma_semaphore, #tpu.memory_space<semaphore_mem>>) src(%dma_wait3A_71 : memref<80x128xi32, #tpu.memory_space<hbm>>) dst(%arg6 : memref<80x128xi32, #tpu.memory_space<vmem>>)
        tpu.yield
      }) : () -> ()
    } else {
    }
    %eq3A_14 = arith.constant 31 : i32
    %eq3A_15 = arith.cmpi eq, %add3A, %eq3A_14 : i32
    %convert_element_type3A_16 = arith.extui %eq3A_15 : i1 to i32
    %cond3A_17 = arith.constant 0 : i32
    %cond3A_18 = arith.cmpi ne, %convert_element_type3A_16, %cond3A_17 : i32
    scf.if %cond3A_18 {
      %run_scoped3A = arith.constant 1 : i32
      "tpu.region"() ({
        %run_scoped3A_58 = tpu.sem_alloc : memref<!tpu.dma_semaphore, #tpu.memory_space<semaphore_mem>>
        %dma_start3A_59 = arith.constant 0 : i32
        %dma_start3A_60 = arith.constant 0 : i32
        %dma_start3A_61 = tpu.memref_slice %arg6[%dma_start3A_59, %dma_start3A_60] : memref<80x128xi32, #tpu.memory_space<vmem>> -> memref<20x128xi32, #tpu.memory_space<vmem>>
        %dma_start3A_62 = arith.constant 2480 : i32
        %dma_start3A_63 = arith.constant 0 : i32
        %dma_start3A_64 = tpu.memref_slice %arg2[%run_scoped3A, %dma_start3A_62, %dma_start3A_63] : memref<2x2500x128xi32, #tpu.memory_space<hbm>> -> memref<1x20x128xi32, #tpu.memory_space<hbm>>
        %dma_start3A_65 = tpu.memref_squeeze %dma_start3A_64 : memref<1x20x128xi32, #tpu.memory_space<hbm>> -> memref<20x128xi32, #tpu.memory_space<hbm>>
        %dma_start3A_66 = arith.constant 0 : i32
        %dma_start3A_67 = arith.constant 0 : i32
        %dma_start3A_68 = tpu.memref_slice %arg6[%dma_start3A_66, %dma_start3A_67] : memref<80x128xi32, #tpu.memory_space<vmem>> -> memref<20x128xi32, #tpu.memory_space<vmem>>
        %dma_start3A_69 = arith.constant 2480 : i32
        %dma_start3A_70 = arith.constant 0 : i32
        %dma_start3A_71 = tpu.memref_slice %arg2[%run_scoped3A, %dma_start3A_69, %dma_start3A_70] : memref<2x2500x128xi32, #tpu.memory_space<hbm>> -> memref<1x20x128xi32, #tpu.memory_space<hbm>>
        %dma_start3A_72 = tpu.memref_squeeze %dma_start3A_71 : memref<1x20x128xi32, #tpu.memory_space<hbm>> -> memref<20x128xi32, #tpu.memory_space<hbm>>
        tpu.enqueue_dma source(%dma_start3A_72 : memref<20x128xi32, #tpu.memory_space<hbm>>) target(%dma_start3A_68 : memref<20x128xi32, #tpu.memory_space<vmem>>) target_semaphore(%run_scoped3A_58 : memref<!tpu.dma_semaphore, #tpu.memory_space<semaphore_mem>>)
        %dma_wait3A = arith.constant 0 : i32
        %dma_wait3A_73 = arith.constant 0 : i32
        %dma_wait3A_74 = tpu.memref_slice %arg6[%dma_wait3A, %dma_wait3A_73] : memref<80x128xi32, #tpu.memory_space<vmem>> -> memref<20x128xi32, #tpu.memory_space<vmem>>
        %dma_wait3A_75 = arith.constant 2480 : i32
        %dma_wait3A_76 = arith.constant 0 : i32
        %dma_wait3A_77 = tpu.memref_slice %arg2[%run_scoped3A, %dma_wait3A_75, %dma_wait3A_76] : memref<2x2500x128xi32, #tpu.memory_space<hbm>> -> memref<1x20x128xi32, #tpu.memory_space<hbm>>
        %dma_wait3A_78 = tpu.memref_squeeze %dma_wait3A_77 : memref<1x20x128xi32, #tpu.memory_space<hbm>> -> memref<20x128xi32, #tpu.memory_space<hbm>>
        %dma_wait3A_79 = arith.constant 0 : i32
        %dma_wait3A_80 = arith.constant 0 : i32
        %dma_wait3A_81 = tpu.memref_slice %arg6[%dma_wait3A_79, %dma_wait3A_80] : memref<80x128xi32, #tpu.memory_space<vmem>> -> memref<20x128xi32, #tpu.memory_space<vmem>>
        %dma_wait3A_82 = arith.constant 2480 : i32
        %dma_wait3A_83 = arith.constant 0 : i32
        %dma_wait3A_84 = tpu.memref_slice %arg2[%run_scoped3A, %dma_wait3A_82, %dma_wait3A_83] : memref<2x2500x128xi32, #tpu.memory_space<hbm>> -> memref<1x20x128xi32, #tpu.memory_space<hbm>>
        %dma_wait3A_85 = tpu.memref_squeeze %dma_wait3A_84 : memref<1x20x128xi32, #tpu.memory_space<hbm>> -> memref<20x128xi32, #tpu.memory_space<hbm>>
        tpu.wait_dma2 semaphore(%run_scoped3A_58 : memref<!tpu.dma_semaphore, #tpu.memory_space<semaphore_mem>>) src(%dma_wait3A_85 : memref<20x128xi32, #tpu.memory_space<hbm>>) dst(%dma_wait3A_81 : memref<20x128xi32, #tpu.memory_space<vmem>>)
        tpu.yield
      }) : () -> ()
    } else {
    }
    %eq3A_19 = arith.constant 0 : i32
    %eq3A_20 = arith.cmpi eq, %arg0, %eq3A_19 : i32
    %convert_element_type3A_21 = arith.extui %eq3A_20 : i1 to i32
    %cond3A_22 = arith.constant 0 : i32
    %cond3A_23 = arith.cmpi ne, %convert_element_type3A_21, %cond3A_22 : i32
    scf.if %cond3A_23 {
      "tpu.region"() ({
        %run_scoped3A = tpu.sem_alloc : memref<!tpu.dma_semaphore, #tpu.memory_space<semaphore_mem>>
        %dma_start3A_58 = arith.constant 0 : i32
        %dma_start3A_59 = tpu.memref_slice %arg8[%mul3A_2, %dma_start3A_58] : memref<10240x64xf32, #tpu.memory_space<vmem_shared>> -> memref<640x64xf32, #tpu.memory_space<vmem_shared>>
        %dma_start3A_60 = arith.constant 0 : i32
        %dma_start3A_61 = tpu.memref_slice %arg3[%mul3A_2, %dma_start3A_60] : memref<10240x64xf32, #tpu.memory_space<hbm>> -> memref<640x64xf32, #tpu.memory_space<hbm>>
        tpu.enqueue_dma source(%dma_start3A_61 : memref<640x64xf32, #tpu.memory_space<hbm>>) target(%dma_start3A_59 : memref<640x64xf32, #tpu.memory_space<vmem_shared>>) target_semaphore(%run_scoped3A : memref<!tpu.dma_semaphore, #tpu.memory_space<semaphore_mem>>)
        %dma_wait3A = arith.constant 0 : i32
        %dma_wait3A_62 = tpu.memref_slice %arg8[%mul3A_2, %dma_wait3A] : memref<10240x64xf32, #tpu.memory_space<vmem_shared>> -> memref<640x64xf32, #tpu.memory_space<vmem_shared>>
        %dma_wait3A_63 = arith.constant 0 : i32
        %dma_wait3A_64 = tpu.memref_slice %arg3[%mul3A_2, %dma_wait3A_63] : memref<10240x64xf32, #tpu.memory_space<hbm>> -> memref<640x64xf32, #tpu.memory_space<hbm>>
        tpu.wait_dma2 semaphore(%run_scoped3A : memref<!tpu.dma_semaphore, #tpu.memory_space<semaphore_mem>>) src(%dma_wait3A_64 : memref<640x64xf32, #tpu.memory_space<hbm>>) dst(%dma_wait3A_62 : memref<640x64xf32, #tpu.memory_space<vmem_shared>>)
        tpu.yield
      }) : () -> ()
    } else {
    }
    %ne3A = arith.constant 0 : i32
    %ne3A_24 = arith.cmpi ne, %arg0, %ne3A : i32
    %convert_element_type3A_25 = arith.extui %ne3A_24 : i1 to i32
    %cond3A_26 = arith.constant 0 : i32
    %cond3A_27 = arith.cmpi ne, %convert_element_type3A_25, %cond3A_26 : i32
    scf.if %cond3A_27 {
      %broadcast_in_dim3A = arith.constant 0.000000e+00 : f32
      %broadcast_in_dim3A_58 = vector.broadcast %broadcast_in_dim3A : f32 to vector<16xf32>
      %scan3A = arith.constant 0 : i32
      %scan3A_59 = arith.constant 0 : i32
      %scan3A_60 = arith.constant 0 : i32
      %scan3A_61 = arith.constant 512 : i32
      %scan3A_62 = arith.addi %scan3A_60, %scan3A_61 : i32
      %scan3A_63 = arith.constant 1 : i32
      scf.for %scan3A_79 = %scan3A_60 to %scan3A_62 step %scan3A_63  : i32 {
        %jit3A_80 = arith.constant 4 : i32
        %div3A = arith.divsi %scan3A_79, %jit3A_80 : i32
        %sign3A = arith.constant 0 : i32
        %sign3A_81 = arith.cmpi sgt, %scan3A_79, %sign3A : i32
        %sign3A_82 = arith.extui %sign3A_81 : i1 to i32
        %sign3A_83 = arith.constant 0 : i32
        %sign3A_84 = arith.cmpi slt, %scan3A_79, %sign3A_83 : i32
        %sign3A_85 = arith.extui %sign3A_84 : i1 to i32
        %sign3A_86 = arith.subi %sign3A_82, %sign3A_85 : i32
        %sign3A_87 = arith.constant 0 : i32
        %sign3A_88 = arith.cmpi sgt, %jit3A_80, %sign3A_87 : i32
        %sign3A_89 = arith.extui %sign3A_88 : i1 to i32
        %sign3A_90 = arith.constant 0 : i32
        %sign3A_91 = arith.cmpi slt, %jit3A_80, %sign3A_90 : i32
        %sign3A_92 = arith.extui %sign3A_91 : i1 to i32
        %sign3A_93 = arith.subi %sign3A_89, %sign3A_92 : i32
        %ne3A_94 = arith.cmpi ne, %sign3A_86, %sign3A_93 : i32
        %rem3A = arith.remsi %scan3A_79, %jit3A_80 : i32
        %ne3A_95 = arith.constant 0 : i32
        %ne3A_96 = arith.cmpi ne, %rem3A, %ne3A_95 : i32
        %and3A = arith.andi %ne3A_94, %ne3A_96 : i1
        %sub3A = arith.constant 1 : i32
        %sub3A_97 = arith.subi %div3A, %sub3A : i32
        %select_n3A_98 = arith.select %and3A, %sub3A_97, %div3A : i32
        %jit3A_99 = arith.constant 4 : i32
        %eq3A_100 = arith.constant 0 : i32
        %eq3A_101 = arith.cmpi eq, %jit3A_99, %eq3A_100 : i32
        %jit3A_102 = arith.constant 1 : i32
        %select_n3A_103 = arith.select %eq3A_101, %jit3A_102, %jit3A_99 : i32
        %rem3A_104 = arith.remsi %scan3A_79, %select_n3A_103 : i32
        %ne3A_105 = arith.constant 0 : i32
        %ne3A_106 = arith.cmpi ne, %rem3A_104, %ne3A_105 : i32
        %lt3A_107 = arith.constant 0 : i32
        %lt3A_108 = arith.cmpi slt, %rem3A_104, %lt3A_107 : i32
        %lt3A_109 = arith.constant 0 : i32
        %lt3A_110 = arith.cmpi slt, %select_n3A_103, %lt3A_109 : i32
        %ne3A_111 = arith.xori %lt3A_108, %lt3A_110 : i1
        %and3A_112 = arith.andi %ne3A_111, %ne3A_106 : i1
        %add3A_113 = arith.addi %rem3A_104, %select_n3A_103 : i32
        %select_n3A_114 = arith.select %and3A_112, %add3A_113, %rem3A_104 : i32
        %mul3A_115 = arith.constant 16 : i32
        %mul3A_116 = arith.muli %select_n3A_114, %mul3A_115 : i32
        %swap3A = arith.constant 0 : i32
        %swap3A_117 = arith.constant 0 : i32
        %swap3A_118 = tpu.memref_slice %arg7[%scan3A_59, %swap3A, %swap3A_117] : memref<2x128x64xf32, #tpu.memory_space<vmem>> -> memref<1x128x64xf32, #tpu.memory_space<vmem>>
        %swap3A_119 = tpu.memref_squeeze %swap3A_118 : memref<1x128x64xf32, #tpu.memory_space<vmem>> -> memref<128x64xf32, #tpu.memory_space<vmem>>
        %swap3A_120 = arith.index_cast %select_n3A_98 : i32 to index
        %swap3A_121 = arith.index_cast %mul3A_116 : i32 to index
        %swap3A_122 = tpu.vector_load %swap3A_119[%swap3A_120, %swap3A_121] {strides = array<i32>} : memref<128x64xf32, #tpu.memory_space<vmem>>, vector<1x16xf32>,
        %swap3A_123 = vector.shape_cast %swap3A_122 : vector<1x16xf32> to vector<16xf32>
        %swap3A_124 = vector.shape_cast %broadcast_in_dim3A_58 : vector<16xf32> to vector<1x16xf32>
        tpu.vector_store %swap3A_119[%swap3A_120, %swap3A_121], %swap3A_124 {strides = array<i32>} : memref<128x64xf32, #tpu.memory_space<vmem>>, vector<1x16xf32>,
      }
      %scan3A_64 = arith.constant 512 : i32
      %add3A_65 = arith.constant 0 : i32
      %add3A_66 = arith.addi %mul3A_2, %add3A_65 : i32
      %run_scoped3A = arith.constant 0 : i32
      "tpu.region"() ({
        %run_scoped3A_79 = tpu.sem_alloc : memref<!tpu.dma_semaphore, #tpu.memory_space<semaphore_mem>>
        %dma_start3A_80 = arith.constant 0 : i32
        %dma_start3A_81 = arith.constant 0 : i32
        %dma_start3A_82 = tpu.memref_slice %arg7[%run_scoped3A, %dma_start3A_80, %dma_start3A_81] : memref<2x128x64xf32, #tpu.memory_space<vmem>> -> memref<1x128x64xf32, #tpu.memory_space<vmem>>
        %dma_start3A_83 = tpu.memref_squeeze %dma_start3A_82 : memref<1x128x64xf32, #tpu.memory_space<vmem>> -> memref<128x64xf32, #tpu.memory_space<vmem>>
        %dma_start3A_84 = arith.constant 0 : i32
        %dma_start3A_85 = tpu.memref_slice %arg8[%add3A_66, %dma_start3A_84] : memref<10240x64xf32, #tpu.memory_space<vmem_shared>> -> memref<128x64xf32, #tpu.memory_space<vmem_shared>>
        %dma_start3A_86 = arith.constant 0 : i32
        %dma_start3A_87 = tpu.memref_slice %arg8[%add3A_66, %dma_start3A_86] : memref<10240x64xf32, #tpu.memory_space<vmem_shared>> -> memref<128x64xf32, #tpu.memory_space<vmem_shared>>
        %dma_start3A_88 = arith.constant 0 : i32
        %dma_start3A_89 = arith.constant 0 : i32
        %dma_start3A_90 = tpu.memref_slice %arg7[%run_scoped3A, %dma_start3A_88, %dma_start3A_89] : memref<2x128x64xf32, #tpu.memory_space<vmem>> -> memref<1x128x64xf32, #tpu.memory_space<vmem>>
        %dma_start3A_91 = tpu.memref_squeeze %dma_start3A_90 : memref<1x128x64xf32, #tpu.memory_space<vmem>> -> memref<128x64xf32, #tpu.memory_space<vmem>>
        tpu.enqueue_dma source(%dma_start3A_91 : memref<128x64xf32, #tpu.memory_space<vmem>>) target(%dma_start3A_87 : memref<128x64xf32, #tpu.memory_space<vmem_shared>>) target_semaphore(%run_scoped3A_79 : memref<!tpu.dma_semaphore, #tpu.memory_space<semaphore_mem>>)
        %dma_wait3A = arith.constant 0 : i32
        %dma_wait3A_92 = arith.constant 0 : i32
        %dma_wait3A_93 = tpu.memref_slice %arg7[%run_scoped3A, %dma_wait3A, %dma_wait3A_92] : memref<2x128x64xf32, #tpu.memory_space<vmem>> -> memref<1x128x64xf32, #tpu.memory_space<vmem>>
        %dma_wait3A_94 = tpu.memref_squeeze %dma_wait3A_93 : memref<1x128x64xf32, #tpu.memory_space<vmem>> -> memref<128x64xf32, #tpu.memory_space<vmem>>
        %dma_wait3A_95 = arith.constant 0 : i32
        %dma_wait3A_96 = tpu.memref_slice %arg8[%add3A_66, %dma_wait3A_95] : memref<10240x64xf32, #tpu.memory_space<vmem_shared>> -> memref<128x64xf32, #tpu.memory_space<vmem_shared>>
        %dma_wait3A_97 = arith.constant 0 : i32
        %dma_wait3A_98 = tpu.memref_slice %arg8[%add3A_66, %dma_wait3A_97] : memref<10240x64xf32, #tpu.memory_space<vmem_shared>> -> memref<128x64xf32, #tpu.memory_space<vmem_shared>>
        %dma_wait3A_99 = arith.constant 0 : i32
        %dma_wait3A_100 = arith.constant 0 : i32
        %dma_wait3A_101 = tpu.memref_slice %arg7[%run_scoped3A, %dma_wait3A_99, %dma_wait3A_100] : memref<2x128x64xf32, #tpu.memory_space<vmem>> -> memref<1x128x64xf32, #tpu.memory_space<vmem>>
        %dma_wait3A_102 = tpu.memref_squeeze %dma_wait3A_101 : memref<1x128x64xf32, #tpu.memory_space<vmem>> -> memref<128x64xf32, #tpu.memory_space<vmem>>
        tpu.wait_dma2 semaphore(%run_scoped3A_79 : memref<!tpu.dma_semaphore, #tpu.memory_space<semaphore_mem>>) src(%dma_wait3A_102 : memref<128x64xf32, #tpu.memory_space<vmem>>) dst(%dma_wait3A_98 : memref<128x64xf32, #tpu.memory_space<vmem_shared>>)
        tpu.yield
      }) : () -> ()
      %add3A_67 = arith.constant 128 : i32
      %add3A_68 = arith.addi %mul3A_2, %add3A_67 : i32
      %run_scoped3A_69 = arith.constant 0 : i32
      "tpu.region"() ({
        %run_scoped3A_79 = tpu.sem_alloc : memref<!tpu.dma_semaphore, #tpu.memory_space<semaphore_mem>>
        %dma_start3A_80 = arith.constant 0 : i32
        %dma_start3A_81 = arith.constant 0 : i32
        %dma_start3A_82 = tpu.memref_slice %arg7[%run_scoped3A_69, %dma_start3A_80, %dma_start3A_81] : memref<2x128x64xf32, #tpu.memory_space<vmem>> -> memref<1x128x64xf32, #tpu.memory_space<vmem>>
        %dma_start3A_83 = tpu.memref_squeeze %dma_start3A_82 : memref<1x128x64xf32, #tpu.memory_space<vmem>> -> memref<128x64xf32, #tpu.memory_space<vmem>>
        %dma_start3A_84 = arith.constant 0 : i32
        %dma_start3A_85 = tpu.memref_slice %arg8[%add3A_68, %dma_start3A_84] : memref<10240x64xf32, #tpu.memory_space<vmem_shared>> -> memref<128x64xf32, #tpu.memory_space<vmem_shared>>
        %dma_start3A_86 = arith.constant 0 : i32
        %dma_start3A_87 = tpu.memref_slice %arg8[%add3A_68, %dma_start3A_86] : memref<10240x64xf32, #tpu.memory_space<vmem_shared>> -> memref<128x64xf32, #tpu.memory_space<vmem_shared>>
        %dma_start3A_88 = arith.constant 0 : i32
        %dma_start3A_89 = arith.constant 0 : i32
        %dma_start3A_90 = tpu.memref_slice %arg7[%run_scoped3A_69, %dma_start3A_88, %dma_start3A_89] : memref<2x128x64xf32, #tpu.memory_space<vmem>> -> memref<1x128x64xf32, #tpu.memory_space<vmem>>
        %dma_start3A_91 = tpu.memref_squeeze %dma_start3A_90 : memref<1x128x64xf32, #tpu.memory_space<vmem>> -> memref<128x64xf32, #tpu.memory_space<vmem>>
        tpu.enqueue_dma source(%dma_start3A_91 : memref<128x64xf32, #tpu.memory_space<vmem>>) target(%dma_start3A_87 : memref<128x64xf32, #tpu.memory_space<vmem_shared>>) target_semaphore(%run_scoped3A_79 : memref<!tpu.dma_semaphore, #tpu.memory_space<semaphore_mem>>)
        %dma_wait3A = arith.constant 0 : i32
        %dma_wait3A_92 = arith.constant 0 : i32
        %dma_wait3A_93 = tpu.memref_slice %arg7[%run_scoped3A_69, %dma_wait3A, %dma_wait3A_92] : memref<2x128x64xf32, #tpu.memory_space<vmem>> -> memref<1x128x64xf32, #tpu.memory_space<vmem>>
        %dma_wait3A_94 = tpu.memref_squeeze %dma_wait3A_93 : memref<1x128x64xf32, #tpu.memory_space<vmem>> -> memref<128x64xf32, #tpu.memory_space<vmem>>
        %dma_wait3A_95 = arith.constant 0 : i32
        %dma_wait3A_96 = tpu.memref_slice %arg8[%add3A_68, %dma_wait3A_95] : memref<10240x64xf32, #tpu.memory_space<vmem_shared>> -> memref<128x64xf32, #tpu.memory_space<vmem_shared>>
        %dma_wait3A_97 = arith.constant 0 : i32
        %dma_wait3A_98 = tpu.memref_slice %arg8[%add3A_68, %dma_wait3A_97] : memref<10240x64xf32, #tpu.memory_space<vmem_shared>> -> memref<128x64xf32, #tpu.memory_space<vmem_shared>>
        %dma_wait3A_99 = arith.constant 0 : i32
        %dma_wait3A_100 = arith.constant 0 : i32
        %dma_wait3A_101 = tpu.memref_slice %arg7[%run_scoped3A_69, %dma_wait3A_99, %dma_wait3A_100] : memref<2x128x64xf32, #tpu.memory_space<vmem>> -> memref<1x128x64xf32, #tpu.memory_space<vmem>>
        %dma_wait3A_102 = tpu.memref_squeeze %dma_wait3A_101 : memref<1x128x64xf32, #tpu.memory_space<vmem>> -> memref<128x64xf32, #tpu.memory_space<vmem>>
        tpu.wait_dma2 semaphore(%run_scoped3A_79 : memref<!tpu.dma_semaphore, #tpu.memory_space<semaphore_mem>>) src(%dma_wait3A_102 : memref<128x64xf32, #tpu.memory_space<vmem>>) dst(%dma_wait3A_98 : memref<128x64xf32, #tpu.memory_space<vmem_shared>>)
        tpu.yield
      }) : () -> ()
      %add3A_70 = arith.constant 256 : i32
      %add3A_71 = arith.addi %mul3A_2, %add3A_70 : i32
      %run_scoped3A_72 = arith.constant 0 : i32
      "tpu.region"() ({
        %run_scoped3A_79 = tpu.sem_alloc : memref<!tpu.dma_semaphore, #tpu.memory_space<semaphore_mem>>
        %dma_start3A_80 = arith.constant 0 : i32
        %dma_start3A_81 = arith.constant 0 : i32
        %dma_start3A_82 = tpu.memref_slice %arg7[%run_scoped3A_72, %dma_start3A_80, %dma_start3A_81] : memref<2x128x64xf32, #tpu.memory_space<vmem>> -> memref<1x128x64xf32, #tpu.memory_space<vmem>>
        %dma_start3A_83 = tpu.memref_squeeze %dma_start3A_82 : memref<1x128x64xf32, #tpu.memory_space<vmem>> -> memref<128x64xf32, #tpu.memory_space<vmem>>
        %dma_start3A_84 = arith.constant 0 : i32
        %dma_start3A_85 = tpu.memref_slice %arg8[%add3A_71, %dma_start3A_84] : memref<10240x64xf32, #tpu.memory_space<vmem_shared>> -> memref<128x64xf32, #tpu.memory_space<vmem_shared>>
        %dma_start3A_86 = arith.constant 0 : i32
        %dma_start3A_87 = tpu.memref_slice %arg8[%add3A_71, %dma_start3A_86] : memref<10240x64xf32, #tpu.memory_space<vmem_shared>> -> memref<128x64xf32, #tpu.memory_space<vmem_shared>>
        %dma_start3A_88 = arith.constant 0 : i32
        %dma_start3A_89 = arith.constant 0 : i32
        %dma_start3A_90 = tpu.memref_slice %arg7[%run_scoped3A_72, %dma_start3A_88, %dma_start3A_89] : memref<2x128x64xf32, #tpu.memory_space<vmem>> -> memref<1x128x64xf32, #tpu.memory_space<vmem>>
        %dma_start3A_91 = tpu.memref_squeeze %dma_start3A_90 : memref<1x128x64xf32, #tpu.memory_space<vmem>> -> memref<128x64xf32, #tpu.memory_space<vmem>>
        tpu.enqueue_dma source(%dma_start3A_91 : memref<128x64xf32, #tpu.memory_space<vmem>>) target(%dma_start3A_87 : memref<128x64xf32, #tpu.memory_space<vmem_shared>>) target_semaphore(%run_scoped3A_79 : memref<!tpu.dma_semaphore, #tpu.memory_space<semaphore_mem>>)
        %dma_wait3A = arith.constant 0 : i32
        %dma_wait3A_92 = arith.constant 0 : i32
        %dma_wait3A_93 = tpu.memref_slice %arg7[%run_scoped3A_72, %dma_wait3A, %dma_wait3A_92] : memref<2x128x64xf32, #tpu.memory_space<vmem>> -> memref<1x128x64xf32, #tpu.memory_space<vmem>>
        %dma_wait3A_94 = tpu.memref_squeeze %dma_wait3A_93 : memref<1x128x64xf32, #tpu.memory_space<vmem>> -> memref<128x64xf32, #tpu.memory_space<vmem>>
        %dma_wait3A_95 = arith.constant 0 : i32
        %dma_wait3A_96 = tpu.memref_slice %arg8[%add3A_71, %dma_wait3A_95] : memref<10240x64xf32, #tpu.memory_space<vmem_shared>> -> memref<128x64xf32, #tpu.memory_space<vmem_shared>>
        %dma_wait3A_97 = arith.constant 0 : i32
        %dma_wait3A_98 = tpu.memref_slice %arg8[%add3A_71, %dma_wait3A_97] : memref<10240x64xf32, #tpu.memory_space<vmem_shared>> -> memref<128x64xf32, #tpu.memory_space<vmem_shared>>
        %dma_wait3A_99 = arith.constant 0 : i32
        %dma_wait3A_100 = arith.constant 0 : i32
        %dma_wait3A_101 = tpu.memref_slice %arg7[%run_scoped3A_72, %dma_wait3A_99, %dma_wait3A_100] : memref<2x128x64xf32, #tpu.memory_space<vmem>> -> memref<1x128x64xf32, #tpu.memory_space<vmem>>
        %dma_wait3A_102 = tpu.memref_squeeze %dma_wait3A_101 : memref<1x128x64xf32, #tpu.memory_space<vmem>> -> memref<128x64xf32, #tpu.memory_space<vmem>>
        tpu.wait_dma2 semaphore(%run_scoped3A_79 : memref<!tpu.dma_semaphore, #tpu.memory_space<semaphore_mem>>) src(%dma_wait3A_102 : memref<128x64xf32, #tpu.memory_space<vmem>>) dst(%dma_wait3A_98 : memref<128x64xf32, #tpu.memory_space<vmem_shared>>)
        tpu.yield
      }) : () -> ()
      %add3A_73 = arith.constant 384 : i32
      %add3A_74 = arith.addi %mul3A_2, %add3A_73 : i32
      %run_scoped3A_75 = arith.constant 0 : i32
      "tpu.region"() ({
        %run_scoped3A_79 = tpu.sem_alloc : memref<!tpu.dma_semaphore, #tpu.memory_space<semaphore_mem>>
        %dma_start3A_80 = arith.constant 0 : i32
        %dma_start3A_81 = arith.constant 0 : i32
        %dma_start3A_82 = tpu.memref_slice %arg7[%run_scoped3A_75, %dma_start3A_80, %dma_start3A_81] : memref<2x128x64xf32, #tpu.memory_space<vmem>> -> memref<1x128x64xf32, #tpu.memory_space<vmem>>
        %dma_start3A_83 = tpu.memref_squeeze %dma_start3A_82 : memref<1x128x64xf32, #tpu.memory_space<vmem>> -> memref<128x64xf32, #tpu.memory_space<vmem>>
        %dma_start3A_84 = arith.constant 0 : i32
        %dma_start3A_85 = tpu.memref_slice %arg8[%add3A_74, %dma_start3A_84] : memref<10240x64xf32, #tpu.memory_space<vmem_shared>> -> memref<128x64xf32, #tpu.memory_space<vmem_shared>>
        %dma_start3A_86 = arith.constant 0 : i32
        %dma_start3A_87 = tpu.memref_slice %arg8[%add3A_74, %dma_start3A_86] : memref<10240x64xf32, #tpu.memory_space<vmem_shared>> -> memref<128x64xf32, #tpu.memory_space<vmem_shared>>
        %dma_start3A_88 = arith.constant 0 : i32
        %dma_start3A_89 = arith.constant 0 : i32
        %dma_start3A_90 = tpu.memref_slice %arg7[%run_scoped3A_75, %dma_start3A_88, %dma_start3A_89] : memref<2x128x64xf32, #tpu.memory_space<vmem>> -> memref<1x128x64xf32, #tpu.memory_space<vmem>>
        %dma_start3A_91 = tpu.memref_squeeze %dma_start3A_90 : memref<1x128x64xf32, #tpu.memory_space<vmem>> -> memref<128x64xf32, #tpu.memory_space<vmem>>
        tpu.enqueue_dma source(%dma_start3A_91 : memref<128x64xf32, #tpu.memory_space<vmem>>) target(%dma_start3A_87 : memref<128x64xf32, #tpu.memory_space<vmem_shared>>) target_semaphore(%run_scoped3A_79 : memref<!tpu.dma_semaphore, #tpu.memory_space<semaphore_mem>>)
        %dma_wait3A = arith.constant 0 : i32
        %dma_wait3A_92 = arith.constant 0 : i32
        %dma_wait3A_93 = tpu.memref_slice %arg7[%run_scoped3A_75, %dma_wait3A, %dma_wait3A_92] : memref<2x128x64xf32, #tpu.memory_space<vmem>> -> memref<1x128x64xf32, #tpu.memory_space<vmem>>
        %dma_wait3A_94 = tpu.memref_squeeze %dma_wait3A_93 : memref<1x128x64xf32, #tpu.memory_space<vmem>> -> memref<128x64xf32, #tpu.memory_space<vmem>>
        %dma_wait3A_95 = arith.constant 0 : i32
        %dma_wait3A_96 = tpu.memref_slice %arg8[%add3A_74, %dma_wait3A_95] : memref<10240x64xf32, #tpu.memory_space<vmem_shared>> -> memref<128x64xf32, #tpu.memory_space<vmem_shared>>
        %dma_wait3A_97 = arith.constant 0 : i32
        %dma_wait3A_98 = tpu.memref_slice %arg8[%add3A_74, %dma_wait3A_97] : memref<10240x64xf32, #tpu.memory_space<vmem_shared>> -> memref<128x64xf32, #tpu.memory_space<vmem_shared>>
        %dma_wait3A_99 = arith.constant 0 : i32
        %dma_wait3A_100 = arith.constant 0 : i32
        %dma_wait3A_101 = tpu.memref_slice %arg7[%run_scoped3A_75, %dma_wait3A_99, %dma_wait3A_100] : memref<2x128x64xf32, #tpu.memory_space<vmem>> -> memref<1x128x64xf32, #tpu.memory_space<vmem>>
        %dma_wait3A_102 = tpu.memref_squeeze %dma_wait3A_101 : memref<1x128x64xf32, #tpu.memory_space<vmem>> -> memref<128x64xf32, #tpu.memory_space<vmem>>
        tpu.wait_dma2 semaphore(%run_scoped3A_79 : memref<!tpu.dma_semaphore, #tpu.memory_space<semaphore_mem>>) src(%dma_wait3A_102 : memref<128x64xf32, #tpu.memory_space<vmem>>) dst(%dma_wait3A_98 : memref<128x64xf32, #tpu.memory_space<vmem_shared>>)
        tpu.yield
      }) : () -> ()
      %add3A_76 = arith.constant 512 : i32
      %add3A_77 = arith.addi %mul3A_2, %add3A_76 : i32
      %run_scoped3A_78 = arith.constant 0 : i32
      "tpu.region"() ({
        %run_scoped3A_79 = tpu.sem_alloc : memref<!tpu.dma_semaphore, #tpu.memory_space<semaphore_mem>>
        %dma_start3A_80 = arith.constant 0 : i32
        %dma_start3A_81 = arith.constant 0 : i32
        %dma_start3A_82 = tpu.memref_slice %arg7[%run_scoped3A_78, %dma_start3A_80, %dma_start3A_81] : memref<2x128x64xf32, #tpu.memory_space<vmem>> -> memref<1x128x64xf32, #tpu.memory_space<vmem>>
        %dma_start3A_83 = tpu.memref_squeeze %dma_start3A_82 : memref<1x128x64xf32, #tpu.memory_space<vmem>> -> memref<128x64xf32, #tpu.memory_space<vmem>>
        %dma_start3A_84 = arith.constant 0 : i32
        %dma_start3A_85 = tpu.memref_slice %arg8[%add3A_77, %dma_start3A_84] : memref<10240x64xf32, #tpu.memory_space<vmem_shared>> -> memref<128x64xf32, #tpu.memory_space<vmem_shared>>
        %dma_start3A_86 = arith.constant 0 : i32
        %dma_start3A_87 = tpu.memref_slice %arg8[%add3A_77, %dma_start3A_86] : memref<10240x64xf32, #tpu.memory_space<vmem_shared>> -> memref<128x64xf32, #tpu.memory_space<vmem_shared>>
        %dma_start3A_88 = arith.constant 0 : i32
        %dma_start3A_89 = arith.constant 0 : i32
        %dma_start3A_90 = tpu.memref_slice %arg7[%run_scoped3A_78, %dma_start3A_88, %dma_start3A_89] : memref<2x128x64xf32, #tpu.memory_space<vmem>> -> memref<1x128x64xf32, #tpu.memory_space<vmem>>
        %dma_start3A_91 = tpu.memref_squeeze %dma_start3A_90 : memref<1x128x64xf32, #tpu.memory_space<vmem>> -> memref<128x64xf32, #tpu.memory_space<vmem>>
        tpu.enqueue_dma source(%dma_start3A_91 : memref<128x64xf32, #tpu.memory_space<vmem>>) target(%dma_start3A_87 : memref<128x64xf32, #tpu.memory_space<vmem_shared>>) target_semaphore(%run_scoped3A_79 : memref<!tpu.dma_semaphore, #tpu.memory_space<semaphore_mem>>)
        %dma_wait3A = arith.constant 0 : i32
        %dma_wait3A_92 = arith.constant 0 : i32
        %dma_wait3A_93 = tpu.memref_slice %arg7[%run_scoped3A_78, %dma_wait3A, %dma_wait3A_92] : memref<2x128x64xf32, #tpu.memory_space<vmem>> -> memref<1x128x64xf32, #tpu.memory_space<vmem>>
        %dma_wait3A_94 = tpu.memref_squeeze %dma_wait3A_93 : memref<1x128x64xf32, #tpu.memory_space<vmem>> -> memref<128x64xf32, #tpu.memory_space<vmem>>
        %dma_wait3A_95 = arith.constant 0 : i32
        %dma_wait3A_96 = tpu.memref_slice %arg8[%add3A_77, %dma_wait3A_95] : memref<10240x64xf32, #tpu.memory_space<vmem_shared>> -> memref<128x64xf32, #tpu.memory_space<vmem_shared>>
        %dma_wait3A_97 = arith.constant 0 : i32
        %dma_wait3A_98 = tpu.memref_slice %arg8[%add3A_77, %dma_wait3A_97] : memref<10240x64xf32, #tpu.memory_space<vmem_shared>> -> memref<128x64xf32, #tpu.memory_space<vmem_shared>>
        %dma_wait3A_99 = arith.constant 0 : i32
        %dma_wait3A_100 = arith.constant 0 : i32
        %dma_wait3A_101 = tpu.memref_slice %arg7[%run_scoped3A_78, %dma_wait3A_99, %dma_wait3A_100] : memref<2x128x64xf32, #tpu.memory_space<vmem>> -> memref<1x128x64xf32, #tpu.memory_space<vmem>>
        %dma_wait3A_102 = tpu.memref_squeeze %dma_wait3A_101 : memref<1x128x64xf32, #tpu.memory_space<vmem>> -> memref<128x64xf32, #tpu.memory_space<vmem>>
        tpu.wait_dma2 semaphore(%run_scoped3A_79 : memref<!tpu.dma_semaphore, #tpu.memory_space<semaphore_mem>>) src(%dma_wait3A_102 : memref<128x64xf32, #tpu.memory_space<vmem>>) dst(%dma_wait3A_98 : memref<128x64xf32, #tpu.memory_space<vmem_shared>>)
        tpu.yield
      }) : () -> ()
    } else {
    }
    %barrier3A = arith.constant 0 : index
    tpu.barrier barrier_id(%barrier3A)
    %eq3A_28 = arith.constant 31 : i32
    %eq3A_29 = arith.cmpi eq, %add3A, %eq3A_28 : i32
    %jit3A = arith.constant 20 : i32
    %jit3A_30 = arith.constant 80 : i32
    %select_n3A = arith.select %eq3A_29, %jit3A, %jit3A_30 : i32
    %dma_start3A = arith.constant 0 : i32
    %dma_start3A_31 = arith.constant 0 : i32
    %dma_start3A_32 = arith.constant 0 : i32
    %dma_start3A_33 = arith.constant 0 : i32
    %dma_start3A_34 = arith.constant 0 : i32
    %dma_start3A_35 = tpu.memref_slice %arg7[%dma_start3A_31, %dma_start3A_33, %dma_start3A_34] : memref<2x128x64xf32, #tpu.memory_space<vmem>> -> memref<1x128x64xf32, #tpu.memory_space<vmem>>
    %dma_start3A_36 = tpu.memref_squeeze %dma_start3A_35 : memref<1x128x64xf32, #tpu.memory_space<vmem>> -> memref<128x64xf32, #tpu.memory_space<vmem>>
    %dma_start3A_37 = arith.constant 0 : i32
    %dma_start3A_38 = tpu.memref_slice %arg5[%dma_start3A, %dma_start3A_37] : memref<80x128xi32, #tpu.memory_space<vmem>> -> memref<1x128xi32, #tpu.memory_space<vmem>>
    %dma_start3A_39 = tpu.memref_squeeze %dma_start3A_38 : memref<1x128xi32, #tpu.memory_space<vmem>> -> memref<128xi32, #tpu.memory_space<vmem>>
    %dma_start3A_40 = arith.constant 0 : i32
    %dma_start3A_41 = arith.constant 0 : i32
    %dma_start3A_42 = tpu.memref_slice %arg3[%dma_start3A_40, %dma_start3A_41] : memref<10240x64xf32, #tpu.memory_space<hbm>> -> memref<10240x64xf32, #tpu.memory_space<hbm>>
    %dma_start3A_43 = tpu.memref_slice %arg10[%dma_start3A_32] : memref<2x!tpu.dma_semaphore, #tpu.memory_space<semaphore_mem>> -> memref<1x!tpu.dma_semaphore, #tpu.memory_space<semaphore_mem>>
    %dma_start3A_44 = tpu.memref_squeeze %dma_start3A_43 : memref<1x!tpu.dma_semaphore, #tpu.memory_space<semaphore_mem>> -> memref<!tpu.dma_semaphore, #tpu.memory_space<semaphore_mem>>
    tpu.enqueue_indirect_dma source(%dma_start3A_42 : memref<10240x64xf32, #tpu.memory_space<hbm>>) target(%dma_start3A_36 : memref<128x64xf32, #tpu.memory_space<vmem>>) offsets(%dma_start3A_39 : memref<128xi32, #tpu.memory_space<vmem>>) semaphore(%dma_start3A_44 : memref<!tpu.dma_semaphore, #tpu.memory_space<semaphore_mem>>)
    %while3A = arith.constant 0 : i32
    %while3A_45 = arith.constant 0 : i32
    %while3A_46 = arith.subi %select_n3A, %while3A_45 : i32
    %while3A_47 = arith.addi %while3A_45, %while3A_46 : i32
    %while3A_48 = arith.constant 1 : i32
    %while3A_49 = arith.divsi %while3A_46, %while3A_48 : i32
    %while3A_50 = arith.muli %while3A_49, %while3A_48 : i32
    %while3A_51 = arith.addi %while3A_45, %while3A_50 : i32
    %while3A_52 = arith.constant 1 : i32
    scf.for %while3A_58 = %while3A_45 to %while3A_51 step %while3A_52  : i32 {
      %rem3A = arith.constant 2 : i32
      %rem3A_59 = arith.remsi %while3A_58, %rem3A : i32
      %sub3A = arith.constant 1 : i32
      %sub3A_60 = arith.subi %sub3A, %rem3A_59 : i32
      %add3A_61 = arith.constant 1 : i32
      %add3A_62 = arith.addi %while3A_58, %add3A_61 : i32
      %lt3A_63 = arith.cmpi slt, %add3A_62, %select_n3A : i32
      %convert_element_type3A_64 = arith.extui %lt3A_63 : i1 to i32
      %cond3A_65 = arith.constant 0 : i32
      %cond3A_66 = arith.cmpi ne, %convert_element_type3A_64, %cond3A_65 : i32
      scf.if %cond3A_66 {
        %add3A_78 = arith.constant 1 : i32
        %add3A_79 = arith.addi %while3A_58, %add3A_78 : i32
        %dma_start3A_80 = arith.constant 0 : i32
        %dma_start3A_81 = arith.constant 0 : i32
        %dma_start3A_82 = tpu.memref_slice %arg7[%sub3A_60, %dma_start3A_80, %dma_start3A_81] : memref<2x128x64xf32, #tpu.memory_space<vmem>> -> memref<1x128x64xf32, #tpu.memory_space<vmem>>
        %dma_start3A_83 = tpu.memref_squeeze %dma_start3A_82 : memref<1x128x64xf32, #tpu.memory_space<vmem>> -> memref<128x64xf32, #tpu.memory_space<vmem>>
        %dma_start3A_84 = arith.constant 0 : i32
        %dma_start3A_85 = tpu.memref_slice %arg5[%add3A_79, %dma_start3A_84] : memref<80x128xi32, #tpu.memory_space<vmem>> -> memref<1x128xi32, #tpu.memory_space<vmem>>
        %dma_start3A_86 = tpu.memref_squeeze %dma_start3A_85 : memref<1x128xi32, #tpu.memory_space<vmem>> -> memref<128xi32, #tpu.memory_space<vmem>>
        %dma_start3A_87 = arith.constant 0 : i32
        %dma_start3A_88 = arith.constant 0 : i32
        %dma_start3A_89 = tpu.memref_slice %arg3[%dma_start3A_87, %dma_start3A_88] : memref<10240x64xf32, #tpu.memory_space<hbm>> -> memref<10240x64xf32, #tpu.memory_space<hbm>>
        %dma_start3A_90 = tpu.memref_slice %arg10[%sub3A_60] : memref<2x!tpu.dma_semaphore, #tpu.memory_space<semaphore_mem>> -> memref<1x!tpu.dma_semaphore, #tpu.memory_space<semaphore_mem>>
        %dma_start3A_91 = tpu.memref_squeeze %dma_start3A_90 : memref<1x!tpu.dma_semaphore, #tpu.memory_space<semaphore_mem>> -> memref<!tpu.dma_semaphore, #tpu.memory_space<semaphore_mem>>
        tpu.enqueue_indirect_dma source(%dma_start3A_89 : memref<10240x64xf32, #tpu.memory_space<hbm>>) target(%dma_start3A_83 : memref<128x64xf32, #tpu.memory_space<vmem>>) offsets(%dma_start3A_86 : memref<128xi32, #tpu.memory_space<vmem>>) semaphore(%dma_start3A_91 : memref<!tpu.dma_semaphore, #tpu.memory_space<semaphore_mem>>)
      } else {
      }
      %dma_wait3A = arith.constant 0 : i32
      %dma_wait3A_67 = arith.constant 0 : i32
      %dma_wait3A_68 = tpu.memref_slice %arg7[%rem3A_59, %dma_wait3A, %dma_wait3A_67] : memref<2x128x64xf32, #tpu.memory_space<vmem>> -> memref<1x128x64xf32, #tpu.memory_space<vmem>>
      %dma_wait3A_69 = tpu.memref_squeeze %dma_wait3A_68 : memref<1x128x64xf32, #tpu.memory_space<vmem>> -> memref<128x64xf32, #tpu.memory_space<vmem>>
      %dma_wait3A_70 = arith.constant 0 : i32
      %dma_wait3A_71 = tpu.memref_slice %arg5[%while3A_58, %dma_wait3A_70] : memref<80x128xi32, #tpu.memory_space<vmem>> -> memref<1x128xi32, #tpu.memory_space<vmem>>
      %dma_wait3A_72 = tpu.memref_squeeze %dma_wait3A_71 : memref<1x128xi32, #tpu.memory_space<vmem>> -> memref<128xi32, #tpu.memory_space<vmem>>
      %dma_wait3A_73 = arith.constant 0 : i32
      %dma_wait3A_74 = arith.constant 0 : i32
      %dma_wait3A_75 = tpu.memref_slice %arg3[%dma_wait3A_73, %dma_wait3A_74] : memref<10240x64xf32, #tpu.memory_space<hbm>> -> memref<10240x64xf32, #tpu.memory_space<hbm>>
      %dma_wait3A_76 = tpu.memref_slice %arg10[%rem3A_59] : memref<2x!tpu.dma_semaphore, #tpu.memory_space<semaphore_mem>> -> memref<1x!tpu.dma_semaphore, #tpu.memory_space<semaphore_mem>>
      %dma_wait3A_77 = tpu.memref_squeeze %dma_wait3A_76 : memref<1x!tpu.dma_semaphore, #tpu.memory_space<semaphore_mem>> -> memref<!tpu.dma_semaphore, #tpu.memory_space<semaphore_mem>>
      tpu.wait_indirect_dma semaphore(%dma_wait3A_77 : memref<!tpu.dma_semaphore, #tpu.memory_space<semaphore_mem>>) src(%dma_wait3A_75 : memref<10240x64xf32, #tpu.memory_space<hbm>>) dst(%dma_wait3A_69 : memref<128x64xf32, #tpu.memory_space<vmem>>)
      "tpu.region"() ({
        %run_scoped3A = tpu.sem_alloc : memref<!tpu.dma_semaphore, #tpu.memory_space<semaphore_mem>>
        %dma_start3A_78 = arith.constant 0 : i32
        %dma_start3A_79 = arith.constant 0 : i32
        %dma_start3A_80 = tpu.memref_slice %arg7[%rem3A_59, %dma_start3A_78, %dma_start3A_79] : memref<2x128x64xf32, #tpu.memory_space<vmem>> -> memref<1x128x64xf32, #tpu.memory_space<vmem>>
        %dma_start3A_81 = tpu.memref_squeeze %dma_start3A_80 : memref<1x128x64xf32, #tpu.memory_space<vmem>> -> memref<128x64xf32, #tpu.memory_space<vmem>>
        %dma_start3A_82 = arith.constant 0 : i32
        %dma_start3A_83 = tpu.memref_slice %arg6[%while3A_58, %dma_start3A_82] : memref<80x128xi32, #tpu.memory_space<vmem>> -> memref<1x128xi32, #tpu.memory_space<vmem>>
        %dma_start3A_84 = tpu.memref_squeeze %dma_start3A_83 : memref<1x128xi32, #tpu.memory_space<vmem>> -> memref<128xi32, #tpu.memory_space<vmem>>
        %dma_start3A_85 = arith.constant 0 : i32
        %dma_start3A_86 = arith.constant 0 : i32
        %dma_start3A_87 = tpu.memref_slice %arg8[%dma_start3A_85, %dma_start3A_86] : memref<10240x64xf32, #tpu.memory_space<vmem_shared>> -> memref<10240x64xf32, #tpu.memory_space<vmem_shared>>
        tpu.enqueue_indirect_dma source(%dma_start3A_81 : memref<128x64xf32, #tpu.memory_space<vmem>>) target(%dma_start3A_87 : memref<10240x64xf32, #tpu.memory_space<vmem_shared>>) offsets(%dma_start3A_84 : memref<128xi32, #tpu.memory_space<vmem>>) semaphore(%run_scoped3A : memref<!tpu.dma_semaphore, #tpu.memory_space<semaphore_mem>>) {add = true}
        %dma_wait3A_88 = arith.constant 0 : i32
        %dma_wait3A_89 = arith.constant 0 : i32
        %dma_wait3A_90 = tpu.memref_slice %arg7[%rem3A_59, %dma_wait3A_88, %dma_wait3A_89] : memref<2x128x64xf32, #tpu.memory_space<vmem>> -> memref<1x128x64xf32, #tpu.memory_space<vmem>>
        %dma_wait3A_91 = tpu.memref_squeeze %dma_wait3A_90 : memref<1x128x64xf32, #tpu.memory_space<vmem>> -> memref<128x64xf32, #tpu.memory_space<vmem>>
        %dma_wait3A_92 = arith.constant 0 : i32
        %dma_wait3A_93 = tpu.memref_slice %arg6[%while3A_58, %dma_wait3A_92] : memref<80x128xi32, #tpu.memory_space<vmem>> -> memref<1x128xi32, #tpu.memory_space<vmem>>
        %dma_wait3A_94 = tpu.memref_squeeze %dma_wait3A_93 : memref<1x128xi32, #tpu.memory_space<vmem>> -> memref<128xi32, #tpu.memory_space<vmem>>
        %dma_wait3A_95 = arith.constant 0 : i32
        %dma_wait3A_96 = arith.constant 0 : i32
        %dma_wait3A_97 = tpu.memref_slice %arg8[%dma_wait3A_95, %dma_wait3A_96] : memref<10240x64xf32, #tpu.memory_space<vmem_shared>> -> memref<10240x64xf32, #tpu.memory_space<vmem_shared>>
        tpu.wait_indirect_dma semaphore(%run_scoped3A : memref<!tpu.dma_semaphore, #tpu.memory_space<semaphore_mem>>) src(%dma_wait3A_91 : memref<128x64xf32, #tpu.memory_space<vmem>>) dst(%dma_wait3A_97 : memref<10240x64xf32, #tpu.memory_space<vmem_shared>>)
        tpu.yield
      }) : () -> ()
    }
    %while3A_53 = arith.constant 1 : i32
    scf.for %while3A_58 = %while3A_51 to %while3A_47 step %while3A_53  : i32 {
      %rem3A = arith.constant 2 : i32
      %rem3A_59 = arith.remsi %while3A_58, %rem3A : i32
      %sub3A = arith.constant 1 : i32
      %sub3A_60 = arith.subi %sub3A, %rem3A_59 : i32
      %add3A_61 = arith.constant 1 : i32
      %add3A_62 = arith.addi %while3A_58, %add3A_61 : i32
      %lt3A_63 = arith.cmpi slt, %add3A_62, %select_n3A : i32
      %convert_element_type3A_64 = arith.extui %lt3A_63 : i1 to i32
      %cond3A_65 = arith.constant 0 : i32
      %cond3A_66 = arith.cmpi ne, %convert_element_type3A_64, %cond3A_65 : i32
      scf.if %cond3A_66 {
        %add3A_78 = arith.constant 1 : i32
        %add3A_79 = arith.addi %while3A_58, %add3A_78 : i32
        %dma_start3A_80 = arith.constant 0 : i32
        %dma_start3A_81 = arith.constant 0 : i32
        %dma_start3A_82 = tpu.memref_slice %arg7[%sub3A_60, %dma_start3A_80, %dma_start3A_81] : memref<2x128x64xf32, #tpu.memory_space<vmem>> -> memref<1x128x64xf32, #tpu.memory_space<vmem>>
        %dma_start3A_83 = tpu.memref_squeeze %dma_start3A_82 : memref<1x128x64xf32, #tpu.memory_space<vmem>> -> memref<128x64xf32, #tpu.memory_space<vmem>>
        %dma_start3A_84 = arith.constant 0 : i32
        %dma_start3A_85 = tpu.memref_slice %arg5[%add3A_79, %dma_start3A_84] : memref<80x128xi32, #tpu.memory_space<vmem>> -> memref<1x128xi32, #tpu.memory_space<vmem>>
        %dma_start3A_86 = tpu.memref_squeeze %dma_start3A_85 : memref<1x128xi32, #tpu.memory_space<vmem>> -> memref<128xi32, #tpu.memory_space<vmem>>
        %dma_start3A_87 = arith.constant 0 : i32
        %dma_start3A_88 = arith.constant 0 : i32
        %dma_start3A_89 = tpu.memref_slice %arg3[%dma_start3A_87, %dma_start3A_88] : memref<10240x64xf32, #tpu.memory_space<hbm>> -> memref<10240x64xf32, #tpu.memory_space<hbm>>
        %dma_start3A_90 = tpu.memref_slice %arg10[%sub3A_60] : memref<2x!tpu.dma_semaphore, #tpu.memory_space<semaphore_mem>> -> memref<1x!tpu.dma_semaphore, #tpu.memory_space<semaphore_mem>>
        %dma_start3A_91 = tpu.memref_squeeze %dma_start3A_90 : memref<1x!tpu.dma_semaphore, #tpu.memory_space<semaphore_mem>> -> memref<!tpu.dma_semaphore, #tpu.memory_space<semaphore_mem>>
        tpu.enqueue_indirect_dma source(%dma_start3A_89 : memref<10240x64xf32, #tpu.memory_space<hbm>>) target(%dma_start3A_83 : memref<128x64xf32, #tpu.memory_space<vmem>>) offsets(%dma_start3A_86 : memref<128xi32, #tpu.memory_space<vmem>>) semaphore(%dma_start3A_91 : memref<!tpu.dma_semaphore, #tpu.memory_space<semaphore_mem>>)
      } else {
      }
      %dma_wait3A = arith.constant 0 : i32
      %dma_wait3A_67 = arith.constant 0 : i32
      %dma_wait3A_68 = tpu.memref_slice %arg7[%rem3A_59, %dma_wait3A, %dma_wait3A_67] : memref<2x128x64xf32, #tpu.memory_space<vmem>> -> memref<1x128x64xf32, #tpu.memory_space<vmem>>
      %dma_wait3A_69 = tpu.memref_squeeze %dma_wait3A_68 : memref<1x128x64xf32, #tpu.memory_space<vmem>> -> memref<128x64xf32, #tpu.memory_space<vmem>>
      %dma_wait3A_70 = arith.constant 0 : i32
      %dma_wait3A_71 = tpu.memref_slice %arg5[%while3A_58, %dma_wait3A_70] : memref<80x128xi32, #tpu.memory_space<vmem>> -> memref<1x128xi32, #tpu.memory_space<vmem>>
      %dma_wait3A_72 = tpu.memref_squeeze %dma_wait3A_71 : memref<1x128xi32, #tpu.memory_space<vmem>> -> memref<128xi32, #tpu.memory_space<vmem>>
      %dma_wait3A_73 = arith.constant 0 : i32
      %dma_wait3A_74 = arith.constant 0 : i32
      %dma_wait3A_75 = tpu.memref_slice %arg3[%dma_wait3A_73, %dma_wait3A_74] : memref<10240x64xf32, #tpu.memory_space<hbm>> -> memref<10240x64xf32, #tpu.memory_space<hbm>>
      %dma_wait3A_76 = tpu.memref_slice %arg10[%rem3A_59] : memref<2x!tpu.dma_semaphore, #tpu.memory_space<semaphore_mem>> -> memref<1x!tpu.dma_semaphore, #tpu.memory_space<semaphore_mem>>
      %dma_wait3A_77 = tpu.memref_squeeze %dma_wait3A_76 : memref<1x!tpu.dma_semaphore, #tpu.memory_space<semaphore_mem>> -> memref<!tpu.dma_semaphore, #tpu.memory_space<semaphore_mem>>
      tpu.wait_indirect_dma semaphore(%dma_wait3A_77 : memref<!tpu.dma_semaphore, #tpu.memory_space<semaphore_mem>>) src(%dma_wait3A_75 : memref<10240x64xf32, #tpu.memory_space<hbm>>) dst(%dma_wait3A_69 : memref<128x64xf32, #tpu.memory_space<vmem>>)
      "tpu.region"() ({
        %run_scoped3A = tpu.sem_alloc : memref<!tpu.dma_semaphore, #tpu.memory_space<semaphore_mem>>
        %dma_start3A_78 = arith.constant 0 : i32
        %dma_start3A_79 = arith.constant 0 : i32
        %dma_start3A_80 = tpu.memref_slice %arg7[%rem3A_59, %dma_start3A_78, %dma_start3A_79] : memref<2x128x64xf32, #tpu.memory_space<vmem>> -> memref<1x128x64xf32, #tpu.memory_space<vmem>>
        %dma_start3A_81 = tpu.memref_squeeze %dma_start3A_80 : memref<1x128x64xf32, #tpu.memory_space<vmem>> -> memref<128x64xf32, #tpu.memory_space<vmem>>
        %dma_start3A_82 = arith.constant 0 : i32
        %dma_start3A_83 = tpu.memref_slice %arg6[%while3A_58, %dma_start3A_82] : memref<80x128xi32, #tpu.memory_space<vmem>> -> memref<1x128xi32, #tpu.memory_space<vmem>>
        %dma_start3A_84 = tpu.memref_squeeze %dma_start3A_83 : memref<1x128xi32, #tpu.memory_space<vmem>> -> memref<128xi32, #tpu.memory_space<vmem>>
        %dma_start3A_85 = arith.constant 0 : i32
        %dma_start3A_86 = arith.constant 0 : i32
        %dma_start3A_87 = tpu.memref_slice %arg8[%dma_start3A_85, %dma_start3A_86] : memref<10240x64xf32, #tpu.memory_space<vmem_shared>> -> memref<10240x64xf32, #tpu.memory_space<vmem_shared>>
        tpu.enqueue_indirect_dma source(%dma_start3A_81 : memref<128x64xf32, #tpu.memory_space<vmem>>) target(%dma_start3A_87 : memref<10240x64xf32, #tpu.memory_space<vmem_shared>>) offsets(%dma_start3A_84 : memref<128xi32, #tpu.memory_space<vmem>>) semaphore(%run_scoped3A : memref<!tpu.dma_semaphore, #tpu.memory_space<semaphore_mem>>) {add = true}
        %dma_wait3A_88 = arith.constant 0 : i32
        %dma_wait3A_89 = arith.constant 0 : i32
        %dma_wait3A_90 = tpu.memref_slice %arg7[%rem3A_59, %dma_wait3A_88, %dma_wait3A_89] : memref<2x128x64xf32, #tpu.memory_space<vmem>> -> memref<1x128x64xf32, #tpu.memory_space<vmem>>
        %dma_wait3A_91 = tpu.memref_squeeze %dma_wait3A_90 : memref<1x128x64xf32, #tpu.memory_space<vmem>> -> memref<128x64xf32, #tpu.memory_space<vmem>>
        %dma_wait3A_92 = arith.constant 0 : i32
        %dma_wait3A_93 = tpu.memref_slice %arg6[%while3A_58, %dma_wait3A_92] : memref<80x128xi32, #tpu.memory_space<vmem>> -> memref<1x128xi32, #tpu.memory_space<vmem>>
        %dma_wait3A_94 = tpu.memref_squeeze %dma_wait3A_93 : memref<1x128xi32, #tpu.memory_space<vmem>> -> memref<128xi32, #tpu.memory_space<vmem>>
        %dma_wait3A_95 = arith.constant 0 : i32
        %dma_wait3A_96 = arith.constant 0 : i32
        %dma_wait3A_97 = tpu.memref_slice %arg8[%dma_wait3A_95, %dma_wait3A_96] : memref<10240x64xf32, #tpu.memory_space<vmem_shared>> -> memref<10240x64xf32, #tpu.memory_space<vmem_shared>>
        tpu.wait_indirect_dma semaphore(%run_scoped3A : memref<!tpu.dma_semaphore, #tpu.memory_space<semaphore_mem>>) src(%dma_wait3A_91 : memref<128x64xf32, #tpu.memory_space<vmem>>) dst(%dma_wait3A_97 : memref<10240x64xf32, #tpu.memory_space<vmem_shared>>)
        tpu.yield
      }) : () -> ()
    }
    %barrier3A_54 = arith.constant 0 : index
    tpu.barrier barrier_id(%barrier3A_54)
    %mul3A_55 = arith.constant 10240 : i32
    %mul3A_56 = arith.muli %arg0, %mul3A_55 : i32
    %add3A_57 = arith.addi %mul3A_56, %mul3A_2 : i32
    "tpu.region"() ({
      %run_scoped3A = tpu.sem_alloc : memref<!tpu.dma_semaphore, #tpu.memory_space<semaphore_mem>>
      %dma_start3A_58 = arith.constant 0 : i32
      %dma_start3A_59 = tpu.memref_slice %arg4[%add3A_57, %dma_start3A_58] : memref<20480x64xf32, #tpu.memory_space<hbm>> -> memref<640x64xf32, #tpu.memory_space<hbm>>
      %dma_start3A_60 = arith.constant 0 : i32
      %dma_start3A_61 = tpu.memref_slice %arg8[%mul3A_2, %dma_start3A_60] : memref<10240x64xf32, #tpu.memory_space<vmem_shared>> -> memref<640x64xf32, #tpu.memory_space<vmem_shared>>
      tpu.enqueue_dma source(%dma_start3A_61 : memref<640x64xf32, #tpu.memory_space<vmem_shared>>) target(%dma_start3A_59 : memref<640x64xf32, #tpu.memory_space<hbm>>) target_semaphore(%run_scoped3A : memref<!tpu.dma_semaphore, #tpu.memory_space<semaphore_mem>>)
      %dma_wait3A = arith.constant 0 : i32
      %dma_wait3A_62 = tpu.memref_slice %arg4[%add3A_57, %dma_wait3A] : memref<20480x64xf32, #tpu.memory_space<hbm>> -> memref<640x64xf32, #tpu.memory_space<hbm>>
      %dma_wait3A_63 = arith.constant 0 : i32
      %dma_wait3A_64 = tpu.memref_slice %arg8[%mul3A_2, %dma_wait3A_63] : memref<10240x64xf32, #tpu.memory_space<vmem_shared>> -> memref<640x64xf32, #tpu.memory_space<vmem_shared>>
      tpu.wait_dma2 semaphore(%run_scoped3A : memref<!tpu.dma_semaphore, #tpu.memory_space<semaphore_mem>>) src(%dma_wait3A_64 : memref<640x64xf32, #tpu.memory_space<vmem_shared>>) dst(%dma_wait3A_62 : memref<640x64xf32, #tpu.memory_space<hbm>>)
      tpu.yield
    }) : () -> ()
    return
  }
}

#map = affine_map<(d0, d1) -> (0, 0, 0)>
#map1 = affine_map<(d0, d1) -> (0, 0)>
module attributes {stable_mosaic.version = 14 : i64} {
  func.func @_seg(%arg0: i32, %arg1: i32, %arg2: memref<2x2500x128xi32, #tpu.memory_space<hbm>>, %arg3: memref<10240x16xf32, #tpu.memory_space<hbm>>, %arg4: memref<20480x16xf32, #tpu.memory_space<hbm>>, %arg5: memref<80x128xi32, #tpu.memory_space<vmem>>, %arg6: memref<80x128xi32, #tpu.memory_space<vmem>>, %arg7: memref<2x128x16xf32, #tpu.memory_space<vmem>>, %arg8: memref<10240x16xf32, #tpu.memory_space<vmem_shared>>, %arg9: memref<10240x16xf32, #tpu.memory_space<vmem_shared>>, %arg10: memref<2x!tpu.dma_semaphore, #tpu.memory_space<semaphore_mem>>) attributes {dimension_semantics = [#tpu.dimension_semantics<core_parallel>, #tpu.dimension_semantics<subcore_parallel>], iteration_bounds = array<i64: 2, 16>, scalar_prefetch = 0 : i64, scratch_operands = 6 : i64, tpu.core_type = #tpu.core_type<sc_vector_subcore>, window_params = [{transform_indices = #map}, {transform_indices = #map1}, {transform_indices = #map1}]} {
    %mul3A = arith.constant 2 : i32
    %mul3A_0 = arith.muli %arg1, %mul3A : i32
    %add3A = arith.addi %mul3A_0, %arg0 : i32
    %mul3A_1 = arith.constant 640 : i32
    %mul3A_2 = arith.muli %arg1, %mul3A_1 : i32
    %lt3A = arith.constant 31 : i32
    %lt3A_3 = arith.cmpi slt, %add3A, %lt3A : i32
    %convert_element_type3A = arith.extui %lt3A_3 : i1 to i32
    %cond3A = arith.constant 0 : i32
    %cond3A_4 = arith.cmpi ne, %convert_element_type3A, %cond3A : i32
    scf.if %cond3A_4 {
      %mul3A_58 = arith.constant 80 : i32
      %mul3A_59 = arith.muli %add3A, %mul3A_58 : i32
      %run_scoped3A = arith.constant 0 : i32
      "tpu.region"() ({
        %run_scoped3A_60 = tpu.sem_alloc : memref<!tpu.dma_semaphore, #tpu.memory_space<semaphore_mem>>
        %dma_start3A_61 = arith.constant 0 : i32
        %dma_start3A_62 = tpu.memref_slice %arg2[%run_scoped3A, %mul3A_59, %dma_start3A_61] : memref<2x2500x128xi32, #tpu.memory_space<hbm>> -> memref<1x80x128xi32, #tpu.memory_space<hbm>>
        %dma_start3A_63 = tpu.memref_squeeze %dma_start3A_62 : memref<1x80x128xi32, #tpu.memory_space<hbm>> -> memref<80x128xi32, #tpu.memory_space<hbm>>
        %dma_start3A_64 = arith.constant 0 : i32
        %dma_start3A_65 = tpu.memref_slice %arg2[%run_scoped3A, %mul3A_59, %dma_start3A_64] : memref<2x2500x128xi32, #tpu.memory_space<hbm>> -> memref<1x80x128xi32, #tpu.memory_space<hbm>>
        %dma_start3A_66 = tpu.memref_squeeze %dma_start3A_65 : memref<1x80x128xi32, #tpu.memory_space<hbm>> -> memref<80x128xi32, #tpu.memory_space<hbm>>
        tpu.enqueue_dma source(%dma_start3A_66 : memref<80x128xi32, #tpu.memory_space<hbm>>) target(%arg5 : memref<80x128xi32, #tpu.memory_space<vmem>>) target_semaphore(%run_scoped3A_60 : memref<!tpu.dma_semaphore, #tpu.memory_space<semaphore_mem>>)
        %dma_wait3A = arith.constant 0 : i32
        %dma_wait3A_67 = tpu.memref_slice %arg2[%run_scoped3A, %mul3A_59, %dma_wait3A] : memref<2x2500x128xi32, #tpu.memory_space<hbm>> -> memref<1x80x128xi32, #tpu.memory_space<hbm>>
        %dma_wait3A_68 = tpu.memref_squeeze %dma_wait3A_67 : memref<1x80x128xi32, #tpu.memory_space<hbm>> -> memref<80x128xi32, #tpu.memory_space<hbm>>
        %dma_wait3A_69 = arith.constant 0 : i32
        %dma_wait3A_70 = tpu.memref_slice %arg2[%run_scoped3A, %mul3A_59, %dma_wait3A_69] : memref<2x2500x128xi32, #tpu.memory_space<hbm>> -> memref<1x80x128xi32, #tpu.memory_space<hbm>>
        %dma_wait3A_71 = tpu.memref_squeeze %dma_wait3A_70 : memref<1x80x128xi32, #tpu.memory_space<hbm>> -> memref<80x128xi32, #tpu.memory_space<hbm>>
        tpu.wait_dma2 semaphore(%run_scoped3A_60 : memref<!tpu.dma_semaphore, #tpu.memory_space<semaphore_mem>>) src(%dma_wait3A_71 : memref<80x128xi32, #tpu.memory_space<hbm>>) dst(%arg5 : memref<80x128xi32, #tpu.memory_space<vmem>>)
        tpu.yield
      }) : () -> ()
    } else {
    }
    %eq3A = arith.constant 31 : i32
    %eq3A_5 = arith.cmpi eq, %add3A, %eq3A : i32
    %convert_element_type3A_6 = arith.extui %eq3A_5 : i1 to i32
    %cond3A_7 = arith.constant 0 : i32
    %cond3A_8 = arith.cmpi ne, %convert_element_type3A_6, %cond3A_7 : i32
    scf.if %cond3A_8 {
      %run_scoped3A = arith.constant 0 : i32
      "tpu.region"() ({
        %run_scoped3A_58 = tpu.sem_alloc : memref<!tpu.dma_semaphore, #tpu.memory_space<semaphore_mem>>
        %dma_start3A_59 = arith.constant 0 : i32
        %dma_start3A_60 = arith.constant 0 : i32
        %dma_start3A_61 = tpu.memref_slice %arg5[%dma_start3A_59, %dma_start3A_60] : memref<80x128xi32, #tpu.memory_space<vmem>> -> memref<20x128xi32, #tpu.memory_space<vmem>>
        %dma_start3A_62 = arith.constant 2480 : i32
        %dma_start3A_63 = arith.constant 0 : i32
        %dma_start3A_64 = tpu.memref_slice %arg2[%run_scoped3A, %dma_start3A_62, %dma_start3A_63] : memref<2x2500x128xi32, #tpu.memory_space<hbm>> -> memref<1x20x128xi32, #tpu.memory_space<hbm>>
        %dma_start3A_65 = tpu.memref_squeeze %dma_start3A_64 : memref<1x20x128xi32, #tpu.memory_space<hbm>> -> memref<20x128xi32, #tpu.memory_space<hbm>>
        %dma_start3A_66 = arith.constant 0 : i32
        %dma_start3A_67 = arith.constant 0 : i32
        %dma_start3A_68 = tpu.memref_slice %arg5[%dma_start3A_66, %dma_start3A_67] : memref<80x128xi32, #tpu.memory_space<vmem>> -> memref<20x128xi32, #tpu.memory_space<vmem>>
        %dma_start3A_69 = arith.constant 2480 : i32
        %dma_start3A_70 = arith.constant 0 : i32
        %dma_start3A_71 = tpu.memref_slice %arg2[%run_scoped3A, %dma_start3A_69, %dma_start3A_70] : memref<2x2500x128xi32, #tpu.memory_space<hbm>> -> memref<1x20x128xi32, #tpu.memory_space<hbm>>
        %dma_start3A_72 = tpu.memref_squeeze %dma_start3A_71 : memref<1x20x128xi32, #tpu.memory_space<hbm>> -> memref<20x128xi32, #tpu.memory_space<hbm>>
        tpu.enqueue_dma source(%dma_start3A_72 : memref<20x128xi32, #tpu.memory_space<hbm>>) target(%dma_start3A_68 : memref<20x128xi32, #tpu.memory_space<vmem>>) target_semaphore(%run_scoped3A_58 : memref<!tpu.dma_semaphore, #tpu.memory_space<semaphore_mem>>)
        %dma_wait3A = arith.constant 0 : i32
        %dma_wait3A_73 = arith.constant 0 : i32
        %dma_wait3A_74 = tpu.memref_slice %arg5[%dma_wait3A, %dma_wait3A_73] : memref<80x128xi32, #tpu.memory_space<vmem>> -> memref<20x128xi32, #tpu.memory_space<vmem>>
        %dma_wait3A_75 = arith.constant 2480 : i32
        %dma_wait3A_76 = arith.constant 0 : i32
        %dma_wait3A_77 = tpu.memref_slice %arg2[%run_scoped3A, %dma_wait3A_75, %dma_wait3A_76] : memref<2x2500x128xi32, #tpu.memory_space<hbm>> -> memref<1x20x128xi32, #tpu.memory_space<hbm>>
        %dma_wait3A_78 = tpu.memref_squeeze %dma_wait3A_77 : memref<1x20x128xi32, #tpu.memory_space<hbm>> -> memref<20x128xi32, #tpu.memory_space<hbm>>
        %dma_wait3A_79 = arith.constant 0 : i32
        %dma_wait3A_80 = arith.constant 0 : i32
        %dma_wait3A_81 = tpu.memref_slice %arg5[%dma_wait3A_79, %dma_wait3A_80] : memref<80x128xi32, #tpu.memory_space<vmem>> -> memref<20x128xi32, #tpu.memory_space<vmem>>
        %dma_wait3A_82 = arith.constant 2480 : i32
        %dma_wait3A_83 = arith.constant 0 : i32
        %dma_wait3A_84 = tpu.memref_slice %arg2[%run_scoped3A, %dma_wait3A_82, %dma_wait3A_83] : memref<2x2500x128xi32, #tpu.memory_space<hbm>> -> memref<1x20x128xi32, #tpu.memory_space<hbm>>
        %dma_wait3A_85 = tpu.memref_squeeze %dma_wait3A_84 : memref<1x20x128xi32, #tpu.memory_space<hbm>> -> memref<20x128xi32, #tpu.memory_space<hbm>>
        tpu.wait_dma2 semaphore(%run_scoped3A_58 : memref<!tpu.dma_semaphore, #tpu.memory_space<semaphore_mem>>) src(%dma_wait3A_85 : memref<20x128xi32, #tpu.memory_space<hbm>>) dst(%dma_wait3A_81 : memref<20x128xi32, #tpu.memory_space<vmem>>)
        tpu.yield
      }) : () -> ()
    } else {
    }
    %lt3A_9 = arith.constant 31 : i32
    %lt3A_10 = arith.cmpi slt, %add3A, %lt3A_9 : i32
    %convert_element_type3A_11 = arith.extui %lt3A_10 : i1 to i32
    %cond3A_12 = arith.constant 0 : i32
    %cond3A_13 = arith.cmpi ne, %convert_element_type3A_11, %cond3A_12 : i32
    scf.if %cond3A_13 {
      %mul3A_58 = arith.constant 80 : i32
      %mul3A_59 = arith.muli %add3A, %mul3A_58 : i32
      %run_scoped3A = arith.constant 1 : i32
      "tpu.region"() ({
        %run_scoped3A_60 = tpu.sem_alloc : memref<!tpu.dma_semaphore, #tpu.memory_space<semaphore_mem>>
        %dma_start3A_61 = arith.constant 0 : i32
        %dma_start3A_62 = tpu.memref_slice %arg2[%run_scoped3A, %mul3A_59, %dma_start3A_61] : memref<2x2500x128xi32, #tpu.memory_space<hbm>> -> memref<1x80x128xi32, #tpu.memory_space<hbm>>
        %dma_start3A_63 = tpu.memref_squeeze %dma_start3A_62 : memref<1x80x128xi32, #tpu.memory_space<hbm>> -> memref<80x128xi32, #tpu.memory_space<hbm>>
        %dma_start3A_64 = arith.constant 0 : i32
        %dma_start3A_65 = tpu.memref_slice %arg2[%run_scoped3A, %mul3A_59, %dma_start3A_64] : memref<2x2500x128xi32, #tpu.memory_space<hbm>> -> memref<1x80x128xi32, #tpu.memory_space<hbm>>
        %dma_start3A_66 = tpu.memref_squeeze %dma_start3A_65 : memref<1x80x128xi32, #tpu.memory_space<hbm>> -> memref<80x128xi32, #tpu.memory_space<hbm>>
        tpu.enqueue_dma source(%dma_start3A_66 : memref<80x128xi32, #tpu.memory_space<hbm>>) target(%arg6 : memref<80x128xi32, #tpu.memory_space<vmem>>) target_semaphore(%run_scoped3A_60 : memref<!tpu.dma_semaphore, #tpu.memory_space<semaphore_mem>>)
        %dma_wait3A = arith.constant 0 : i32
        %dma_wait3A_67 = tpu.memref_slice %arg2[%run_scoped3A, %mul3A_59, %dma_wait3A] : memref<2x2500x128xi32, #tpu.memory_space<hbm>> -> memref<1x80x128xi32, #tpu.memory_space<hbm>>
        %dma_wait3A_68 = tpu.memref_squeeze %dma_wait3A_67 : memref<1x80x128xi32, #tpu.memory_space<hbm>> -> memref<80x128xi32, #tpu.memory_space<hbm>>
        %dma_wait3A_69 = arith.constant 0 : i32
        %dma_wait3A_70 = tpu.memref_slice %arg2[%run_scoped3A, %mul3A_59, %dma_wait3A_69] : memref<2x2500x128xi32, #tpu.memory_space<hbm>> -> memref<1x80x128xi32, #tpu.memory_space<hbm>>
        %dma_wait3A_71 = tpu.memref_squeeze %dma_wait3A_70 : memref<1x80x128xi32, #tpu.memory_space<hbm>> -> memref<80x128xi32, #tpu.memory_space<hbm>>
        tpu.wait_dma2 semaphore(%run_scoped3A_60 : memref<!tpu.dma_semaphore, #tpu.memory_space<semaphore_mem>>) src(%dma_wait3A_71 : memref<80x128xi32, #tpu.memory_space<hbm>>) dst(%arg6 : memref<80x128xi32, #tpu.memory_space<vmem>>)
        tpu.yield
      }) : () -> ()
    } else {
    }
    %eq3A_14 = arith.constant 31 : i32
    %eq3A_15 = arith.cmpi eq, %add3A, %eq3A_14 : i32
    %convert_element_type3A_16 = arith.extui %eq3A_15 : i1 to i32
    %cond3A_17 = arith.constant 0 : i32
    %cond3A_18 = arith.cmpi ne, %convert_element_type3A_16, %cond3A_17 : i32
    scf.if %cond3A_18 {
      %run_scoped3A = arith.constant 1 : i32
      "tpu.region"() ({
        %run_scoped3A_58 = tpu.sem_alloc : memref<!tpu.dma_semaphore, #tpu.memory_space<semaphore_mem>>
        %dma_start3A_59 = arith.constant 0 : i32
        %dma_start3A_60 = arith.constant 0 : i32
        %dma_start3A_61 = tpu.memref_slice %arg6[%dma_start3A_59, %dma_start3A_60] : memref<80x128xi32, #tpu.memory_space<vmem>> -> memref<20x128xi32, #tpu.memory_space<vmem>>
        %dma_start3A_62 = arith.constant 2480 : i32
        %dma_start3A_63 = arith.constant 0 : i32
        %dma_start3A_64 = tpu.memref_slice %arg2[%run_scoped3A, %dma_start3A_62, %dma_start3A_63] : memref<2x2500x128xi32, #tpu.memory_space<hbm>> -> memref<1x20x128xi32, #tpu.memory_space<hbm>>
        %dma_start3A_65 = tpu.memref_squeeze %dma_start3A_64 : memref<1x20x128xi32, #tpu.memory_space<hbm>> -> memref<20x128xi32, #tpu.memory_space<hbm>>
        %dma_start3A_66 = arith.constant 0 : i32
        %dma_start3A_67 = arith.constant 0 : i32
        %dma_start3A_68 = tpu.memref_slice %arg6[%dma_start3A_66, %dma_start3A_67] : memref<80x128xi32, #tpu.memory_space<vmem>> -> memref<20x128xi32, #tpu.memory_space<vmem>>
        %dma_start3A_69 = arith.constant 2480 : i32
        %dma_start3A_70 = arith.constant 0 : i32
        %dma_start3A_71 = tpu.memref_slice %arg2[%run_scoped3A, %dma_start3A_69, %dma_start3A_70] : memref<2x2500x128xi32, #tpu.memory_space<hbm>> -> memref<1x20x128xi32, #tpu.memory_space<hbm>>
        %dma_start3A_72 = tpu.memref_squeeze %dma_start3A_71 : memref<1x20x128xi32, #tpu.memory_space<hbm>> -> memref<20x128xi32, #tpu.memory_space<hbm>>
        tpu.enqueue_dma source(%dma_start3A_72 : memref<20x128xi32, #tpu.memory_space<hbm>>) target(%dma_start3A_68 : memref<20x128xi32, #tpu.memory_space<vmem>>) target_semaphore(%run_scoped3A_58 : memref<!tpu.dma_semaphore, #tpu.memory_space<semaphore_mem>>)
        %dma_wait3A = arith.constant 0 : i32
        %dma_wait3A_73 = arith.constant 0 : i32
        %dma_wait3A_74 = tpu.memref_slice %arg6[%dma_wait3A, %dma_wait3A_73] : memref<80x128xi32, #tpu.memory_space<vmem>> -> memref<20x128xi32, #tpu.memory_space<vmem>>
        %dma_wait3A_75 = arith.constant 2480 : i32
        %dma_wait3A_76 = arith.constant 0 : i32
        %dma_wait3A_77 = tpu.memref_slice %arg2[%run_scoped3A, %dma_wait3A_75, %dma_wait3A_76] : memref<2x2500x128xi32, #tpu.memory_space<hbm>> -> memref<1x20x128xi32, #tpu.memory_space<hbm>>
        %dma_wait3A_78 = tpu.memref_squeeze %dma_wait3A_77 : memref<1x20x128xi32, #tpu.memory_space<hbm>> -> memref<20x128xi32, #tpu.memory_space<hbm>>
        %dma_wait3A_79 = arith.constant 0 : i32
        %dma_wait3A_80 = arith.constant 0 : i32
        %dma_wait3A_81 = tpu.memref_slice %arg6[%dma_wait3A_79, %dma_wait3A_80] : memref<80x128xi32, #tpu.memory_space<vmem>> -> memref<20x128xi32, #tpu.memory_space<vmem>>
        %dma_wait3A_82 = arith.constant 2480 : i32
        %dma_wait3A_83 = arith.constant 0 : i32
        %dma_wait3A_84 = tpu.memref_slice %arg2[%run_scoped3A, %dma_wait3A_82, %dma_wait3A_83] : memref<2x2500x128xi32, #tpu.memory_space<hbm>> -> memref<1x20x128xi32, #tpu.memory_space<hbm>>
        %dma_wait3A_85 = tpu.memref_squeeze %dma_wait3A_84 : memref<1x20x128xi32, #tpu.memory_space<hbm>> -> memref<20x128xi32, #tpu.memory_space<hbm>>
        tpu.wait_dma2 semaphore(%run_scoped3A_58 : memref<!tpu.dma_semaphore, #tpu.memory_space<semaphore_mem>>) src(%dma_wait3A_85 : memref<20x128xi32, #tpu.memory_space<hbm>>) dst(%dma_wait3A_81 : memref<20x128xi32, #tpu.memory_space<vmem>>)
        tpu.yield
      }) : () -> ()
    } else {
    }
    "tpu.region"() ({
      %run_scoped3A = tpu.sem_alloc : memref<!tpu.dma_semaphore, #tpu.memory_space<semaphore_mem>>
      %dma_start3A_58 = arith.constant 0 : i32
      %dma_start3A_59 = tpu.memref_slice %arg9[%mul3A_2, %dma_start3A_58] : memref<10240x16xf32, #tpu.memory_space<vmem_shared>> -> memref<640x16xf32, #tpu.memory_space<vmem_shared>>
      %dma_start3A_60 = arith.constant 0 : i32
      %dma_start3A_61 = tpu.memref_slice %arg3[%mul3A_2, %dma_start3A_60] : memref<10240x16xf32, #tpu.memory_space<hbm>> -> memref<640x16xf32, #tpu.memory_space<hbm>>
      tpu.enqueue_dma source(%dma_start3A_61 : memref<640x16xf32, #tpu.memory_space<hbm>>) target(%dma_start3A_59 : memref<640x16xf32, #tpu.memory_space<vmem_shared>>) target_semaphore(%run_scoped3A : memref<!tpu.dma_semaphore, #tpu.memory_space<semaphore_mem>>)
      %dma_wait3A = arith.constant 0 : i32
      %dma_wait3A_62 = tpu.memref_slice %arg9[%mul3A_2, %dma_wait3A] : memref<10240x16xf32, #tpu.memory_space<vmem_shared>> -> memref<640x16xf32, #tpu.memory_space<vmem_shared>>
      %dma_wait3A_63 = arith.constant 0 : i32
      %dma_wait3A_64 = tpu.memref_slice %arg3[%mul3A_2, %dma_wait3A_63] : memref<10240x16xf32, #tpu.memory_space<hbm>> -> memref<640x16xf32, #tpu.memory_space<hbm>>
      tpu.wait_dma2 semaphore(%run_scoped3A : memref<!tpu.dma_semaphore, #tpu.memory_space<semaphore_mem>>) src(%dma_wait3A_64 : memref<640x16xf32, #tpu.memory_space<hbm>>) dst(%dma_wait3A_62 : memref<640x16xf32, #tpu.memory_space<vmem_shared>>)
      tpu.yield
    }) : () -> ()
    %eq3A_19 = arith.constant 0 : i32
    %eq3A_20 = arith.cmpi eq, %arg0, %eq3A_19 : i32
    %convert_element_type3A_21 = arith.extui %eq3A_20 : i1 to i32
    %cond3A_22 = arith.constant 0 : i32
    %cond3A_23 = arith.cmpi ne, %convert_element_type3A_21, %cond3A_22 : i32
    scf.if %cond3A_23 {
      "tpu.region"() ({
        %run_scoped3A = tpu.sem_alloc : memref<!tpu.dma_semaphore, #tpu.memory_space<semaphore_mem>>
        %dma_start3A_58 = arith.constant 0 : i32
        %dma_start3A_59 = tpu.memref_slice %arg8[%mul3A_2, %dma_start3A_58] : memref<10240x16xf32, #tpu.memory_space<vmem_shared>> -> memref<640x16xf32, #tpu.memory_space<vmem_shared>>
        %dma_start3A_60 = arith.constant 0 : i32
        %dma_start3A_61 = tpu.memref_slice %arg3[%mul3A_2, %dma_start3A_60] : memref<10240x16xf32, #tpu.memory_space<hbm>> -> memref<640x16xf32, #tpu.memory_space<hbm>>
        tpu.enqueue_dma source(%dma_start3A_61 : memref<640x16xf32, #tpu.memory_space<hbm>>) target(%dma_start3A_59 : memref<640x16xf32, #tpu.memory_space<vmem_shared>>) target_semaphore(%run_scoped3A : memref<!tpu.dma_semaphore, #tpu.memory_space<semaphore_mem>>)
        %dma_wait3A = arith.constant 0 : i32
        %dma_wait3A_62 = tpu.memref_slice %arg8[%mul3A_2, %dma_wait3A] : memref<10240x16xf32, #tpu.memory_space<vmem_shared>> -> memref<640x16xf32, #tpu.memory_space<vmem_shared>>
        %dma_wait3A_63 = arith.constant 0 : i32
        %dma_wait3A_64 = tpu.memref_slice %arg3[%mul3A_2, %dma_wait3A_63] : memref<10240x16xf32, #tpu.memory_space<hbm>> -> memref<640x16xf32, #tpu.memory_space<hbm>>
        tpu.wait_dma2 semaphore(%run_scoped3A : memref<!tpu.dma_semaphore, #tpu.memory_space<semaphore_mem>>) src(%dma_wait3A_64 : memref<640x16xf32, #tpu.memory_space<hbm>>) dst(%dma_wait3A_62 : memref<640x16xf32, #tpu.memory_space<vmem_shared>>)
        tpu.yield
      }) : () -> ()
    } else {
    }
    %ne3A = arith.constant 0 : i32
    %ne3A_24 = arith.cmpi ne, %arg0, %ne3A : i32
    %convert_element_type3A_25 = arith.extui %ne3A_24 : i1 to i32
    %cond3A_26 = arith.constant 0 : i32
    %cond3A_27 = arith.cmpi ne, %convert_element_type3A_25, %cond3A_26 : i32
    scf.if %cond3A_27 {
      %broadcast_in_dim3A = arith.constant 0.000000e+00 : f32
      %broadcast_in_dim3A_58 = vector.broadcast %broadcast_in_dim3A : f32 to vector<16xf32>
      %scan3A = arith.constant 0 : i32
      %scan3A_59 = arith.constant 0 : i32
      %scan3A_60 = arith.constant 0 : i32
      %scan3A_61 = arith.constant 128 : i32
      %scan3A_62 = arith.addi %scan3A_60, %scan3A_61 : i32
      %scan3A_63 = arith.constant 1 : i32
      scf.for %scan3A_79 = %scan3A_60 to %scan3A_62 step %scan3A_63  : i32 {
        %jit3A_80 = arith.constant 1 : i32
        %div3A = arith.divsi %scan3A_79, %jit3A_80 : i32
        %sign3A = arith.constant 0 : i32
        %sign3A_81 = arith.cmpi sgt, %scan3A_79, %sign3A : i32
        %sign3A_82 = arith.extui %sign3A_81 : i1 to i32
        %sign3A_83 = arith.constant 0 : i32
        %sign3A_84 = arith.cmpi slt, %scan3A_79, %sign3A_83 : i32
        %sign3A_85 = arith.extui %sign3A_84 : i1 to i32
        %sign3A_86 = arith.subi %sign3A_82, %sign3A_85 : i32
        %sign3A_87 = arith.constant 0 : i32
        %sign3A_88 = arith.cmpi sgt, %jit3A_80, %sign3A_87 : i32
        %sign3A_89 = arith.extui %sign3A_88 : i1 to i32
        %sign3A_90 = arith.constant 0 : i32
        %sign3A_91 = arith.cmpi slt, %jit3A_80, %sign3A_90 : i32
        %sign3A_92 = arith.extui %sign3A_91 : i1 to i32
        %sign3A_93 = arith.subi %sign3A_89, %sign3A_92 : i32
        %ne3A_94 = arith.cmpi ne, %sign3A_86, %sign3A_93 : i32
        %rem3A = arith.remsi %scan3A_79, %jit3A_80 : i32
        %ne3A_95 = arith.constant 0 : i32
        %ne3A_96 = arith.cmpi ne, %rem3A, %ne3A_95 : i32
        %and3A = arith.andi %ne3A_94, %ne3A_96 : i1
        %sub3A = arith.constant 1 : i32
        %sub3A_97 = arith.subi %div3A, %sub3A : i32
        %select_n3A_98 = arith.select %and3A, %sub3A_97, %div3A : i32
        %jit3A_99 = arith.constant 1 : i32
        %eq3A_100 = arith.constant 0 : i32
        %eq3A_101 = arith.cmpi eq, %jit3A_99, %eq3A_100 : i32
        %jit3A_102 = arith.constant 1 : i32
        %select_n3A_103 = arith.select %eq3A_101, %jit3A_102, %jit3A_99 : i32
        %rem3A_104 = arith.remsi %scan3A_79, %select_n3A_103 : i32
        %ne3A_105 = arith.constant 0 : i32
        %ne3A_106 = arith.cmpi ne, %rem3A_104, %ne3A_105 : i32
        %lt3A_107 = arith.constant 0 : i32
        %lt3A_108 = arith.cmpi slt, %rem3A_104, %lt3A_107 : i32
        %lt3A_109 = arith.constant 0 : i32
        %lt3A_110 = arith.cmpi slt, %select_n3A_103, %lt3A_109 : i32
        %ne3A_111 = arith.xori %lt3A_108, %lt3A_110 : i1
        %and3A_112 = arith.andi %ne3A_111, %ne3A_106 : i1
        %add3A_113 = arith.addi %rem3A_104, %select_n3A_103 : i32
        %select_n3A_114 = arith.select %and3A_112, %add3A_113, %rem3A_104 : i32
        %mul3A_115 = arith.constant 16 : i32
        %mul3A_116 = arith.muli %select_n3A_114, %mul3A_115 : i32
        %swap3A = arith.constant 0 : i32
        %swap3A_117 = arith.constant 0 : i32
        %swap3A_118 = tpu.memref_slice %arg7[%scan3A_59, %swap3A, %swap3A_117] : memref<2x128x16xf32, #tpu.memory_space<vmem>> -> memref<1x128x16xf32, #tpu.memory_space<vmem>>
        %swap3A_119 = tpu.memref_squeeze %swap3A_118 : memref<1x128x16xf32, #tpu.memory_space<vmem>> -> memref<128x16xf32, #tpu.memory_space<vmem>>
        %swap3A_120 = arith.index_cast %select_n3A_98 : i32 to index
        %swap3A_121 = arith.index_cast %mul3A_116 : i32 to index
        %swap3A_122 = tpu.vector_load %swap3A_119[%swap3A_120, %swap3A_121] {strides = array<i32>} : memref<128x16xf32, #tpu.memory_space<vmem>>, vector<1x16xf32>,
        %swap3A_123 = vector.shape_cast %swap3A_122 : vector<1x16xf32> to vector<16xf32>
        %swap3A_124 = vector.shape_cast %broadcast_in_dim3A_58 : vector<16xf32> to vector<1x16xf32>
        tpu.vector_store %swap3A_119[%swap3A_120, %swap3A_121], %swap3A_124 {strides = array<i32>} : memref<128x16xf32, #tpu.memory_space<vmem>>, vector<1x16xf32>,
      }
      %scan3A_64 = arith.constant 128 : i32
      %add3A_65 = arith.constant 0 : i32
      %add3A_66 = arith.addi %mul3A_2, %add3A_65 : i32
      %run_scoped3A = arith.constant 0 : i32
      "tpu.region"() ({
        %run_scoped3A_79 = tpu.sem_alloc : memref<!tpu.dma_semaphore, #tpu.memory_space<semaphore_mem>>
        %dma_start3A_80 = arith.constant 0 : i32
        %dma_start3A_81 = arith.constant 0 : i32
        %dma_start3A_82 = tpu.memref_slice %arg7[%run_scoped3A, %dma_start3A_80, %dma_start3A_81] : memref<2x128x16xf32, #tpu.memory_space<vmem>> -> memref<1x128x16xf32, #tpu.memory_space<vmem>>
        %dma_start3A_83 = tpu.memref_squeeze %dma_start3A_82 : memref<1x128x16xf32, #tpu.memory_space<vmem>> -> memref<128x16xf32, #tpu.memory_space<vmem>>
        %dma_start3A_84 = arith.constant 0 : i32
        %dma_start3A_85 = tpu.memref_slice %arg8[%add3A_66, %dma_start3A_84] : memref<10240x16xf32, #tpu.memory_space<vmem_shared>> -> memref<128x16xf32, #tpu.memory_space<vmem_shared>>
        %dma_start3A_86 = arith.constant 0 : i32
        %dma_start3A_87 = tpu.memref_slice %arg8[%add3A_66, %dma_start3A_86] : memref<10240x16xf32, #tpu.memory_space<vmem_shared>> -> memref<128x16xf32, #tpu.memory_space<vmem_shared>>
        %dma_start3A_88 = arith.constant 0 : i32
        %dma_start3A_89 = arith.constant 0 : i32
        %dma_start3A_90 = tpu.memref_slice %arg7[%run_scoped3A, %dma_start3A_88, %dma_start3A_89] : memref<2x128x16xf32, #tpu.memory_space<vmem>> -> memref<1x128x16xf32, #tpu.memory_space<vmem>>
        %dma_start3A_91 = tpu.memref_squeeze %dma_start3A_90 : memref<1x128x16xf32, #tpu.memory_space<vmem>> -> memref<128x16xf32, #tpu.memory_space<vmem>>
        tpu.enqueue_dma source(%dma_start3A_91 : memref<128x16xf32, #tpu.memory_space<vmem>>) target(%dma_start3A_87 : memref<128x16xf32, #tpu.memory_space<vmem_shared>>) target_semaphore(%run_scoped3A_79 : memref<!tpu.dma_semaphore, #tpu.memory_space<semaphore_mem>>)
        %dma_wait3A = arith.constant 0 : i32
        %dma_wait3A_92 = arith.constant 0 : i32
        %dma_wait3A_93 = tpu.memref_slice %arg7[%run_scoped3A, %dma_wait3A, %dma_wait3A_92] : memref<2x128x16xf32, #tpu.memory_space<vmem>> -> memref<1x128x16xf32, #tpu.memory_space<vmem>>
        %dma_wait3A_94 = tpu.memref_squeeze %dma_wait3A_93 : memref<1x128x16xf32, #tpu.memory_space<vmem>> -> memref<128x16xf32, #tpu.memory_space<vmem>>
        %dma_wait3A_95 = arith.constant 0 : i32
        %dma_wait3A_96 = tpu.memref_slice %arg8[%add3A_66, %dma_wait3A_95] : memref<10240x16xf32, #tpu.memory_space<vmem_shared>> -> memref<128x16xf32, #tpu.memory_space<vmem_shared>>
        %dma_wait3A_97 = arith.constant 0 : i32
        %dma_wait3A_98 = tpu.memref_slice %arg8[%add3A_66, %dma_wait3A_97] : memref<10240x16xf32, #tpu.memory_space<vmem_shared>> -> memref<128x16xf32, #tpu.memory_space<vmem_shared>>
        %dma_wait3A_99 = arith.constant 0 : i32
        %dma_wait3A_100 = arith.constant 0 : i32
        %dma_wait3A_101 = tpu.memref_slice %arg7[%run_scoped3A, %dma_wait3A_99, %dma_wait3A_100] : memref<2x128x16xf32, #tpu.memory_space<vmem>> -> memref<1x128x16xf32, #tpu.memory_space<vmem>>
        %dma_wait3A_102 = tpu.memref_squeeze %dma_wait3A_101 : memref<1x128x16xf32, #tpu.memory_space<vmem>> -> memref<128x16xf32, #tpu.memory_space<vmem>>
        tpu.wait_dma2 semaphore(%run_scoped3A_79 : memref<!tpu.dma_semaphore, #tpu.memory_space<semaphore_mem>>) src(%dma_wait3A_102 : memref<128x16xf32, #tpu.memory_space<vmem>>) dst(%dma_wait3A_98 : memref<128x16xf32, #tpu.memory_space<vmem_shared>>)
        tpu.yield
      }) : () -> ()
      %add3A_67 = arith.constant 128 : i32
      %add3A_68 = arith.addi %mul3A_2, %add3A_67 : i32
      %run_scoped3A_69 = arith.constant 0 : i32
      "tpu.region"() ({
        %run_scoped3A_79 = tpu.sem_alloc : memref<!tpu.dma_semaphore, #tpu.memory_space<semaphore_mem>>
        %dma_start3A_80 = arith.constant 0 : i32
        %dma_start3A_81 = arith.constant 0 : i32
        %dma_start3A_82 = tpu.memref_slice %arg7[%run_scoped3A_69, %dma_start3A_80, %dma_start3A_81] : memref<2x128x16xf32, #tpu.memory_space<vmem>> -> memref<1x128x16xf32, #tpu.memory_space<vmem>>
        %dma_start3A_83 = tpu.memref_squeeze %dma_start3A_82 : memref<1x128x16xf32, #tpu.memory_space<vmem>> -> memref<128x16xf32, #tpu.memory_space<vmem>>
        %dma_start3A_84 = arith.constant 0 : i32
        %dma_start3A_85 = tpu.memref_slice %arg8[%add3A_68, %dma_start3A_84] : memref<10240x16xf32, #tpu.memory_space<vmem_shared>> -> memref<128x16xf32, #tpu.memory_space<vmem_shared>>
        %dma_start3A_86 = arith.constant 0 : i32
        %dma_start3A_87 = tpu.memref_slice %arg8[%add3A_68, %dma_start3A_86] : memref<10240x16xf32, #tpu.memory_space<vmem_shared>> -> memref<128x16xf32, #tpu.memory_space<vmem_shared>>
        %dma_start3A_88 = arith.constant 0 : i32
        %dma_start3A_89 = arith.constant 0 : i32
        %dma_start3A_90 = tpu.memref_slice %arg7[%run_scoped3A_69, %dma_start3A_88, %dma_start3A_89] : memref<2x128x16xf32, #tpu.memory_space<vmem>> -> memref<1x128x16xf32, #tpu.memory_space<vmem>>
        %dma_start3A_91 = tpu.memref_squeeze %dma_start3A_90 : memref<1x128x16xf32, #tpu.memory_space<vmem>> -> memref<128x16xf32, #tpu.memory_space<vmem>>
        tpu.enqueue_dma source(%dma_start3A_91 : memref<128x16xf32, #tpu.memory_space<vmem>>) target(%dma_start3A_87 : memref<128x16xf32, #tpu.memory_space<vmem_shared>>) target_semaphore(%run_scoped3A_79 : memref<!tpu.dma_semaphore, #tpu.memory_space<semaphore_mem>>)
        %dma_wait3A = arith.constant 0 : i32
        %dma_wait3A_92 = arith.constant 0 : i32
        %dma_wait3A_93 = tpu.memref_slice %arg7[%run_scoped3A_69, %dma_wait3A, %dma_wait3A_92] : memref<2x128x16xf32, #tpu.memory_space<vmem>> -> memref<1x128x16xf32, #tpu.memory_space<vmem>>
        %dma_wait3A_94 = tpu.memref_squeeze %dma_wait3A_93 : memref<1x128x16xf32, #tpu.memory_space<vmem>> -> memref<128x16xf32, #tpu.memory_space<vmem>>
        %dma_wait3A_95 = arith.constant 0 : i32
        %dma_wait3A_96 = tpu.memref_slice %arg8[%add3A_68, %dma_wait3A_95] : memref<10240x16xf32, #tpu.memory_space<vmem_shared>> -> memref<128x16xf32, #tpu.memory_space<vmem_shared>>
        %dma_wait3A_97 = arith.constant 0 : i32
        %dma_wait3A_98 = tpu.memref_slice %arg8[%add3A_68, %dma_wait3A_97] : memref<10240x16xf32, #tpu.memory_space<vmem_shared>> -> memref<128x16xf32, #tpu.memory_space<vmem_shared>>
        %dma_wait3A_99 = arith.constant 0 : i32
        %dma_wait3A_100 = arith.constant 0 : i32
        %dma_wait3A_101 = tpu.memref_slice %arg7[%run_scoped3A_69, %dma_wait3A_99, %dma_wait3A_100] : memref<2x128x16xf32, #tpu.memory_space<vmem>> -> memref<1x128x16xf32, #tpu.memory_space<vmem>>
        %dma_wait3A_102 = tpu.memref_squeeze %dma_wait3A_101 : memref<1x128x16xf32, #tpu.memory_space<vmem>> -> memref<128x16xf32, #tpu.memory_space<vmem>>
        tpu.wait_dma2 semaphore(%run_scoped3A_79 : memref<!tpu.dma_semaphore, #tpu.memory_space<semaphore_mem>>) src(%dma_wait3A_102 : memref<128x16xf32, #tpu.memory_space<vmem>>) dst(%dma_wait3A_98 : memref<128x16xf32, #tpu.memory_space<vmem_shared>>)
        tpu.yield
      }) : () -> ()
      %add3A_70 = arith.constant 256 : i32
      %add3A_71 = arith.addi %mul3A_2, %add3A_70 : i32
      %run_scoped3A_72 = arith.constant 0 : i32
      "tpu.region"() ({
        %run_scoped3A_79 = tpu.sem_alloc : memref<!tpu.dma_semaphore, #tpu.memory_space<semaphore_mem>>
        %dma_start3A_80 = arith.constant 0 : i32
        %dma_start3A_81 = arith.constant 0 : i32
        %dma_start3A_82 = tpu.memref_slice %arg7[%run_scoped3A_72, %dma_start3A_80, %dma_start3A_81] : memref<2x128x16xf32, #tpu.memory_space<vmem>> -> memref<1x128x16xf32, #tpu.memory_space<vmem>>
        %dma_start3A_83 = tpu.memref_squeeze %dma_start3A_82 : memref<1x128x16xf32, #tpu.memory_space<vmem>> -> memref<128x16xf32, #tpu.memory_space<vmem>>
        %dma_start3A_84 = arith.constant 0 : i32
        %dma_start3A_85 = tpu.memref_slice %arg8[%add3A_71, %dma_start3A_84] : memref<10240x16xf32, #tpu.memory_space<vmem_shared>> -> memref<128x16xf32, #tpu.memory_space<vmem_shared>>
        %dma_start3A_86 = arith.constant 0 : i32
        %dma_start3A_87 = tpu.memref_slice %arg8[%add3A_71, %dma_start3A_86] : memref<10240x16xf32, #tpu.memory_space<vmem_shared>> -> memref<128x16xf32, #tpu.memory_space<vmem_shared>>
        %dma_start3A_88 = arith.constant 0 : i32
        %dma_start3A_89 = arith.constant 0 : i32
        %dma_start3A_90 = tpu.memref_slice %arg7[%run_scoped3A_72, %dma_start3A_88, %dma_start3A_89] : memref<2x128x16xf32, #tpu.memory_space<vmem>> -> memref<1x128x16xf32, #tpu.memory_space<vmem>>
        %dma_start3A_91 = tpu.memref_squeeze %dma_start3A_90 : memref<1x128x16xf32, #tpu.memory_space<vmem>> -> memref<128x16xf32, #tpu.memory_space<vmem>>
        tpu.enqueue_dma source(%dma_start3A_91 : memref<128x16xf32, #tpu.memory_space<vmem>>) target(%dma_start3A_87 : memref<128x16xf32, #tpu.memory_space<vmem_shared>>) target_semaphore(%run_scoped3A_79 : memref<!tpu.dma_semaphore, #tpu.memory_space<semaphore_mem>>)
        %dma_wait3A = arith.constant 0 : i32
        %dma_wait3A_92 = arith.constant 0 : i32
        %dma_wait3A_93 = tpu.memref_slice %arg7[%run_scoped3A_72, %dma_wait3A, %dma_wait3A_92] : memref<2x128x16xf32, #tpu.memory_space<vmem>> -> memref<1x128x16xf32, #tpu.memory_space<vmem>>
        %dma_wait3A_94 = tpu.memref_squeeze %dma_wait3A_93 : memref<1x128x16xf32, #tpu.memory_space<vmem>> -> memref<128x16xf32, #tpu.memory_space<vmem>>
        %dma_wait3A_95 = arith.constant 0 : i32
        %dma_wait3A_96 = tpu.memref_slice %arg8[%add3A_71, %dma_wait3A_95] : memref<10240x16xf32, #tpu.memory_space<vmem_shared>> -> memref<128x16xf32, #tpu.memory_space<vmem_shared>>
        %dma_wait3A_97 = arith.constant 0 : i32
        %dma_wait3A_98 = tpu.memref_slice %arg8[%add3A_71, %dma_wait3A_97] : memref<10240x16xf32, #tpu.memory_space<vmem_shared>> -> memref<128x16xf32, #tpu.memory_space<vmem_shared>>
        %dma_wait3A_99 = arith.constant 0 : i32
        %dma_wait3A_100 = arith.constant 0 : i32
        %dma_wait3A_101 = tpu.memref_slice %arg7[%run_scoped3A_72, %dma_wait3A_99, %dma_wait3A_100] : memref<2x128x16xf32, #tpu.memory_space<vmem>> -> memref<1x128x16xf32, #tpu.memory_space<vmem>>
        %dma_wait3A_102 = tpu.memref_squeeze %dma_wait3A_101 : memref<1x128x16xf32, #tpu.memory_space<vmem>> -> memref<128x16xf32, #tpu.memory_space<vmem>>
        tpu.wait_dma2 semaphore(%run_scoped3A_79 : memref<!tpu.dma_semaphore, #tpu.memory_space<semaphore_mem>>) src(%dma_wait3A_102 : memref<128x16xf32, #tpu.memory_space<vmem>>) dst(%dma_wait3A_98 : memref<128x16xf32, #tpu.memory_space<vmem_shared>>)
        tpu.yield
      }) : () -> ()
      %add3A_73 = arith.constant 384 : i32
      %add3A_74 = arith.addi %mul3A_2, %add3A_73 : i32
      %run_scoped3A_75 = arith.constant 0 : i32
      "tpu.region"() ({
        %run_scoped3A_79 = tpu.sem_alloc : memref<!tpu.dma_semaphore, #tpu.memory_space<semaphore_mem>>
        %dma_start3A_80 = arith.constant 0 : i32
        %dma_start3A_81 = arith.constant 0 : i32
        %dma_start3A_82 = tpu.memref_slice %arg7[%run_scoped3A_75, %dma_start3A_80, %dma_start3A_81] : memref<2x128x16xf32, #tpu.memory_space<vmem>> -> memref<1x128x16xf32, #tpu.memory_space<vmem>>
        %dma_start3A_83 = tpu.memref_squeeze %dma_start3A_82 : memref<1x128x16xf32, #tpu.memory_space<vmem>> -> memref<128x16xf32, #tpu.memory_space<vmem>>
        %dma_start3A_84 = arith.constant 0 : i32
        %dma_start3A_85 = tpu.memref_slice %arg8[%add3A_74, %dma_start3A_84] : memref<10240x16xf32, #tpu.memory_space<vmem_shared>> -> memref<128x16xf32, #tpu.memory_space<vmem_shared>>
        %dma_start3A_86 = arith.constant 0 : i32
        %dma_start3A_87 = tpu.memref_slice %arg8[%add3A_74, %dma_start3A_86] : memref<10240x16xf32, #tpu.memory_space<vmem_shared>> -> memref<128x16xf32, #tpu.memory_space<vmem_shared>>
        %dma_start3A_88 = arith.constant 0 : i32
        %dma_start3A_89 = arith.constant 0 : i32
        %dma_start3A_90 = tpu.memref_slice %arg7[%run_scoped3A_75, %dma_start3A_88, %dma_start3A_89] : memref<2x128x16xf32, #tpu.memory_space<vmem>> -> memref<1x128x16xf32, #tpu.memory_space<vmem>>
        %dma_start3A_91 = tpu.memref_squeeze %dma_start3A_90 : memref<1x128x16xf32, #tpu.memory_space<vmem>> -> memref<128x16xf32, #tpu.memory_space<vmem>>
        tpu.enqueue_dma source(%dma_start3A_91 : memref<128x16xf32, #tpu.memory_space<vmem>>) target(%dma_start3A_87 : memref<128x16xf32, #tpu.memory_space<vmem_shared>>) target_semaphore(%run_scoped3A_79 : memref<!tpu.dma_semaphore, #tpu.memory_space<semaphore_mem>>)
        %dma_wait3A = arith.constant 0 : i32
        %dma_wait3A_92 = arith.constant 0 : i32
        %dma_wait3A_93 = tpu.memref_slice %arg7[%run_scoped3A_75, %dma_wait3A, %dma_wait3A_92] : memref<2x128x16xf32, #tpu.memory_space<vmem>> -> memref<1x128x16xf32, #tpu.memory_space<vmem>>
        %dma_wait3A_94 = tpu.memref_squeeze %dma_wait3A_93 : memref<1x128x16xf32, #tpu.memory_space<vmem>> -> memref<128x16xf32, #tpu.memory_space<vmem>>
        %dma_wait3A_95 = arith.constant 0 : i32
        %dma_wait3A_96 = tpu.memref_slice %arg8[%add3A_74, %dma_wait3A_95] : memref<10240x16xf32, #tpu.memory_space<vmem_shared>> -> memref<128x16xf32, #tpu.memory_space<vmem_shared>>
        %dma_wait3A_97 = arith.constant 0 : i32
        %dma_wait3A_98 = tpu.memref_slice %arg8[%add3A_74, %dma_wait3A_97] : memref<10240x16xf32, #tpu.memory_space<vmem_shared>> -> memref<128x16xf32, #tpu.memory_space<vmem_shared>>
        %dma_wait3A_99 = arith.constant 0 : i32
        %dma_wait3A_100 = arith.constant 0 : i32
        %dma_wait3A_101 = tpu.memref_slice %arg7[%run_scoped3A_75, %dma_wait3A_99, %dma_wait3A_100] : memref<2x128x16xf32, #tpu.memory_space<vmem>> -> memref<1x128x16xf32, #tpu.memory_space<vmem>>
        %dma_wait3A_102 = tpu.memref_squeeze %dma_wait3A_101 : memref<1x128x16xf32, #tpu.memory_space<vmem>> -> memref<128x16xf32, #tpu.memory_space<vmem>>
        tpu.wait_dma2 semaphore(%run_scoped3A_79 : memref<!tpu.dma_semaphore, #tpu.memory_space<semaphore_mem>>) src(%dma_wait3A_102 : memref<128x16xf32, #tpu.memory_space<vmem>>) dst(%dma_wait3A_98 : memref<128x16xf32, #tpu.memory_space<vmem_shared>>)
        tpu.yield
      }) : () -> ()
      %add3A_76 = arith.constant 512 : i32
      %add3A_77 = arith.addi %mul3A_2, %add3A_76 : i32
      %run_scoped3A_78 = arith.constant 0 : i32
      "tpu.region"() ({
        %run_scoped3A_79 = tpu.sem_alloc : memref<!tpu.dma_semaphore, #tpu.memory_space<semaphore_mem>>
        %dma_start3A_80 = arith.constant 0 : i32
        %dma_start3A_81 = arith.constant 0 : i32
        %dma_start3A_82 = tpu.memref_slice %arg7[%run_scoped3A_78, %dma_start3A_80, %dma_start3A_81] : memref<2x128x16xf32, #tpu.memory_space<vmem>> -> memref<1x128x16xf32, #tpu.memory_space<vmem>>
        %dma_start3A_83 = tpu.memref_squeeze %dma_start3A_82 : memref<1x128x16xf32, #tpu.memory_space<vmem>> -> memref<128x16xf32, #tpu.memory_space<vmem>>
        %dma_start3A_84 = arith.constant 0 : i32
        %dma_start3A_85 = tpu.memref_slice %arg8[%add3A_77, %dma_start3A_84] : memref<10240x16xf32, #tpu.memory_space<vmem_shared>> -> memref<128x16xf32, #tpu.memory_space<vmem_shared>>
        %dma_start3A_86 = arith.constant 0 : i32
        %dma_start3A_87 = tpu.memref_slice %arg8[%add3A_77, %dma_start3A_86] : memref<10240x16xf32, #tpu.memory_space<vmem_shared>> -> memref<128x16xf32, #tpu.memory_space<vmem_shared>>
        %dma_start3A_88 = arith.constant 0 : i32
        %dma_start3A_89 = arith.constant 0 : i32
        %dma_start3A_90 = tpu.memref_slice %arg7[%run_scoped3A_78, %dma_start3A_88, %dma_start3A_89] : memref<2x128x16xf32, #tpu.memory_space<vmem>> -> memref<1x128x16xf32, #tpu.memory_space<vmem>>
        %dma_start3A_91 = tpu.memref_squeeze %dma_start3A_90 : memref<1x128x16xf32, #tpu.memory_space<vmem>> -> memref<128x16xf32, #tpu.memory_space<vmem>>
        tpu.enqueue_dma source(%dma_start3A_91 : memref<128x16xf32, #tpu.memory_space<vmem>>) target(%dma_start3A_87 : memref<128x16xf32, #tpu.memory_space<vmem_shared>>) target_semaphore(%run_scoped3A_79 : memref<!tpu.dma_semaphore, #tpu.memory_space<semaphore_mem>>)
        %dma_wait3A = arith.constant 0 : i32
        %dma_wait3A_92 = arith.constant 0 : i32
        %dma_wait3A_93 = tpu.memref_slice %arg7[%run_scoped3A_78, %dma_wait3A, %dma_wait3A_92] : memref<2x128x16xf32, #tpu.memory_space<vmem>> -> memref<1x128x16xf32, #tpu.memory_space<vmem>>
        %dma_wait3A_94 = tpu.memref_squeeze %dma_wait3A_93 : memref<1x128x16xf32, #tpu.memory_space<vmem>> -> memref<128x16xf32, #tpu.memory_space<vmem>>
        %dma_wait3A_95 = arith.constant 0 : i32
        %dma_wait3A_96 = tpu.memref_slice %arg8[%add3A_77, %dma_wait3A_95] : memref<10240x16xf32, #tpu.memory_space<vmem_shared>> -> memref<128x16xf32, #tpu.memory_space<vmem_shared>>
        %dma_wait3A_97 = arith.constant 0 : i32
        %dma_wait3A_98 = tpu.memref_slice %arg8[%add3A_77, %dma_wait3A_97] : memref<10240x16xf32, #tpu.memory_space<vmem_shared>> -> memref<128x16xf32, #tpu.memory_space<vmem_shared>>
        %dma_wait3A_99 = arith.constant 0 : i32
        %dma_wait3A_100 = arith.constant 0 : i32
        %dma_wait3A_101 = tpu.memref_slice %arg7[%run_scoped3A_78, %dma_wait3A_99, %dma_wait3A_100] : memref<2x128x16xf32, #tpu.memory_space<vmem>> -> memref<1x128x16xf32, #tpu.memory_space<vmem>>
        %dma_wait3A_102 = tpu.memref_squeeze %dma_wait3A_101 : memref<1x128x16xf32, #tpu.memory_space<vmem>> -> memref<128x16xf32, #tpu.memory_space<vmem>>
        tpu.wait_dma2 semaphore(%run_scoped3A_79 : memref<!tpu.dma_semaphore, #tpu.memory_space<semaphore_mem>>) src(%dma_wait3A_102 : memref<128x16xf32, #tpu.memory_space<vmem>>) dst(%dma_wait3A_98 : memref<128x16xf32, #tpu.memory_space<vmem_shared>>)
        tpu.yield
      }) : () -> ()
    } else {
    }
    %barrier3A = arith.constant 0 : index
    tpu.barrier barrier_id(%barrier3A)
    %eq3A_28 = arith.constant 31 : i32
    %eq3A_29 = arith.cmpi eq, %add3A, %eq3A_28 : i32
    %jit3A = arith.constant 20 : i32
    %jit3A_30 = arith.constant 80 : i32
    %select_n3A = arith.select %eq3A_29, %jit3A, %jit3A_30 : i32
    %dma_start3A = arith.constant 0 : i32
    %dma_start3A_31 = arith.constant 0 : i32
    %dma_start3A_32 = arith.constant 0 : i32
    %dma_start3A_33 = arith.constant 0 : i32
    %dma_start3A_34 = arith.constant 0 : i32
    %dma_start3A_35 = tpu.memref_slice %arg7[%dma_start3A_31, %dma_start3A_33, %dma_start3A_34] : memref<2x128x16xf32, #tpu.memory_space<vmem>> -> memref<1x128x16xf32, #tpu.memory_space<vmem>>
    %dma_start3A_36 = tpu.memref_squeeze %dma_start3A_35 : memref<1x128x16xf32, #tpu.memory_space<vmem>> -> memref<128x16xf32, #tpu.memory_space<vmem>>
    %dma_start3A_37 = arith.constant 0 : i32
    %dma_start3A_38 = tpu.memref_slice %arg5[%dma_start3A, %dma_start3A_37] : memref<80x128xi32, #tpu.memory_space<vmem>> -> memref<1x128xi32, #tpu.memory_space<vmem>>
    %dma_start3A_39 = tpu.memref_squeeze %dma_start3A_38 : memref<1x128xi32, #tpu.memory_space<vmem>> -> memref<128xi32, #tpu.memory_space<vmem>>
    %dma_start3A_40 = arith.constant 0 : i32
    %dma_start3A_41 = arith.constant 0 : i32
    %dma_start3A_42 = tpu.memref_slice %arg9[%dma_start3A_40, %dma_start3A_41] : memref<10240x16xf32, #tpu.memory_space<vmem_shared>> -> memref<10240x16xf32, #tpu.memory_space<vmem_shared>>
    %dma_start3A_43 = tpu.memref_slice %arg10[%dma_start3A_32] : memref<2x!tpu.dma_semaphore, #tpu.memory_space<semaphore_mem>> -> memref<1x!tpu.dma_semaphore, #tpu.memory_space<semaphore_mem>>
    %dma_start3A_44 = tpu.memref_squeeze %dma_start3A_43 : memref<1x!tpu.dma_semaphore, #tpu.memory_space<semaphore_mem>> -> memref<!tpu.dma_semaphore, #tpu.memory_space<semaphore_mem>>
    tpu.enqueue_indirect_dma source(%dma_start3A_42 : memref<10240x16xf32, #tpu.memory_space<vmem_shared>>) target(%dma_start3A_36 : memref<128x16xf32, #tpu.memory_space<vmem>>) offsets(%dma_start3A_39 : memref<128xi32, #tpu.memory_space<vmem>>) semaphore(%dma_start3A_44 : memref<!tpu.dma_semaphore, #tpu.memory_space<semaphore_mem>>)
    %while3A = arith.constant 0 : i32
    %while3A_45 = arith.constant 0 : i32
    %while3A_46 = arith.subi %select_n3A, %while3A_45 : i32
    %while3A_47 = arith.addi %while3A_45, %while3A_46 : i32
    %while3A_48 = arith.constant 1 : i32
    %while3A_49 = arith.divsi %while3A_46, %while3A_48 : i32
    %while3A_50 = arith.muli %while3A_49, %while3A_48 : i32
    %while3A_51 = arith.addi %while3A_45, %while3A_50 : i32
    %while3A_52 = arith.constant 1 : i32
    scf.for %while3A_58 = %while3A_45 to %while3A_51 step %while3A_52  : i32 {
      %rem3A = arith.constant 2 : i32
      %rem3A_59 = arith.remsi %while3A_58, %rem3A : i32
      %sub3A = arith.constant 1 : i32
      %sub3A_60 = arith.subi %sub3A, %rem3A_59 : i32
      %add3A_61 = arith.constant 1 : i32
      %add3A_62 = arith.addi %while3A_58, %add3A_61 : i32
      %lt3A_63 = arith.cmpi slt, %add3A_62, %select_n3A : i32
      %convert_element_type3A_64 = arith.extui %lt3A_63 : i1 to i32
      %cond3A_65 = arith.constant 0 : i32
      %cond3A_66 = arith.cmpi ne, %convert_element_type3A_64, %cond3A_65 : i32
      scf.if %cond3A_66 {
        %add3A_78 = arith.constant 1 : i32
        %add3A_79 = arith.addi %while3A_58, %add3A_78 : i32
        %dma_start3A_80 = arith.constant 0 : i32
        %dma_start3A_81 = arith.constant 0 : i32
        %dma_start3A_82 = tpu.memref_slice %arg7[%sub3A_60, %dma_start3A_80, %dma_start3A_81] : memref<2x128x16xf32, #tpu.memory_space<vmem>> -> memref<1x128x16xf32, #tpu.memory_space<vmem>>
        %dma_start3A_83 = tpu.memref_squeeze %dma_start3A_82 : memref<1x128x16xf32, #tpu.memory_space<vmem>> -> memref<128x16xf32, #tpu.memory_space<vmem>>
        %dma_start3A_84 = arith.constant 0 : i32
        %dma_start3A_85 = tpu.memref_slice %arg5[%add3A_79, %dma_start3A_84] : memref<80x128xi32, #tpu.memory_space<vmem>> -> memref<1x128xi32, #tpu.memory_space<vmem>>
        %dma_start3A_86 = tpu.memref_squeeze %dma_start3A_85 : memref<1x128xi32, #tpu.memory_space<vmem>> -> memref<128xi32, #tpu.memory_space<vmem>>
        %dma_start3A_87 = arith.constant 0 : i32
        %dma_start3A_88 = arith.constant 0 : i32
        %dma_start3A_89 = tpu.memref_slice %arg9[%dma_start3A_87, %dma_start3A_88] : memref<10240x16xf32, #tpu.memory_space<vmem_shared>> -> memref<10240x16xf32, #tpu.memory_space<vmem_shared>>
        %dma_start3A_90 = tpu.memref_slice %arg10[%sub3A_60] : memref<2x!tpu.dma_semaphore, #tpu.memory_space<semaphore_mem>> -> memref<1x!tpu.dma_semaphore, #tpu.memory_space<semaphore_mem>>
        %dma_start3A_91 = tpu.memref_squeeze %dma_start3A_90 : memref<1x!tpu.dma_semaphore, #tpu.memory_space<semaphore_mem>> -> memref<!tpu.dma_semaphore, #tpu.memory_space<semaphore_mem>>
        tpu.enqueue_indirect_dma source(%dma_start3A_89 : memref<10240x16xf32, #tpu.memory_space<vmem_shared>>) target(%dma_start3A_83 : memref<128x16xf32, #tpu.memory_space<vmem>>) offsets(%dma_start3A_86 : memref<128xi32, #tpu.memory_space<vmem>>) semaphore(%dma_start3A_91 : memref<!tpu.dma_semaphore, #tpu.memory_space<semaphore_mem>>)
      } else {
      }
      %dma_wait3A = arith.constant 0 : i32
      %dma_wait3A_67 = arith.constant 0 : i32
      %dma_wait3A_68 = tpu.memref_slice %arg7[%rem3A_59, %dma_wait3A, %dma_wait3A_67] : memref<2x128x16xf32, #tpu.memory_space<vmem>> -> memref<1x128x16xf32, #tpu.memory_space<vmem>>
      %dma_wait3A_69 = tpu.memref_squeeze %dma_wait3A_68 : memref<1x128x16xf32, #tpu.memory_space<vmem>> -> memref<128x16xf32, #tpu.memory_space<vmem>>
      %dma_wait3A_70 = arith.constant 0 : i32
      %dma_wait3A_71 = tpu.memref_slice %arg5[%while3A_58, %dma_wait3A_70] : memref<80x128xi32, #tpu.memory_space<vmem>> -> memref<1x128xi32, #tpu.memory_space<vmem>>
      %dma_wait3A_72 = tpu.memref_squeeze %dma_wait3A_71 : memref<1x128xi32, #tpu.memory_space<vmem>> -> memref<128xi32, #tpu.memory_space<vmem>>
      %dma_wait3A_73 = arith.constant 0 : i32
      %dma_wait3A_74 = arith.constant 0 : i32
      %dma_wait3A_75 = tpu.memref_slice %arg9[%dma_wait3A_73, %dma_wait3A_74] : memref<10240x16xf32, #tpu.memory_space<vmem_shared>> -> memref<10240x16xf32, #tpu.memory_space<vmem_shared>>
      %dma_wait3A_76 = tpu.memref_slice %arg10[%rem3A_59] : memref<2x!tpu.dma_semaphore, #tpu.memory_space<semaphore_mem>> -> memref<1x!tpu.dma_semaphore, #tpu.memory_space<semaphore_mem>>
      %dma_wait3A_77 = tpu.memref_squeeze %dma_wait3A_76 : memref<1x!tpu.dma_semaphore, #tpu.memory_space<semaphore_mem>> -> memref<!tpu.dma_semaphore, #tpu.memory_space<semaphore_mem>>
      tpu.wait_indirect_dma semaphore(%dma_wait3A_77 : memref<!tpu.dma_semaphore, #tpu.memory_space<semaphore_mem>>) src(%dma_wait3A_75 : memref<10240x16xf32, #tpu.memory_space<vmem_shared>>) dst(%dma_wait3A_69 : memref<128x16xf32, #tpu.memory_space<vmem>>)
      "tpu.region"() ({
        %run_scoped3A = tpu.sem_alloc : memref<!tpu.dma_semaphore, #tpu.memory_space<semaphore_mem>>
        %dma_start3A_78 = arith.constant 0 : i32
        %dma_start3A_79 = arith.constant 0 : i32
        %dma_start3A_80 = tpu.memref_slice %arg7[%rem3A_59, %dma_start3A_78, %dma_start3A_79] : memref<2x128x16xf32, #tpu.memory_space<vmem>> -> memref<1x128x16xf32, #tpu.memory_space<vmem>>
        %dma_start3A_81 = tpu.memref_squeeze %dma_start3A_80 : memref<1x128x16xf32, #tpu.memory_space<vmem>> -> memref<128x16xf32, #tpu.memory_space<vmem>>
        %dma_start3A_82 = arith.constant 0 : i32
        %dma_start3A_83 = tpu.memref_slice %arg6[%while3A_58, %dma_start3A_82] : memref<80x128xi32, #tpu.memory_space<vmem>> -> memref<1x128xi32, #tpu.memory_space<vmem>>
        %dma_start3A_84 = tpu.memref_squeeze %dma_start3A_83 : memref<1x128xi32, #tpu.memory_space<vmem>> -> memref<128xi32, #tpu.memory_space<vmem>>
        %dma_start3A_85 = arith.constant 0 : i32
        %dma_start3A_86 = arith.constant 0 : i32
        %dma_start3A_87 = tpu.memref_slice %arg8[%dma_start3A_85, %dma_start3A_86] : memref<10240x16xf32, #tpu.memory_space<vmem_shared>> -> memref<10240x16xf32, #tpu.memory_space<vmem_shared>>
        tpu.enqueue_indirect_dma source(%dma_start3A_81 : memref<128x16xf32, #tpu.memory_space<vmem>>) target(%dma_start3A_87 : memref<10240x16xf32, #tpu.memory_space<vmem_shared>>) offsets(%dma_start3A_84 : memref<128xi32, #tpu.memory_space<vmem>>) semaphore(%run_scoped3A : memref<!tpu.dma_semaphore, #tpu.memory_space<semaphore_mem>>) {add = true}
        %dma_wait3A_88 = arith.constant 0 : i32
        %dma_wait3A_89 = arith.constant 0 : i32
        %dma_wait3A_90 = tpu.memref_slice %arg7[%rem3A_59, %dma_wait3A_88, %dma_wait3A_89] : memref<2x128x16xf32, #tpu.memory_space<vmem>> -> memref<1x128x16xf32, #tpu.memory_space<vmem>>
        %dma_wait3A_91 = tpu.memref_squeeze %dma_wait3A_90 : memref<1x128x16xf32, #tpu.memory_space<vmem>> -> memref<128x16xf32, #tpu.memory_space<vmem>>
        %dma_wait3A_92 = arith.constant 0 : i32
        %dma_wait3A_93 = tpu.memref_slice %arg6[%while3A_58, %dma_wait3A_92] : memref<80x128xi32, #tpu.memory_space<vmem>> -> memref<1x128xi32, #tpu.memory_space<vmem>>
        %dma_wait3A_94 = tpu.memref_squeeze %dma_wait3A_93 : memref<1x128xi32, #tpu.memory_space<vmem>> -> memref<128xi32, #tpu.memory_space<vmem>>
        %dma_wait3A_95 = arith.constant 0 : i32
        %dma_wait3A_96 = arith.constant 0 : i32
        %dma_wait3A_97 = tpu.memref_slice %arg8[%dma_wait3A_95, %dma_wait3A_96] : memref<10240x16xf32, #tpu.memory_space<vmem_shared>> -> memref<10240x16xf32, #tpu.memory_space<vmem_shared>>
        tpu.wait_indirect_dma semaphore(%run_scoped3A : memref<!tpu.dma_semaphore, #tpu.memory_space<semaphore_mem>>) src(%dma_wait3A_91 : memref<128x16xf32, #tpu.memory_space<vmem>>) dst(%dma_wait3A_97 : memref<10240x16xf32, #tpu.memory_space<vmem_shared>>)
        tpu.yield
      }) : () -> ()
    }
    %while3A_53 = arith.constant 1 : i32
    scf.for %while3A_58 = %while3A_51 to %while3A_47 step %while3A_53  : i32 {
      %rem3A = arith.constant 2 : i32
      %rem3A_59 = arith.remsi %while3A_58, %rem3A : i32
      %sub3A = arith.constant 1 : i32
      %sub3A_60 = arith.subi %sub3A, %rem3A_59 : i32
      %add3A_61 = arith.constant 1 : i32
      %add3A_62 = arith.addi %while3A_58, %add3A_61 : i32
      %lt3A_63 = arith.cmpi slt, %add3A_62, %select_n3A : i32
      %convert_element_type3A_64 = arith.extui %lt3A_63 : i1 to i32
      %cond3A_65 = arith.constant 0 : i32
      %cond3A_66 = arith.cmpi ne, %convert_element_type3A_64, %cond3A_65 : i32
      scf.if %cond3A_66 {
        %add3A_78 = arith.constant 1 : i32
        %add3A_79 = arith.addi %while3A_58, %add3A_78 : i32
        %dma_start3A_80 = arith.constant 0 : i32
        %dma_start3A_81 = arith.constant 0 : i32
        %dma_start3A_82 = tpu.memref_slice %arg7[%sub3A_60, %dma_start3A_80, %dma_start3A_81] : memref<2x128x16xf32, #tpu.memory_space<vmem>> -> memref<1x128x16xf32, #tpu.memory_space<vmem>>
        %dma_start3A_83 = tpu.memref_squeeze %dma_start3A_82 : memref<1x128x16xf32, #tpu.memory_space<vmem>> -> memref<128x16xf32, #tpu.memory_space<vmem>>
        %dma_start3A_84 = arith.constant 0 : i32
        %dma_start3A_85 = tpu.memref_slice %arg5[%add3A_79, %dma_start3A_84] : memref<80x128xi32, #tpu.memory_space<vmem>> -> memref<1x128xi32, #tpu.memory_space<vmem>>
        %dma_start3A_86 = tpu.memref_squeeze %dma_start3A_85 : memref<1x128xi32, #tpu.memory_space<vmem>> -> memref<128xi32, #tpu.memory_space<vmem>>
        %dma_start3A_87 = arith.constant 0 : i32
        %dma_start3A_88 = arith.constant 0 : i32
        %dma_start3A_89 = tpu.memref_slice %arg9[%dma_start3A_87, %dma_start3A_88] : memref<10240x16xf32, #tpu.memory_space<vmem_shared>> -> memref<10240x16xf32, #tpu.memory_space<vmem_shared>>
        %dma_start3A_90 = tpu.memref_slice %arg10[%sub3A_60] : memref<2x!tpu.dma_semaphore, #tpu.memory_space<semaphore_mem>> -> memref<1x!tpu.dma_semaphore, #tpu.memory_space<semaphore_mem>>
        %dma_start3A_91 = tpu.memref_squeeze %dma_start3A_90 : memref<1x!tpu.dma_semaphore, #tpu.memory_space<semaphore_mem>> -> memref<!tpu.dma_semaphore, #tpu.memory_space<semaphore_mem>>
        tpu.enqueue_indirect_dma source(%dma_start3A_89 : memref<10240x16xf32, #tpu.memory_space<vmem_shared>>) target(%dma_start3A_83 : memref<128x16xf32, #tpu.memory_space<vmem>>) offsets(%dma_start3A_86 : memref<128xi32, #tpu.memory_space<vmem>>) semaphore(%dma_start3A_91 : memref<!tpu.dma_semaphore, #tpu.memory_space<semaphore_mem>>)
      } else {
      }
      %dma_wait3A = arith.constant 0 : i32
      %dma_wait3A_67 = arith.constant 0 : i32
      %dma_wait3A_68 = tpu.memref_slice %arg7[%rem3A_59, %dma_wait3A, %dma_wait3A_67] : memref<2x128x16xf32, #tpu.memory_space<vmem>> -> memref<1x128x16xf32, #tpu.memory_space<vmem>>
      %dma_wait3A_69 = tpu.memref_squeeze %dma_wait3A_68 : memref<1x128x16xf32, #tpu.memory_space<vmem>> -> memref<128x16xf32, #tpu.memory_space<vmem>>
      %dma_wait3A_70 = arith.constant 0 : i32
      %dma_wait3A_71 = tpu.memref_slice %arg5[%while3A_58, %dma_wait3A_70] : memref<80x128xi32, #tpu.memory_space<vmem>> -> memref<1x128xi32, #tpu.memory_space<vmem>>
      %dma_wait3A_72 = tpu.memref_squeeze %dma_wait3A_71 : memref<1x128xi32, #tpu.memory_space<vmem>> -> memref<128xi32, #tpu.memory_space<vmem>>
      %dma_wait3A_73 = arith.constant 0 : i32
      %dma_wait3A_74 = arith.constant 0 : i32
      %dma_wait3A_75 = tpu.memref_slice %arg9[%dma_wait3A_73, %dma_wait3A_74] : memref<10240x16xf32, #tpu.memory_space<vmem_shared>> -> memref<10240x16xf32, #tpu.memory_space<vmem_shared>>
      %dma_wait3A_76 = tpu.memref_slice %arg10[%rem3A_59] : memref<2x!tpu.dma_semaphore, #tpu.memory_space<semaphore_mem>> -> memref<1x!tpu.dma_semaphore, #tpu.memory_space<semaphore_mem>>
      %dma_wait3A_77 = tpu.memref_squeeze %dma_wait3A_76 : memref<1x!tpu.dma_semaphore, #tpu.memory_space<semaphore_mem>> -> memref<!tpu.dma_semaphore, #tpu.memory_space<semaphore_mem>>
      tpu.wait_indirect_dma semaphore(%dma_wait3A_77 : memref<!tpu.dma_semaphore, #tpu.memory_space<semaphore_mem>>) src(%dma_wait3A_75 : memref<10240x16xf32, #tpu.memory_space<vmem_shared>>) dst(%dma_wait3A_69 : memref<128x16xf32, #tpu.memory_space<vmem>>)
      "tpu.region"() ({
        %run_scoped3A = tpu.sem_alloc : memref<!tpu.dma_semaphore, #tpu.memory_space<semaphore_mem>>
        %dma_start3A_78 = arith.constant 0 : i32
        %dma_start3A_79 = arith.constant 0 : i32
        %dma_start3A_80 = tpu.memref_slice %arg7[%rem3A_59, %dma_start3A_78, %dma_start3A_79] : memref<2x128x16xf32, #tpu.memory_space<vmem>> -> memref<1x128x16xf32, #tpu.memory_space<vmem>>
        %dma_start3A_81 = tpu.memref_squeeze %dma_start3A_80 : memref<1x128x16xf32, #tpu.memory_space<vmem>> -> memref<128x16xf32, #tpu.memory_space<vmem>>
        %dma_start3A_82 = arith.constant 0 : i32
        %dma_start3A_83 = tpu.memref_slice %arg6[%while3A_58, %dma_start3A_82] : memref<80x128xi32, #tpu.memory_space<vmem>> -> memref<1x128xi32, #tpu.memory_space<vmem>>
        %dma_start3A_84 = tpu.memref_squeeze %dma_start3A_83 : memref<1x128xi32, #tpu.memory_space<vmem>> -> memref<128xi32, #tpu.memory_space<vmem>>
        %dma_start3A_85 = arith.constant 0 : i32
        %dma_start3A_86 = arith.constant 0 : i32
        %dma_start3A_87 = tpu.memref_slice %arg8[%dma_start3A_85, %dma_start3A_86] : memref<10240x16xf32, #tpu.memory_space<vmem_shared>> -> memref<10240x16xf32, #tpu.memory_space<vmem_shared>>
        tpu.enqueue_indirect_dma source(%dma_start3A_81 : memref<128x16xf32, #tpu.memory_space<vmem>>) target(%dma_start3A_87 : memref<10240x16xf32, #tpu.memory_space<vmem_shared>>) offsets(%dma_start3A_84 : memref<128xi32, #tpu.memory_space<vmem>>) semaphore(%run_scoped3A : memref<!tpu.dma_semaphore, #tpu.memory_space<semaphore_mem>>) {add = true}
        %dma_wait3A_88 = arith.constant 0 : i32
        %dma_wait3A_89 = arith.constant 0 : i32
        %dma_wait3A_90 = tpu.memref_slice %arg7[%rem3A_59, %dma_wait3A_88, %dma_wait3A_89] : memref<2x128x16xf32, #tpu.memory_space<vmem>> -> memref<1x128x16xf32, #tpu.memory_space<vmem>>
        %dma_wait3A_91 = tpu.memref_squeeze %dma_wait3A_90 : memref<1x128x16xf32, #tpu.memory_space<vmem>> -> memref<128x16xf32, #tpu.memory_space<vmem>>
        %dma_wait3A_92 = arith.constant 0 : i32
        %dma_wait3A_93 = tpu.memref_slice %arg6[%while3A_58, %dma_wait3A_92] : memref<80x128xi32, #tpu.memory_space<vmem>> -> memref<1x128xi32, #tpu.memory_space<vmem>>
        %dma_wait3A_94 = tpu.memref_squeeze %dma_wait3A_93 : memref<1x128xi32, #tpu.memory_space<vmem>> -> memref<128xi32, #tpu.memory_space<vmem>>
        %dma_wait3A_95 = arith.constant 0 : i32
        %dma_wait3A_96 = arith.constant 0 : i32
        %dma_wait3A_97 = tpu.memref_slice %arg8[%dma_wait3A_95, %dma_wait3A_96] : memref<10240x16xf32, #tpu.memory_space<vmem_shared>> -> memref<10240x16xf32, #tpu.memory_space<vmem_shared>>
        tpu.wait_indirect_dma semaphore(%run_scoped3A : memref<!tpu.dma_semaphore, #tpu.memory_space<semaphore_mem>>) src(%dma_wait3A_91 : memref<128x16xf32, #tpu.memory_space<vmem>>) dst(%dma_wait3A_97 : memref<10240x16xf32, #tpu.memory_space<vmem_shared>>)
        tpu.yield
      }) : () -> ()
    }
    %barrier3A_54 = arith.constant 0 : index
    tpu.barrier barrier_id(%barrier3A_54)
    %mul3A_55 = arith.constant 10240 : i32
    %mul3A_56 = arith.muli %arg0, %mul3A_55 : i32
    %add3A_57 = arith.addi %mul3A_56, %mul3A_2 : i32
    "tpu.region"() ({
      %run_scoped3A = tpu.sem_alloc : memref<!tpu.dma_semaphore, #tpu.memory_space<semaphore_mem>>
      %dma_start3A_58 = arith.constant 0 : i32
      %dma_start3A_59 = tpu.memref_slice %arg4[%add3A_57, %dma_start3A_58] : memref<20480x16xf32, #tpu.memory_space<hbm>> -> memref<640x16xf32, #tpu.memory_space<hbm>>
      %dma_start3A_60 = arith.constant 0 : i32
      %dma_start3A_61 = tpu.memref_slice %arg8[%mul3A_2, %dma_start3A_60] : memref<10240x16xf32, #tpu.memory_space<vmem_shared>> -> memref<640x16xf32, #tpu.memory_space<vmem_shared>>
      tpu.enqueue_dma source(%dma_start3A_61 : memref<640x16xf32, #tpu.memory_space<vmem_shared>>) target(%dma_start3A_59 : memref<640x16xf32, #tpu.memory_space<hbm>>) target_semaphore(%run_scoped3A : memref<!tpu.dma_semaphore, #tpu.memory_space<semaphore_mem>>)
      %dma_wait3A = arith.constant 0 : i32
      %dma_wait3A_62 = tpu.memref_slice %arg4[%add3A_57, %dma_wait3A] : memref<20480x16xf32, #tpu.memory_space<hbm>> -> memref<640x16xf32, #tpu.memory_space<hbm>>
      %dma_wait3A_63 = arith.constant 0 : i32
      %dma_wait3A_64 = tpu.memref_slice %arg8[%mul3A_2, %dma_wait3A_63] : memref<10240x16xf32, #tpu.memory_space<vmem_shared>> -> memref<640x16xf32, #tpu.memory_space<vmem_shared>>
      tpu.wait_dma2 semaphore(%run_scoped3A : memref<!tpu.dma_semaphore, #tpu.memory_space<semaphore_mem>>) src(%dma_wait3A_64 : memref<640x16xf32, #tpu.memory_space<vmem_shared>>) dst(%dma_wait3A_62 : memref<640x16xf32, #tpu.memory_space<hbm>>)
      tpu.yield
    }) : () -> ()
    return
  }
}

module attributes {stable_mosaic.version = 14 : i64} {
  func.func @_tc1_body(%arg0: memref<20480x16xf32, #tpu.memory_space<vmem>>, %arg1: memref<10000x128xf32, #tpu.memory_space<vmem>>, %arg2: memref<128x64xf32, #tpu.memory_space<vmem>>, %arg3: memref<10240x16xf32, #tpu.memory_space<vmem>>, %arg4: memref<10240x64xf32, #tpu.memory_space<vmem>>) attributes {dimension_semantics = [], scalar_prefetch = 0 : i64, scratch_operands = 0 : i64, tpu.core_type = #tpu.core_type<tc>} {
    %get3A = arith.constant 0 : index
    %get3A_0 = arith.constant 0 : index
    %get3A_1 = vector.load %arg0[%get3A, %get3A_0] : memref<20480x16xf32, #tpu.memory_space<vmem>>, vector<10240x1xf32>
    %get3A_2 = arith.constant 10240 : index
    %get3A_3 = arith.constant 0 : index
    %get3A_4 = vector.load %arg0[%get3A_2, %get3A_3] : memref<20480x16xf32, #tpu.memory_space<vmem>>, vector<10240x1xf32>
    %add3A = arith.addf %get3A_1, %get3A_4 : vector<10240x1xf32>
    %rsqrt3A = math.rsqrt %add3A : vector<10240x1xf32>
    %get3A_5 = arith.constant 0 : index
    %get3A_6 = arith.constant 0 : index
    %get3A_7 = vector.load %arg1[%get3A_5, %get3A_6] : memref<10000x128xf32, #tpu.memory_space<vmem>>, vector<10000x128xf32>
    %get3A_8 = arith.constant 0 : index
    %get3A_9 = arith.constant 0 : index
    %get3A_10 = vector.load %arg2[%get3A_8, %get3A_9] : memref<128x64xf32, #tpu.memory_space<vmem>>, vector<128x64xf32>
    %dot_general3A = arith.constant dense<0.000000e+00> : vector<10000x64xf32>
    %dot_general3A_11 = tpu.matmul %get3A_7, %get3A_10, %dot_general3A {dimension_numbers = #tpu.dot_dimension_numbers<[1], [0], [0], [1], [0, 0, 1, 1], [], []>, transpose_lhs_hint = false} : vector<10000x128xf32>, vector<128x64xf32>, vector<10000x64xf32> -> vector<10000x64xf32>
    %broadcast_in_dim3A = vector.shape_cast %rsqrt3A : vector<10240x1xf32> to vector<10240x1xf32>
    %broadcast_in_dim3A_12 = vector.broadcast %broadcast_in_dim3A : vector<10240x1xf32> to vector<10240x16xf32>
    %swap3A = arith.constant 0 : index
    %swap3A_13 = arith.constant 0 : index
    %swap3A_14 = vector.load %arg3[%swap3A, %swap3A_13] : memref<10240x16xf32, #tpu.memory_space<vmem>>, vector<10240x16xf32>
    tpu.vector_store %arg3[%swap3A, %swap3A_13], %broadcast_in_dim3A_12 {strides = array<i32>} : memref<10240x16xf32, #tpu.memory_space<vmem>>, vector<10240x16xf32>,
    %slice3A = vector.extract_strided_slice %rsqrt3A {offsets = [0, 0], sizes = [10000, 1], strides = [1, 1]} : vector<10240x1xf32> to vector<10000x1xf32>
    %mul3A = vector.broadcast %slice3A : vector<10000x1xf32> to vector<10000x64xf32>
    %mul3A_15 = arith.mulf %mul3A, %dot_general3A_11 : vector<10000x64xf32>
    %broadcast_in_dim3A_16 = arith.constant 0.000000e+00 : f32
    %broadcast_in_dim3A_17 = vector.broadcast %broadcast_in_dim3A_16 : f32 to vector<240x64xf32>
    %concatenate3A = tpu.concatenate %mul3A_15, %broadcast_in_dim3A_17 in 0 : vector<10000x64xf32>, vector<240x64xf32> -> vector<10240x64xf32>
    %swap3A_18 = arith.constant 0 : index
    %swap3A_19 = arith.constant 0 : index
    %swap3A_20 = vector.load %arg4[%swap3A_18, %swap3A_19] : memref<10240x64xf32, #tpu.memory_space<vmem>>, vector<10240x64xf32>
    tpu.vector_store %arg4[%swap3A_18, %swap3A_19], %concatenate3A {strides = array<i32>} : memref<10240x64xf32, #tpu.memory_space<vmem>>, vector<10240x64xf32>,
    return
  }
}

module attributes {stable_mosaic.version = 14 : i64} {
  func.func @_tc_mid_body(%arg0: memref<20480x64xf32, #tpu.memory_space<vmem>>, %arg1: memref<10240x16xf32, #tpu.memory_space<vmem>>, %arg2: memref<1x64xf32, #tpu.memory_space<vmem>>, %arg3: memref<64x2xf32, #tpu.memory_space<vmem>>, %arg4: memref<10240x16xf32, #tpu.memory_space<vmem>>) attributes {dimension_semantics = [], scalar_prefetch = 0 : i64, scratch_operands = 0 : i64, tpu.core_type = #tpu.core_type<tc>} {
    %get3A = arith.constant 0 : index
    %get3A_0 = arith.constant 0 : index
    %get3A_1 = vector.load %arg1[%get3A, %get3A_0] : memref<10240x16xf32, #tpu.memory_space<vmem>>, vector<10240x1xf32>
    %get3A_2 = arith.constant 0 : index
    %get3A_3 = arith.constant 0 : index
    %get3A_4 = vector.load %arg0[%get3A_2, %get3A_3] : memref<20480x64xf32, #tpu.memory_space<vmem>>, vector<10240x64xf32>
    %get3A_5 = arith.constant 10240 : index
    %get3A_6 = arith.constant 0 : index
    %get3A_7 = vector.load %arg0[%get3A_5, %get3A_6] : memref<20480x64xf32, #tpu.memory_space<vmem>>, vector<10240x64xf32>
    %add3A = arith.addf %get3A_4, %get3A_7 : vector<10240x64xf32>
    %mul3A = vector.broadcast %get3A_1 : vector<10240x1xf32> to vector<10240x64xf32>
    %mul3A_8 = arith.mulf %mul3A, %add3A : vector<10240x64xf32>
    %get3A_9 = arith.constant 0 : index
    %get3A_10 = arith.constant 0 : index
    %get3A_11 = vector.load %arg2[%get3A_9, %get3A_10] : memref<1x64xf32, #tpu.memory_space<vmem>>, vector<1x64xf32>
    %add3A_12 = vector.broadcast %get3A_11 : vector<1x64xf32> to vector<10240x64xf32>
    %add3A_13 = arith.addf %mul3A_8, %add3A_12 : vector<10240x64xf32>
    %max3A = arith.constant 0.000000e+00 : f32
    %max3A_14 = vector.broadcast %max3A : f32 to vector<10240x64xf32>
    %max3A_15 = arith.maximumf %add3A_13, %max3A_14 : vector<10240x64xf32>
    %get3A_16 = arith.constant 0 : index
    %get3A_17 = arith.constant 0 : index
    %get3A_18 = vector.load %arg3[%get3A_16, %get3A_17] : memref<64x2xf32, #tpu.memory_space<vmem>>, vector<64x2xf32>
    %broadcast_in_dim3A = arith.constant 0.000000e+00 : f32
    %broadcast_in_dim3A_19 = vector.broadcast %broadcast_in_dim3A : f32 to vector<64x14xf32>
    %concatenate3A = tpu.concatenate %get3A_18, %broadcast_in_dim3A_19 in 1 : vector<64x2xf32>, vector<64x14xf32> -> vector<64x16xf32>
    %dot_general3A = arith.constant dense<0.000000e+00> : vector<10240x16xf32>
    %dot_general3A_20 = tpu.matmul %max3A_15, %concatenate3A, %dot_general3A {dimension_numbers = #tpu.dot_dimension_numbers<[1], [0], [0], [1], [0, 0, 1, 1], [], []>, transpose_lhs_hint = false} : vector<10240x64xf32>, vector<64x16xf32>, vector<10240x16xf32> -> vector<10240x16xf32>
    %mul3A_21 = vector.broadcast %get3A_1 : vector<10240x1xf32> to vector<10240x16xf32>
    %mul3A_22 = arith.mulf %mul3A_21, %dot_general3A_20 : vector<10240x16xf32>
    %swap3A = arith.constant 0 : index
    %swap3A_23 = arith.constant 0 : index
    %swap3A_24 = vector.load %arg4[%swap3A, %swap3A_23] : memref<10240x16xf32, #tpu.memory_space<vmem>>, vector<10240x16xf32>
    tpu.vector_store %arg4[%swap3A, %swap3A_23], %mul3A_22 {strides = array<i32>} : memref<10240x16xf32, #tpu.memory_space<vmem>>, vector<10240x16xf32>,
    return
  }
}

</mosaic_0001>

<sc_bundles>
// kernel: kernel.10.cloned.1.call-start
scs
__scs_entry_jumppad:
0x0: {  	(pc) =	sbr.rel $0x88, $3  }
0x1: {  	(tag) =	ssettag $0x0;
	lr =	simm.s32 $0x1  }
0x2: {  	[smem:$0x3F9B] =	sst lr;
	_ =	strace $0xD0000000  }
0x3: {  	_ = 	snop  }
0x4: {  	_ = 	snop  }
0x5: {  	_ = 	snop  }
0x6: {  	_ = 	snop  }
0x7: {  	_ = 	snop  }
__scs_overlays_trampoline_lowered:
0x8: {  	[smem:$0x3FAA] =	sst s0  }
0x9: {  	[smem:$0x3FAB] =	sst s1  }
0xa: {  	[smem:$0x3FAC] =	sst s2  }
0xb: {  	[smem:$0x3FAD] =	sst s3  }
0xc: {  	[smem:$0x3FAE] =	sst s4  }
0xd: {  	[smem:$0x3FAF] =	sst s5  }
0xe: {  	[smem:$0x3FB0] =	sst s6  }
0xf: {  	[smem:$0x3FB1] =	sst s7  }
0x10: {  	[smem:$0x3FB2] =	sst s8  }
0x11: {  	[smem:$0x3FB3] =	sst s9;
	s0 =	simm.s32 @!p0 $0x0  }
0x12: {  	s1 =	sld [smem:$0x3F99];
	s0 =	simm.s32 @p0 $0x1  }
0x13: {  	[smem:$0x3FB4] =	sst s0;
	s0 =	simm.s32 @!p1 $0x0  }
0x14: {  	s2 =	sld [smem:$0x3F98];
	s0 =	simm.s32 @p1 $0x1  }
0x15: {  	[smem:$0x3FB5] =	sst s0;
	s0 =	simm.s32 @!p2 $0x0  }
0x16: {  	s3 =	sld [smem:$0x3FDB];
	s0 =	simm.s32 @p2 $0x1  }
0x17: {  	s4 =	simm.s32 $0x1BF5;
	[smem:$0x3FB7] =	sst s0  }
0x18: {  	s0 =	sld [smem:$0x3F9A];
	_ =	swait.ge [sflag:s4], $0x0  }
0x19: {  	s7 =	sld [smem:$0x3F9B]  }
0x1a: {  	s8 =	sadd.s32 $0xFFFFE003, lr  }
0x1b: {  	s9 =	sadd.s32 $0xFFFFFEF7, lr;
	s5 =	simm.s32 $0xFFFFFFFF;
	p2 =	slt.u32 s8, $0xFFFFF086  }
0x1c: {  	p1 =	slt.u32 s9, $0xF7A;
	s5 =	simm.s32 @!p2 $0x0  }
0x1d: {  	s5 =	simm.s32 @p1 $0x1;
	p0 =	seq.s32 s7, s2  }
0x1e: {  	s7 =	smul.u32 @!p0 $0xF7A, s2;
	p2 =	seq.s32 @!p0 s5, $0x0  }
0x1f: {  	s9 =	smul.u32 $0xF7A, s1;
	s8 =	simm.s32 @!p0 $0x1BF5;
	p2 =	por !p2, p0  }
0x20: {  	[sflag:s8] =	ssyncset.s32 @!p0 $0xFFFFF086;
	s6 =	sadd.s32 @!p0 s3, s7;
	s7 =	simm.s32 @!p0 $0x108  }
0x21: {  	s3 =	sadd.s32 s3, s9;
	s6 =	sadd.s32 @!p0 $0x88, s6;
	s7 =	simm.s32 @p2 $0x1082  }
0x22: {  	[simem:s7], [sflag:s8] =	dma.local @!p0 [hbm:s6], $0xF7A  }
0x23: {  	s9 =	sor.u32 $0xD0000000, s2;
	s6 =	simm.s32 $0x108;
	_ =	swait.ge @!p0 [sflag:s8], $0x0  }
0x24: {  	s3 =	sadd.s32 $0x88, s3;
	s6 =	simm.s32 @!p1 $0x1082;
	[sflag:s4] =	ssyncset.s32 $0xFFFFF086  }
0x25: {  	[simem:s6], [sflag:s4] =	dma.local [hbm:s3], $0xF7A  }
0x26: {  	[smem:$0x3F9B] =	sst s1;
	(tag) =	ssettag s2;
	_ =	strace s9  }
0x27: {  	s1 =	sld [smem:$0x3FAB]  }
0x28: {  	s2 =	sld [smem:$0x3FAC]  }
0x29: {  	s4 =	sld [smem:$0x3FAE]  }
0x2a: {  	p0 =	seq.s32 s5, $0x0;
	s5 =	sld [smem:$0x3FAF]  }
0x2b: {  	s6 =	sld [smem:$0x3FB0]  }
0x2c: {  	s7 =	sld [smem:$0x3FB1]  }
0x2d: {  	s3 =	simm.s32 $0x108;
	s8 =	sld [smem:$0x3FB2]  }
0x2e: {  	s3 =	simm.s32 @!p0 $0x1082;
	s9 =	sld [smem:$0x3FB3]  }
0x2f: {  	lr =	sadd.s32 s0, s3;
	s0 =	sld [smem:$0x3FAA]  }
0x30: {  	s3 =	sld [smem:$0x3FAD]  }
0x31: {  	[smem:$0x3FB6] =	sst s10  }
0x32: {  	s10 =	sld [smem:$0x3FB4];
	_ =	sdelay $0x3  }
0x33: {  	p0 =	seq.s32 s10, $0x1;
	s10 =	sld [smem:$0x3FB6];
	_ =	sdelay $0x3  }
0x34: {  	[smem:$0x3FB6] =	sst s10  }
0x35: {  	s10 =	sld [smem:$0x3FB5];
	_ =	sdelay $0x3  }
0x36: {  	p1 =	seq.s32 s10, $0x1;
	s10 =	sld [smem:$0x3FB6];
	_ =	sdelay $0x3  }
0x37: {  	[smem:$0x3FB6] =	sst s10  }
0x38: {  	s10 =	sld [smem:$0x3FB7]  }
0x39: {  	_ = 	snop;
	(pc) =	sbr.ind lr, $3  }
0x3a: {  	_ = 	snop  }
0x3b: {  	_ = 	snop  }
0x3c: {  	p2 =	seq.s32 s10, $0x1;
	s10 =	sld [smem:$0x3FB6]  }
0x3d: {  	_ =	shalt  }
0x3e: {  	_ =	shalt  }
0x3f: {  	_ =	shalt  }
0x40: {  	_ =	shalt  }
0x41: {  	_ =	shalt  }
0x42: {  	_ =	shalt  }
0x43: {  	_ =	shalt  }
0x44: {  	_ =	shalt  }
0x45: {  	_ =	shalt  }
0x46: {  	_ =	shalt  }
0x47: {  	_ =	shalt  }
0x48: {  	_ =	shalt  }
0x49: {  	_ =	shalt  }
0x4a: {  	_ =	shalt  }
0x4b: {  	_ =	shalt  }
0x4c: {  	_ =	shalt  }
0x4d: {  	_ =	shalt  }
0x4e: {  	_ =	shalt  }
0x4f: {  	_ =	shalt  }
0x50: {  	_ =	shalt  }
0x51: {  	_ =	shalt  }
0x52: {  	_ =	shalt  }
0x53: {  	_ =	shalt  }
0x54: {  	_ =	shalt  }
0x55: {  	_ =	shalt  }
0x56: {  	_ =	shalt  }
0x57: {  	_ =	shalt  }
0x58: {  	_ =	shalt  }
0x59: {  	_ =	shalt  }
0x5a: {  	_ =	shalt  }
0x5b: {  	_ =	shalt  }
0x5c: {  	_ =	shalt  }
0x5d: {  	_ =	shalt  }
0x5e: {  	_ =	shalt  }
0x5f: {  	_ =	shalt  }
0x60: {  	_ =	shalt  }
0x61: {  	_ =	shalt  }
0x62: {  	_ =	shalt  }
0x63: {  	_ =	shalt  }
0x64: {  	_ =	shalt  }
0x65: {  	_ =	shalt  }
0x66: {  	_ =	shalt  }
0x67: {  	_ =	shalt  }
0x68: {  	_ =	shalt  }
0x69: {  	_ =	shalt  }
0x6a: {  	_ =	shalt  }
0x6b: {  	_ =	shalt  }
0x6c: {  	_ =	shalt  }
0x6d: {  	_ =	shalt  }
0x6e: {  	_ =	shalt  }
0x6f: {  	_ =	shalt  }
0x70: {  	_ =	shalt  }
0x71: {  	_ =	shalt  }
0x72: {  	_ =	shalt  }
0x73: {  	_ =	shalt  }
0x74: {  	_ =	shalt  }
0x75: {  	_ =	shalt  }
0x76: {  	_ =	shalt  }
0x77: {  	_ =	shalt  }
0x78: {  	_ =	shalt  }
0x79: {  	_ =	shalt  }
0x7a: {  	_ =	shalt  }
0x7b: {  	_ =	shalt  }
0x7c: {  	_ =	shalt  }
0x7d: {  	_ =	shalt  }
0x7e: {  	_ =	shalt  }
0x7f: {  	_ =	shalt  }
0x80: {  	_ =	shalt  }
0x81: {  	_ =	shalt  }
0x82: {  	_ =	shalt  }
0x83: {  	_ =	shalt  }
0x84: {  	_ =	shalt  }
0x85: {  	_ =	shalt  }
0x86: {  	_ =	shalt  }
0x87: {  	_ =	shalt  }
.Lfunc_end0:
.L_simem_size_0:
called_computation.1_lowered:
.L_overlay_start_0:
0x88: {  	s2 =	sld [smem:$0x3FD9]  }
0x89: {  	s3 =	sld [smem:$0x3FFE];
	_ =	sdelay $0x1  }
0x8a: {  	s1 =	srdreg.scid  }
0x8b: {  	s0 =	sand.u32 $0x1, s1  }
0x8c: {  	s16 =	sshll.u32 s0, $0xA;
	s2 =	sadd.s32 s3, s2  }
0x8d: {  	s2 =	sadd.s32 s2, s16  }
0x8e: {  	[smem:$0x3FC2] =	sst s2  }
0x8f: {  	_ = 	snop  }
0x90: {  	(tm) =	ssettm $0x1  }
0x91: {  	s17 =	sld [smem:$0x3FFB];
	_ =	sdelay $0x3  }
0x92: {  	_ =	strace s17  }
0x93: {  	s2 =	sld [smem:$0x3FFC];
	_ =	sdelay $0x3  }
0x94: {  	_ =	strace s2  }
0x95: {  	s2 =	sld [smem:$0x3FFD];
	_ =	sdelay $0x3  }
0x96: {  	_ =	strace s2  }
0x97: {  	_ =	strace $0x8FFFFFFF  }
0x98: {  	s18 =	sld [smem:$0x3FDB];
	_ =	sdelay $0x1  }
0x99: {  	s19 =	simm.s32 $_scs_section_size  }
0x9a: {  	s4 =	simm.s32 $_size__tile_overlayer_lowered;
	s5 =	simm.s32 $_tile_overlayer_lowered  }
0x9b: {  	s22 =	simm.s32 $0x1BFF;
	s21 =	sshll.u32 s5, $0x1;
	s2 =	sadd.s32 s19, s18  }
0x9c: {  	s6 =	simm.s32 $0x0;
	s20 =	sshll.u32 s4, $0x1;
	s4 =	sadd.s32 s21, s2  }
0x9d: {  	[timem:s6], [sflag:s22] =	dma.local [hbm:s4], s20  }
0x9e: {  	_ =	swait.ge [sflag:s22], s20  }
0x9f: {  	s3 =	ssub.s32 $0x0, s20;
	[sflag:s22] =	ssyncset.done $0x0  }
0xa0: {  	[sflag:s22] =	ssyncadd.s32 s3;
	_ =	sdelay $0x1  }
0xa1: {  	s23 =	simm.s32 $0x1B8B  }
0xa2: {  	_ =	swait.ge [sflag:s23], $0x1  }
0xa3: {  	[sflag:s23] =	ssyncset.done $0x0  }
0xa4: {  	s25 =	simm.s32 $0x1B8E;
	s24 =	sld [smem:$0x3FFE];
	[sflag:s23] =	ssyncadd.s32 $0xFFFFFFFF  }
0xa5: {  	s26 =	simm.s32 $execute0_lowered;
	[smem:$0x3FD2] =	sst s25  }
0xa6: {  	s4 =	sshll.u32 s26, $0x1;
	_ =	strace $0x80000049;
	[dreg:$0x1] =	wrdreg $0xFFFFFFFF  }
0xa7: {  	s28 =	simm.s32 $_size_execute0_lowered;
	s2 =	sadd.s32 s2, s4;
	[dreg:$0x0] =	wrdreg $0x0  }
0xa8: {  	s4 =	sshll.u32 s28, $0x1;
	[dreg:$0x2] =	wrdreg s2  }
0xa9: {  	[dreg:$0x3] =	wrdreg s4  }
0xaa: {  	[dreg:$0x4] =	wrdreg $0xC0  }
0xab: {  	_ =	task [dreg:s6], $0x5FFFF  }
0xac: {  	[dreg:$0x1] =	wrdreg $0xFFFFFFFF  }
0xad: {  	[dreg:$0x0] =	wrdreg $0x60  }
0xae: {  	[dreg:$0x2] =	wrdreg s24  }
0xaf: {  	[dreg:$0x3] =	wrdreg $0x90000  }
0xb0: {  	[dreg:$0x4] =	wrdreg $0x9  }
0xb1: {  	_ =	task.clear_ibuf [dreg:s6], $0x5FFFF;
	_ =	strace $0x90000049  }
0xb2: {  	s29 =	simm.s32 $0x9;
	_ =	strace $0x8000004B  }
0xb3: {  	_ =	swait.ge [sflag:s29], $0x1  }
0xb4: {  	[sflag:s29] =	ssyncadd.s32 $0xFFFFFFFF  }
0xb5: {  	_ =	strace $0x9000004B  }
0xb6: {  	_ =	sfence  }
0xb7: {  	s30 =	sld [smem:$0x0];
	_ =	sdelay $0x2  }
0xb8: {  	s31 =	sshll.u32 s1, $0xD;
	s1 =	sshrl.u32 s1, $0x2  }
0xb9: {  	s3 =	sand.u32 $0x4000, s31;
	s1 =	sadd.s32 s1, s30  }
0xba: {  	s0 =	sor.u32 s3, s0;
	s1 =	sshll.u32 s1, $0x11  }
0xbb: {  	s0 =	sor.u32 s1, s0  }
0xbc: {  	s0 =	sadd.s32 $0x8F2B, s0  }
0xbd: {  	[sflag:s0] =	ssyncadd.remote.s32 $0x1  }
0xbe: {  	_ =	sfence.sel $0xFFFF  }
0xbf: {  	[dreg:$0x0] =	wrdreg $0xFFFFFFFF;
	(pc) =	sbr.abs _section_cstart, $3  }
0xc0: {  	[dreg:$0x1] =	wrdreg $0xFFFFFFFF  }
0xc1: {  	_ =	task.clear_ibuf [dreg:s6], $0x2FFFF;
	_ =	strace $0x9FFFFFFF  }
0xc2: {  	(tm) =	ssettm $0x7FFFFFFF  }
0xc3: {  	_ =	shalt  }
tec
execute0_lowered:
.L_overlay_start_1:
0x0: {  	(tag) =	ssettag $0x1  }
0x1: {  	s9 =	rddreg [dreg:$0x0]  }
0x2: {  	s1 =	rddreg [dreg:$0x1];
	s3 =	simm.s32 $0x0;
	s4 =	srdreg.scid  }
0x3: {  	s0 =	stileid.u32;
	s20 =	simm.s32 $0x3;
	s21 =	simm.s32 $0x5000  }
0x4: {  	s22 =	simm.s32 $0x80;
	s23 =	simm.s32 $0x0;
	[smem:$0x7FF] =	sst s3  }
0x5: {  	s18 =	sand.u32 $0x1, s4;
	s5 =	smul.u32 $0x1400, s0;
	s25 =	sshll.u32 s0, $0x1  }
0x6: {  	s8 =	sadd.s32 $0x1A00, s9;
	s4 =	sadd.s32 $0x15400, s9;
	s12 =	smul.u32 $0x28000, s0  }
0x7: {  	s14 =	smul.u32 $0xA000, s0;
	s31 =	sshll.u32 s0, $0x6;
	_ =	strace $0x8000004A  }
0x8: {  	s6 =	smul.u32 $0x14000, s18;
	s7 =	sor.u32 s18, s25;
	s26 =	ssub.s32 $0x2, s18  }
0x9: {  	p1 =	sne.s32 s18, $0x0;
	s18 =	sor.u32 $0x1C03, s31;
	s10 =	smul.u32 $0x500, s7  }
0xa: {  	s11 =	smul.u32 $0x2800, s7;
	s28 =	sshrl.u32 s26, $0x1;
	p0 =	seq.s32 s7, $0x1F  }
0xb: {  	s30 =	sshrl.u32 s12, $0x2;
	s7 =	sadd.s32 $0xB500, s9;
	s19 =	sadd.s32 s14, s1  }
0xc: {  	s15 =	sshrl.u32 s14, $0x3;
	s14 =	simm.s32 $0x14;
	s5 =	sadd.s32 s5, s6  }
0xd: {  	s17 =	ssub.s32 s26, s28;
	s15 =	sadd.s32 s4, s15;
	s14 =	simm.s32 @!p0 $0x50  }
0xe: {  	s19 =	sshrl.u32 s19, $0x3;
	s16 =	sadd.s32 s5, s9;
	s29 =	sshrl.u32 s11, $0x3  }
0xf: {  	s5 =	sadd.s32 s8, s10;
	s9 =	sadd.s32 $0x15140, s9;
	s17 =	smax.u32 s17, $0x1  }
0x10: {  	s6 =	sadd.s32 s8, s29;
	s8 =	sadd.s32 s30, s1;
	s16 =	sadd.s32 $0x29400, s16  }
0x11: {  	s6 =	sadd.s32 $0x9C40, s6;
	s2 =	sadd.s32 $0x2000, s8;
	s11 =	sadd.s32 $0x4000, s8  }
0x12: {  	v0 =	vimm.f32 $0.0e+00;
	s12 =	sadd.s32 $0x6000, s8;
	s13 =	sadd.s32 $0x8000, s8;
	[dreg:$0x3] =	wrdreg s2  }
.LBB2_1:
0x13: {  	s24 =	simm.s32 @p0 $0x0;
	s25 =	simm.s32 @p0 $0x3  }
0x14: {  	[tilespmem:s24], [sflag:$0x3] =	stream.linear.gather @p0 [hbm4b:s7+s24], $0xA00, $0x38;
	[tilespmem:$0x13000] =	vst v63  }
0x15: {  	_ =	swait.ge @p0 [sflag:s25], $0xA00  }
0x16: {  	[sflag:s25] =	ssyncset.done @p0 $0x0  }
0x17: {  	s26 =	simm.s32 @p0 $0x2800;
	[sflag:s25] =	ssyncadd.s32 @p0 $0xFFFFF600  }
0x18: {  	[tilespmem:s26], [sflag:$0x3] =	stream.linear.gather @p0 [hbm4b:s9+s24], $0xA00, $0x38;
	[tilespmem:$0x13000] =	vst v63  }
0x19: {  	_ =	swait.ge @p0 [sflag:s25], $0xA00  }
0x1a: {  	[sflag:s25] =	ssyncset.done @p0 $0x0  }
0x1b: {  	s24 =	simm.s32 @!p0 $0x0;
	[sflag:s25] =	ssyncadd.s32 @p0 $0xFFFFF600;
	s25 =	simm.s32 @!p0 $0x3  }
0x1c: {  	[tilespmem:s24], [sflag:$0x3] =	stream.linear.gather @!p0 [hbm4b:s5+s24], $0x2800, $0x38;
	[tilespmem:$0x13000] =	vst v63  }
0x1d: {  	_ =	swait.ge @!p0 [sflag:s25], $0x2800  }
0x1e: {  	[sflag:s25] =	ssyncset.done @!p0 $0x0  }
.Ltmp0:
0x1f: {  	s26 =	simm.s32 @!p0 $0x2800;
	[sflag:s25] =	ssyncadd.s32 @!p0 $0xFFFFD800;
	(pc) =	sbr.rel @p1 .LBB2_3-.Ltmp0, $4  }
0x20: {  	[tilespmem:s26], [sflag:$0x3] =	stream.linear.gather @!p0 [hbm4b:s6+s24], $0x2800, $0x38;
	[tilespmem:$0x13000] =	vst v63  }
0x21: {  	_ =	swait.ge @!p0 [sflag:s25], $0x2800  }
0x22: {  	[sflag:s25] =	ssyncset.done @!p0 $0x0  }
0x23: {  	[sflag:s25] =	ssyncadd.s32 @!p0 $0xFFFFD800  }
.Ltmp1:
0x24: {  	(pc) =	sbr.rel .LBB2_6-.Ltmp1, $4  }
0x25: {  	[spmem:s19], [sflag:s18] =	dma.local [hbm:s15], $0x1400  }
0x26: {  	_ =	swait.ge [sflag:s20], $0x1400  }
0x27: {  	[sflag:s20] =	ssyncset.done $0x0  }
0x28: {  	[sflag:s20] =	ssyncadd.s32 $0xFFFFEC00  }
.LBB2_3:
0x29: {  	s24 =	sand.u32 $0x7F00, s3  }
0x2a: {  	s25 =	sand.u32 $0x30, s3;
	s26 =	sshrl.u32 s24, $0x2  }
0x2b: {  	s24 =	simm.s32 $0x40;
	s26 =	sor.u32 s25, s26;
	s25 =	simm.s32 $0x0  }
.LBB2_4:
0x2c: {  	p2 =	sne.s32 s24, $0x7FC0  }
0x2d: {  	[tilespmem:s26+$0x5000] =	vst v0;
	s25 =	sadd.s32 $0x10, s25;
	s26 =	smov.u32 s24;
	s24 =	sadd.s32 $0x40, s24  }
.Ltmp2:
0x2e: {  	(pc) =	sbr.rel @p2 .LBB2_4-.Ltmp2, $4  }
0x2f: {  	_ = 	snop  }
0x30: {  	s26 =	sand.u32 $0x7F00, s26  }
0x31: {  	s28 =	sand.u32 $0x30, s25;
	s26 =	sshrl.u32 s26, $0x2  }
0x32: {  	s26 =	sor.u32 s28, s26  }
0x33: {  	[tilespmem:s26+$0x5000] =	vst v0  }
0x34: {  	[spmem:s8] =	stream.linear.scatter [tilespmem:s21], [sflag:$0x3], $0x2000, $0x38;
	[tilespmem:$0x13000] =	vst v63  }
0x35: {  	_ =	swait.ge [sflag:s20], $0x2000  }
0x36: {  	[sflag:s20] =	ssyncset.done $0x0  }
0x37: {  	s0 =	rddreg [dreg:$0x3];
	[sflag:s20] =	ssyncadd.s32 $0xFFFFE000  }
0x38: {  	[spmem:s0] =	stream.linear.scatter [tilespmem:s21], [sflag:$0x3], $0x2000, $0x38;
	[tilespmem:$0x13000] =	vst v63  }
0x39: {  	_ =	swait.ge [sflag:s20], $0x2000  }
0x3a: {  	[sflag:s20] =	ssyncset.done $0x0  }
0x3b: {  	[sflag:s20] =	ssyncadd.s32 $0xFFFFE000  }
0x3c: {  	[spmem:s11] =	stream.linear.scatter [tilespmem:s21], [sflag:$0x3], $0x2000, $0x38;
	[tilespmem:$0x13000] =	vst v63  }
0x3d: {  	_ =	swait.ge [sflag:s20], $0x2000  }
0x3e: {  	[sflag:s20] =	ssyncset.done $0x0  }
0x3f: {  	[sflag:s20] =	ssyncadd.s32 $0xFFFFE000  }
0x40: {  	[spmem:s12] =	stream.linear.scatter [tilespmem:s21], [sflag:$0x3], $0x2000, $0x38;
	[tilespmem:$0x13000] =	vst v63  }
0x41: {  	_ =	swait.ge [sflag:s20], $0x2000  }
0x42: {  	[sflag:s20] =	ssyncset.done $0x0  }
0x43: {  	[sflag:s20] =	ssyncadd.s32 $0xFFFFE000  }
0x44: {  	[spmem:s13] =	stream.linear.scatter [tilespmem:s21], [sflag:$0x3], $0x2000, $0x38;
	[tilespmem:$0x13000] =	vst v63  }
0x45: {  	_ =	swait.ge [sflag:s20], $0x2000  }
0x46: {  	[sflag:s20] =	ssyncset.done $0x0  }
0x47: {  	[sflag:s20] =	ssyncadd.s32 $0xFFFFE000  }
.LBB2_6:
0x48: {  	p3 =	sne.s32 s14, $0x2  }
.Ltmp3:
0x49: {  	_ = 	snop;
	(pc) =	sbr.rel @!p3 .LBB2_10-.Ltmp3, $4  }
0x4a: {  	[bflag:$0x0] =	sbarrier.arrive $0xFFFF;
	s24 =	simm.s32 $0x80;
	s26 =	simm.s32 $0x0  }
0x4b: {  	[tilespmem:s21], [sflag:$0x1] =	stream.indirect.gather [hbm4b:s4+s24], $0x40, s3, s24, $0xb8;
	[tilespmem:$0x13000] =	vst v63  }
0x4c: {  	s25 =	simm.s32 $0x1;
	s30 =	simm.s32 $0x2800;
	s29 =	sand.u32 $0x1, s26  }
0x4d: {  	p2 =	por $0x0, $0x0;
	s31 =	sxor.u32 $0x1, s29;
	s26 =	sshll.u32 s29, $0xD  }
0x4e: {  	s25 =	sshll.u32 s31, $0xD;
	s28 =	sadd.s32 $0x1, s31  }
0x4f: {  	s29 =	sadd.s32 $0x1, s29;
	s10 =	simm.s32 $0x1;
	s25 =	sor.u32 $0x5000, s25  }
0x50: {  	[tilespmem:s25], [sflag:s28] =	stream.indirect.gather [hbm4b:s4+s22], $0x40, s24, s22, $0xb8;
	[tilespmem:$0x13000] =	vst v63  }
0x51: {  	s26 =	sor.u32 $0x5000, s26;
	p3 =	sne.s32 s14, $0x3;
	_ =	swait.ge [sflag:s29], $0x2000  }
.Ltmp4:
0x52: {  	p2 =	por $0x1, $0x1;
	[sflag:s29] =	ssyncset.done $0x0;
	(pc) =	sbr.rel @!p3 .LBB2_8-.Ltmp4, $4  }
0x53: {  	s28 =	simm.s32 $0x3;
	s24 =	simm.s32 $0x100;
	[sflag:s29] =	ssyncadd.s32 $0xFFFFE000  }
0x54: {  	[spmem:s1] =	stream.indirect.scatter.add.f32 [tilespmem:s26], [sflag:$0x3], $0x40, s30, s22, $0xb8;
	[tilespmem:$0x13000] =	vst v63  }
0x55: {  	s29 =	sand.u32 $0x1, s10;
	s30 =	simm.s32 $0x2880;
	_ =	swait.ge [sflag:s20], $0x2000  }
0x56: {  	s31 =	sxor.u32 $0x1, s29;
	s26 =	sshll.u32 s29, $0xD;
	[sflag:s20] =	ssyncset.done $0x0  }
.LBB2_9:
0x57: {  	s25 =	smov.u32 s28;
	s0 =	sshll.u32 s31, $0xD;
	s2 =	smov.u32 s28  }
0x58: {  	s28 =	sadd.s32 $0x1, s28;
	s10 =	smov.u32 s30;
	[sflag:s20] =	ssyncadd.s32 $0xFFFFE000  }
0x59: {  	s31 =	sadd.s32 $0x1, s31;
	s29 =	sadd.s32 $0x1, s29;
	s0 =	sor.u32 $0x5000, s0  }
0x5a: {  	[tilespmem:s0], [sflag:s31] =	stream.indirect.gather [hbm4b:s4+s22], $0x40, s24, s22, $0xb8;
	[tilespmem:$0x13000] =	vst v63  }
0x5b: {  	p3 =	sne.s32 s14, s28;
	_ =	swait.ge [sflag:s29], $0x2000  }
.Ltmp5:
0x5c: {  	s30 =	sadd.s32 $0x80, s30;
	[sflag:s29] =	ssyncset.done $0x0;
	(pc) =	sbr.rel @p3 .LBB2_9-.Ltmp5, $4  }
0x5d: {  	s0 =	sadd.s32 $0xFFFFFFFF, s2;
	s2 =	sor.u32 $0x5000, s26;
	[sflag:s29] =	ssyncadd.s32 $0xFFFFE000  }
0x5e: {  	[spmem:s1] =	stream.indirect.scatter.add.f32 [tilespmem:s2], [sflag:$0x3], $0x40, s10, s22, $0xb8;
	[tilespmem:$0x13000] =	vst v63  }
0x5f: {  	s24 =	sadd.s32 $0x80, s24;
	s29 =	sand.u32 $0x1, s0;
	_ =	swait.ge [sflag:s20], $0x2000  }
0x60: {  	s31 =	sxor.u32 $0x1, s29;
	s26 =	sshll.u32 s29, $0xD;
	[sflag:s20] =	ssyncset.done $0x0  }
.LBB2_10:
0x61: {  	s0 =	sshll.u32 s31, $0xD;
	[sflag:s20] =	ssyncadd.s32 @p2 $0xFFFFE000  }
0x62: {  	s2 =	sadd.s32 $0x1, s31;
	s10 =	sadd.s32 $0x1, s29;
	s0 =	sor.u32 $0x5000, s0  }
0x63: {  	[tilespmem:s0], [sflag:s2] =	stream.indirect.gather [hbm4b:s4+s22], $0x40, s24, s22, $0xb8;
	[tilespmem:$0x13000] =	vst v63  }
0x64: {  	_ =	swait.ge [sflag:s10], $0x2000  }
0x65: {  	[sflag:s10] =	ssyncset.done $0x0  }
0x66: {  	s26 =	sor.u32 $0x5000, s26;
	[sflag:s10] =	ssyncadd.s32 $0xFFFFE000  }
0x67: {  	[spmem:s1] =	stream.indirect.scatter.add.f32 [tilespmem:s26], [sflag:$0x3], $0x40, s30, s22, $0xb8;
	[tilespmem:$0x13000] =	vst v63  }
0x68: {  	_ =	swait.ge [sflag:s20], $0x2000  }
0x69: {  	s28 =	sand.u32 $0x1, s25;
	[sflag:s20] =	ssyncset.done $0x0  }
0x6a: {  	s29 =	sadd.s32 $0x1, s28;
	[sflag:s20] =	ssyncadd.s32 $0xFFFFE000  }
0x6b: {  	_ =	swait.ge [sflag:s29], $0x2000  }
0x6c: {  	s0 =	sshll.u32 s28, $0xD;
	[sflag:s29] =	ssyncset.done $0x0  }
0x6d: {  	s0 =	sor.u32 $0x5000, s0;
	s30 =	sadd.s32 $0x80, s30;
	[sflag:s29] =	ssyncadd.s32 $0xFFFFE000  }
0x6e: {  	[spmem:s1] =	stream.indirect.scatter.add.f32 [tilespmem:s0], [sflag:$0x3], $0x40, s30, s22, $0xb8;
	[tilespmem:$0x13000] =	vst v63  }
0x6f: {  	_ =	swait.ge [sflag:s20], $0x2000  }
0x70: {  	[sflag:s20] =	ssyncset.done $0x0  }
0x71: {  	s23 =	sadd.s32 $0x1, s23;
	[sflag:s20] =	ssyncadd.s32 $0xFFFFE000  }
0x72: {  	s31 =	sshrl.u32 s8, $0x3;
	p2 =	sne.s32 s23, s17;
	[bflag:$0x0] =	sbarrier.arrive $0xFFFF  }
0x73: {  	[hbm:s16], [sflag:s18] =	dma.local [spmem:s31], $0x1400  }
.Ltmp6:
0x74: {  	_ = 	snop;
	(pc) =	sbr.rel @p2 .LBB2_1-.Ltmp6, $4  }
.Ltmp7:
0x75: {  	_ = 	snop;
	(pc) =	sbr.rel @!p2 .LBB2_11-.Ltmp7, $4  }
0x76: {  	_ =	swait.ge [sflag:s20], $0x1400  }
0x77: {  	[sflag:s20] =	ssyncset.done $0x0  }
0x78: {  	[sflag:s20] =	ssyncadd.s32 $0xFFFFEC00  }
0x79: {  	_ = 	snop  }
.LBB2_8:
.Ltmp8:
0x7a: {  	(pc) =	sbr.rel .LBB2_10-.Ltmp8, $2  }
0x7b: {  	_ =	sdelay $0x2  }
0x7c: {  	s25 =	simm.s32 $0x2;
	s30 =	simm.s32 $0x2880  }
.LBB2_11:
0x7d: {  	_ =	sfence.sel $0x180000  }
0x7e: {  	[bflag:$0x0] =	sbarrier.arrive $0xFFFF  }
0x7f: {  	_ =	strace $0x9000004A  }
0x80: {  	s0 =	stileid.u32;
	[bflag:$0x2] =	sbarrier.arrive $0xFFFF  }
0x81: {  	p0 =	sne.s32 s0, $0x0;
	s0 =	rddreg [dreg:$0x2]  }
0x82: {  	s0 =	sadd.s32 @!p0 $0x100000, s0  }
0x83: {  	[sflag:s0] =	ssyncadd.tile.s32 @!p0 $0x1;
	_ =	shalt  }
.Lfunc_end2:
_tile_overlayer_lowered:
.L_overlay_start_2:
0x84: {  	(tag) =	ssettag $0x2  }
0x85: {  	s0 =	rddreg [dreg:$0x0];
	s2 =	stileid.u32  }
0x86: {  	s1 =	rddreg [dreg:$0x1];
	p0 =	sne.s32 s2, $0x0  }
0x87: {  	s3 =	rddreg [dreg:$0x2];
	[bflag:$0x3] =	sbarrier.arrive $0xFFFF;
	s2 =	simm.s32 @!p0 $0x1C03  }
0x88: {  	[timem:s3], [sflag:s2] =	dma.local @!p0 [hbm:s0], s1  }
0x89: {  	s0 =	simm.s32 @!p0 $0x3  }
0x8a: {  	_ =	swait.ge @!p0 [sflag:s0], s1  }
0x8b: {  	s1 =	ssub.s32 @!p0 $0x0, s1;
	[sflag:s0] =	ssyncset.done @!p0 $0x0  }
0x8c: {  	[sflag:s0] =	ssyncadd.s32 @!p0 s1  }
0x8d: {  	[bflag:$0x3] =	sbarrier.arrive $0xFFFF  }
0x8e: {  	_ =	shalt  }

// kernel: kernel.13.cloned.1.call-start
scs
__scs_entry_jumppad:
0x0: {  	(pc) =	sbr.rel $0x88, $3  }
0x1: {  	(tag) =	ssettag $0x0;
	lr =	simm.s32 $0x1  }
0x2: {  	[smem:$0x3F9B] =	sst lr;
	_ =	strace $0xD0000000  }
0x3: {  	_ = 	snop  }
0x4: {  	_ = 	snop  }
0x5: {  	_ = 	snop  }
0x6: {  	_ = 	snop  }
0x7: {  	_ = 	snop  }
__scs_overlays_trampoline_lowered:
0x8: {  	[smem:$0x3FAA] =	sst s0  }
0x9: {  	[smem:$0x3FAB] =	sst s1  }
0xa: {  	[smem:$0x3FAC] =	sst s2  }
0xb: {  	[smem:$0x3FAD] =	sst s3  }
0xc: {  	[smem:$0x3FAE] =	sst s4  }
0xd: {  	[smem:$0x3FAF] =	sst s5  }
0xe: {  	[smem:$0x3FB0] =	sst s6  }
0xf: {  	[smem:$0x3FB1] =	sst s7  }
0x10: {  	[smem:$0x3FB2] =	sst s8  }
0x11: {  	[smem:$0x3FB3] =	sst s9;
	s0 =	simm.s32 @!p0 $0x0  }
0x12: {  	s1 =	sld [smem:$0x3F99];
	s0 =	simm.s32 @p0 $0x1  }
0x13: {  	[smem:$0x3FB4] =	sst s0;
	s0 =	simm.s32 @!p1 $0x0  }
0x14: {  	s2 =	sld [smem:$0x3F98];
	s0 =	simm.s32 @p1 $0x1  }
0x15: {  	[smem:$0x3FB5] =	sst s0;
	s0 =	simm.s32 @!p2 $0x0  }
0x16: {  	s3 =	sld [smem:$0x3FDB];
	s0 =	simm.s32 @p2 $0x1  }
0x17: {  	s4 =	simm.s32 $0x1BF5;
	[smem:$0x3FB7] =	sst s0  }
0x18: {  	s0 =	sld [smem:$0x3F9A];
	_ =	swait.ge [sflag:s4], $0x0  }
0x19: {  	s7 =	sld [smem:$0x3F9B]  }
0x1a: {  	s8 =	sadd.s32 $0xFFFFE003, lr  }
0x1b: {  	s9 =	sadd.s32 $0xFFFFFEF7, lr;
	s5 =	simm.s32 $0xFFFFFFFF;
	p2 =	slt.u32 s8, $0xFFFFF086  }
0x1c: {  	p1 =	slt.u32 s9, $0xF7A;
	s5 =	simm.s32 @!p2 $0x0  }
0x1d: {  	s5 =	simm.s32 @p1 $0x1;
	p0 =	seq.s32 s7, s2  }
0x1e: {  	s7 =	smul.u32 @!p0 $0xF7A, s2;
	p2 =	seq.s32 @!p0 s5, $0x0  }
0x1f: {  	s9 =	smul.u32 $0xF7A, s1;
	s8 =	simm.s32 @!p0 $0x1BF5;
	p2 =	por !p2, p0  }
0x20: {  	[sflag:s8] =	ssyncset.s32 @!p0 $0xFFFFF086;
	s6 =	sadd.s32 @!p0 s3, s7;
	s7 =	simm.s32 @!p0 $0x108  }
0x21: {  	s3 =	sadd.s32 s3, s9;
	s6 =	sadd.s32 @!p0 $0x88, s6;
	s7 =	simm.s32 @p2 $0x1082  }
0x22: {  	[simem:s7], [sflag:s8] =	dma.local @!p0 [hbm:s6], $0xF7A  }
0x23: {  	s9 =	sor.u32 $0xD0000000, s2;
	s6 =	simm.s32 $0x108;
	_ =	swait.ge @!p0 [sflag:s8], $0x0  }
0x24: {  	s3 =	sadd.s32 $0x88, s3;
	s6 =	simm.s32 @!p1 $0x1082;
	[sflag:s4] =	ssyncset.s32 $0xFFFFF086  }
0x25: {  	[simem:s6], [sflag:s4] =	dma.local [hbm:s3], $0xF7A  }
0x26: {  	[smem:$0x3F9B] =	sst s1;
	(tag) =	ssettag s2;
	_ =	strace s9  }
0x27: {  	s1 =	sld [smem:$0x3FAB]  }
0x28: {  	s2 =	sld [smem:$0x3FAC]  }
0x29: {  	s4 =	sld [smem:$0x3FAE]  }
0x2a: {  	p0 =	seq.s32 s5, $0x0;
	s5 =	sld [smem:$0x3FAF]  }
0x2b: {  	s6 =	sld [smem:$0x3FB0]  }
0x2c: {  	s7 =	sld [smem:$0x3FB1]  }
0x2d: {  	s3 =	simm.s32 $0x108;
	s8 =	sld [smem:$0x3FB2]  }
0x2e: {  	s3 =	simm.s32 @!p0 $0x1082;
	s9 =	sld [smem:$0x3FB3]  }
0x2f: {  	lr =	sadd.s32 s0, s3;
	s0 =	sld [smem:$0x3FAA]  }
0x30: {  	s3 =	sld [smem:$0x3FAD]  }
0x31: {  	[smem:$0x3FB6] =	sst s10  }
0x32: {  	s10 =	sld [smem:$0x3FB4];
	_ =	sdelay $0x3  }
0x33: {  	p0 =	seq.s32 s10, $0x1;
	s10 =	sld [smem:$0x3FB6];
	_ =	sdelay $0x3  }
0x34: {  	[smem:$0x3FB6] =	sst s10  }
0x35: {  	s10 =	sld [smem:$0x3FB5];
	_ =	sdelay $0x3  }
0x36: {  	p1 =	seq.s32 s10, $0x1;
	s10 =	sld [smem:$0x3FB6];
	_ =	sdelay $0x3  }
0x37: {  	[smem:$0x3FB6] =	sst s10  }
0x38: {  	s10 =	sld [smem:$0x3FB7]  }
0x39: {  	_ = 	snop;
	(pc) =	sbr.ind lr, $3  }
0x3a: {  	_ = 	snop  }
0x3b: {  	_ = 	snop  }
0x3c: {  	p2 =	seq.s32 s10, $0x1;
	s10 =	sld [smem:$0x3FB6]  }
0x3d: {  	_ =	shalt  }
0x3e: {  	_ =	shalt  }
0x3f: {  	_ =	shalt  }
0x40: {  	_ =	shalt  }
0x41: {  	_ =	shalt  }
0x42: {  	_ =	shalt  }
0x43: {  	_ =	shalt  }
0x44: {  	_ =	shalt  }
0x45: {  	_ =	shalt  }
0x46: {  	_ =	shalt  }
0x47: {  	_ =	shalt  }
0x48: {  	_ =	shalt  }
0x49: {  	_ =	shalt  }
0x4a: {  	_ =	shalt  }
0x4b: {  	_ =	shalt  }
0x4c: {  	_ =	shalt  }
0x4d: {  	_ =	shalt  }
0x4e: {  	_ =	shalt  }
0x4f: {  	_ =	shalt  }
0x50: {  	_ =	shalt  }
0x51: {  	_ =	shalt  }
0x52: {  	_ =	shalt  }
0x53: {  	_ =	shalt  }
0x54: {  	_ =	shalt  }
0x55: {  	_ =	shalt  }
0x56: {  	_ =	shalt  }
0x57: {  	_ =	shalt  }
0x58: {  	_ =	shalt  }
0x59: {  	_ =	shalt  }
0x5a: {  	_ =	shalt  }
0x5b: {  	_ =	shalt  }
0x5c: {  	_ =	shalt  }
0x5d: {  	_ =	shalt  }
0x5e: {  	_ =	shalt  }
0x5f: {  	_ =	shalt  }
0x60: {  	_ =	shalt  }
0x61: {  	_ =	shalt  }
0x62: {  	_ =	shalt  }
0x63: {  	_ =	shalt  }
0x64: {  	_ =	shalt  }
0x65: {  	_ =	shalt  }
0x66: {  	_ =	shalt  }
0x67: {  	_ =	shalt  }
0x68: {  	_ =	shalt  }
0x69: {  	_ =	shalt  }
0x6a: {  	_ =	shalt  }
0x6b: {  	_ =	shalt  }
0x6c: {  	_ =	shalt  }
0x6d: {  	_ =	shalt  }
0x6e: {  	_ =	shalt  }
0x6f: {  	_ =	shalt  }
0x70: {  	_ =	shalt  }
0x71: {  	_ =	shalt  }
0x72: {  	_ =	shalt  }
0x73: {  	_ =	shalt  }
0x74: {  	_ =	shalt  }
0x75: {  	_ =	shalt  }
0x76: {  	_ =	shalt  }
0x77: {  	_ =	shalt  }
0x78: {  	_ =	shalt  }
0x79: {  	_ =	shalt  }
0x7a: {  	_ =	shalt  }
0x7b: {  	_ =	shalt  }
0x7c: {  	_ =	shalt  }
0x7d: {  	_ =	shalt  }
0x7e: {  	_ =	shalt  }
0x7f: {  	_ =	shalt  }
0x80: {  	_ =	shalt  }
0x81: {  	_ =	shalt  }
0x82: {  	_ =	shalt  }
0x83: {  	_ =	shalt  }
0x84: {  	_ =	shalt  }
0x85: {  	_ =	shalt  }
0x86: {  	_ =	shalt  }
0x87: {  	_ =	shalt  }
.Lfunc_end0:
.L_simem_size_0:
called_computation.2_lowered:
.L_overlay_start_0:
0x88: {  	s2 =	sld [smem:$0x3FD9]  }
0x89: {  	s3 =	sld [smem:$0x3FFE];
	_ =	sdelay $0x1  }
0x8a: {  	s1 =	srdreg.scid  }
0x8b: {  	s0 =	sand.u32 $0x1, s1  }
0x8c: {  	s16 =	sshll.u32 s0, $0xA;
	s2 =	sadd.s32 s3, s2  }
0x8d: {  	s2 =	sadd.s32 s2, s16  }
0x8e: {  	[smem:$0x3FC2] =	sst s2  }
0x8f: {  	_ = 	snop  }
0x90: {  	(tm) =	ssettm $0x1  }
0x91: {  	s17 =	sld [smem:$0x3FFB];
	_ =	sdelay $0x3  }
0x92: {  	_ =	strace s17  }
0x93: {  	s2 =	sld [smem:$0x3FFC];
	_ =	sdelay $0x3  }
0x94: {  	_ =	strace s2  }
0x95: {  	s2 =	sld [smem:$0x3FFD];
	_ =	sdelay $0x3  }
0x96: {  	_ =	strace s2  }
0x97: {  	_ =	strace $0x8FFFFFFF  }
0x98: {  	s18 =	sld [smem:$0x3FDB];
	_ =	sdelay $0x1  }
0x99: {  	s19 =	simm.s32 $_scs_section_size  }
0x9a: {  	s4 =	simm.s32 $_size__tile_overlayer_lowered;
	s5 =	simm.s32 $_tile_overlayer_lowered  }
0x9b: {  	s22 =	simm.s32 $0x1BFF;
	s21 =	sshll.u32 s5, $0x1;
	s2 =	sadd.s32 s19, s18  }
0x9c: {  	s6 =	simm.s32 $0x0;
	s20 =	sshll.u32 s4, $0x1;
	s4 =	sadd.s32 s21, s2  }
0x9d: {  	[timem:s6], [sflag:s22] =	dma.local [hbm:s4], s20  }
0x9e: {  	_ =	swait.ge [sflag:s22], s20  }
0x9f: {  	s3 =	ssub.s32 $0x0, s20;
	[sflag:s22] =	ssyncset.done $0x0  }
0xa0: {  	[sflag:s22] =	ssyncadd.s32 s3;
	_ =	sdelay $0x1  }
0xa1: {  	s23 =	simm.s32 $0x1B8B  }
0xa2: {  	_ =	swait.ge [sflag:s23], $0x1  }
0xa3: {  	[sflag:s23] =	ssyncset.done $0x0  }
0xa4: {  	s25 =	simm.s32 $0x1B8E;
	s24 =	sld [smem:$0x3FFE];
	[sflag:s23] =	ssyncadd.s32 $0xFFFFFFFF  }
0xa5: {  	s26 =	simm.s32 $execute0_lowered;
	[smem:$0x3FD2] =	sst s25  }
0xa6: {  	s4 =	sshll.u32 s26, $0x1;
	_ =	strace $0x8000004C;
	[dreg:$0x1] =	wrdreg $0xFFFFFFFF  }
0xa7: {  	s28 =	simm.s32 $_size_execute0_lowered;
	s2 =	sadd.s32 s2, s4;
	[dreg:$0x0] =	wrdreg $0x0  }
0xa8: {  	s4 =	sshll.u32 s28, $0x1;
	[dreg:$0x2] =	wrdreg s2  }
0xa9: {  	[dreg:$0x3] =	wrdreg s4  }
0xaa: {  	[dreg:$0x4] =	wrdreg $0xC0  }
0xab: {  	_ =	task [dreg:s6], $0x5FFFF  }
0xac: {  	[dreg:$0x1] =	wrdreg $0xFFFFFFFF  }
0xad: {  	[dreg:$0x0] =	wrdreg $0x60  }
0xae: {  	[dreg:$0x2] =	wrdreg s24  }
0xaf: {  	[dreg:$0x3] =	wrdreg $0x88000  }
0xb0: {  	[dreg:$0x4] =	wrdreg $0x60000  }
0xb1: {  	[dreg:$0x5] =	wrdreg $0x9  }
0xb2: {  	_ =	task.clear_ibuf [dreg:s6], $0x6FFFF;
	_ =	strace $0x9000004C  }
0xb3: {  	s29 =	simm.s32 $0x9;
	_ =	strace $0x8000004E  }
0xb4: {  	_ =	swait.ge [sflag:s29], $0x1  }
0xb5: {  	[sflag:s29] =	ssyncadd.s32 $0xFFFFFFFF  }
0xb6: {  	_ =	strace $0x9000004E  }
0xb7: {  	_ =	sfence  }
0xb8: {  	s30 =	sld [smem:$0x0];
	_ =	sdelay $0x2  }
0xb9: {  	s31 =	sshll.u32 s1, $0xD;
	s1 =	sshrl.u32 s1, $0x2  }
0xba: {  	s3 =	sand.u32 $0x4000, s31;
	s1 =	sadd.s32 s1, s30  }
0xbb: {  	s0 =	sor.u32 s3, s0;
	s1 =	sshll.u32 s1, $0x11  }
0xbc: {  	s0 =	sor.u32 s1, s0  }
0xbd: {  	s0 =	sadd.s32 $0x8F2B, s0  }
0xbe: {  	[sflag:s0] =	ssyncadd.remote.s32 $0x1  }
0xbf: {  	_ =	sfence.sel $0xFFFF  }
0xc0: {  	[dreg:$0x0] =	wrdreg $0xFFFFFFFF;
	(pc) =	sbr.abs _section_cstart, $3  }
0xc1: {  	[dreg:$0x1] =	wrdreg $0xFFFFFFFF  }
0xc2: {  	_ =	task.clear_ibuf [dreg:s6], $0x2FFFF;
	_ =	strace $0x9FFFFFFF  }
0xc3: {  	(tm) =	ssettm $0x7FFFFFFF  }
tec
execute0_lowered:
.L_overlay_start_1:
0x0: {  	(tag) =	ssettag $0x1  }
0x1: {  	s0 =	rddreg [dreg:$0x0]  }
0x2: {  	s2 =	rddreg [dreg:$0x1]  }
0x3: {  	s3 =	rddreg [dreg:$0x2];
	s1 =	stileid.u32  }
0x4: {  	s5 =	srdreg.scid;
	s4 =	simm.s32 $0x0;
	s15 =	simm.s32 $0x14  }
0x5: {  	s20 =	simm.s32 $0x3;
	s22 =	simm.s32 $0x5000;
	s10 =	smul.u32 $0x2800, s1  }
0x6: {  	s23 =	simm.s32 $0x80;
	s18 =	sand.u32 $0x1, s5;
	s24 =	smul.u32 $0x500, s1  }
0x7: {  	[smem:$0x7FF] =	sst s4;
	s7 =	sshll.u32 s1, $0x1;
	s28 =	smul.u32 $0xA000, s1  }
0x8: {  	s8 =	sadd.s32 $0x1A00, s0;
	s31 =	sshll.u32 s1, $0x6;
	s6 =	smul.u32 $0x5000, s18  }
0x9: {  	_ =	strace $0x8000004D;
	s7 =	sor.u32 s18, s7;
	s26 =	ssub.s32 $0x2, s18  }
0xa: {  	p1 =	sne.s32 s18, $0x0;
	s18 =	sor.u32 $0x1C03, s31;
	s25 =	smul.u32 $0x2800, s7  }
0xb: {  	s9 =	sshrl.u32 s10, $0x3;
	s11 =	sshrl.u32 s26, $0x1;
	s12 =	smul.u32 $0x500, s7  }
0xc: {  	p0 =	seq.s32 s7, $0x1F;
	s7 =	sadd.s32 $0xB500, s0;
	s29 =	sshrl.u32 s28, $0x2  }
0xd: {  	s19 =	sadd.s32 s10, s2;
	s10 =	sadd.s32 s10, s3;
	s5 =	sadd.s32 s24, s6  }
0xe: {  	s9 =	sadd.s32 s9, s0;
	s17 =	ssub.s32 s26, s11;
	s15 =	simm.s32 @!p0 $0x50  }
0xf: {  	s19 =	sshrl.u32 s19, $0x3;
	s21 =	sshrl.u32 s10, $0x3;
	s24 =	simm.s32 $0x0  }
0x10: {  	s16 =	sadd.s32 s5, s0;
	s6 =	sshrl.u32 s25, $0x3;
	s5 =	sadd.s32 s8, s12  }
0x11: {  	s9 =	sadd.s32 $0x15400, s9;
	s17 =	smax.u32 s17, $0x1;
	s6 =	sadd.s32 s8, s6  }
0x12: {  	s8 =	sadd.s32 $0x15140, s0;
	s0 =	sadd.s32 s29, s3;
	s16 =	sadd.s32 $0x1A400, s16  }
0x13: {  	s6 =	sadd.s32 $0x9C40, s6;
	s30 =	sadd.s32 $0x800, s0;
	s12 =	sadd.s32 $0x1000, s0  }
0x14: {  	v0 =	vimm.f32 $0.0e+00;
	s13 =	sadd.s32 $0x1800, s0;
	s14 =	sadd.s32 $0x2000, s0;
	[dreg:$0x4] =	wrdreg s30  }
.LBB2_1:
0x15: {  	s0 =	simm.s32 @p0 $0x0;
	s25 =	simm.s32 @p0 $0x3  }
0x16: {  	[tilespmem:s0], [sflag:$0x3] =	stream.linear.gather @p0 [hbm4b:s7+s0], $0xA00, $0x38;
	[tilespmem:$0xB000] =	vst v63  }
0x17: {  	_ =	swait.ge @p0 [sflag:s25], $0xA00  }
0x18: {  	[sflag:s25] =	ssyncset.done @p0 $0x0  }
0x19: {  	s26 =	simm.s32 @p0 $0x2800;
	[sflag:s25] =	ssyncadd.s32 @p0 $0xFFFFF600  }
0x1a: {  	[tilespmem:s26], [sflag:$0x3] =	stream.linear.gather @p0 [hbm4b:s8+s0], $0xA00, $0x38;
	[tilespmem:$0xB000] =	vst v63  }
0x1b: {  	_ =	swait.ge @p0 [sflag:s25], $0xA00  }
0x1c: {  	[sflag:s25] =	ssyncset.done @p0 $0x0  }
0x1d: {  	s0 =	simm.s32 @!p0 $0x0;
	[sflag:s25] =	ssyncadd.s32 @p0 $0xFFFFF600;
	s25 =	simm.s32 @!p0 $0x3  }
0x1e: {  	[tilespmem:s0], [sflag:$0x3] =	stream.linear.gather @!p0 [hbm4b:s5+s0], $0x2800, $0x38;
	[tilespmem:$0xB000] =	vst v63  }
0x1f: {  	_ =	swait.ge @!p0 [sflag:s25], $0x2800  }
0x20: {  	[sflag:s25] =	ssyncset.done @!p0 $0x0  }
0x21: {  	s26 =	simm.s32 @!p0 $0x2800;
	[sflag:s25] =	ssyncadd.s32 @!p0 $0xFFFFD800  }
0x22: {  	[tilespmem:s26], [sflag:$0x3] =	stream.linear.gather @!p0 [hbm4b:s6+s0], $0x2800, $0x38;
	[tilespmem:$0xB000] =	vst v63  }
0x23: {  	_ =	swait.ge @!p0 [sflag:s25], $0x2800  }
0x24: {  	[sflag:s25] =	ssyncset.done @!p0 $0x0  }
.Ltmp0:
0x25: {  	[sflag:s25] =	ssyncadd.s32 @!p0 $0xFFFFD800;
	(pc) =	sbr.rel @p1 .LBB2_3-.Ltmp0, $4  }
0x26: {  	[spmem:s19], [sflag:s18] =	dma.local [hbm:s9], $0x500  }
0x27: {  	_ =	swait.ge [sflag:s20], $0x500  }
0x28: {  	[sflag:s20] =	ssyncset.done $0x0  }
0x29: {  	[sflag:s20] =	ssyncadd.s32 $0xFFFFFB00  }
.Ltmp1:
0x2a: {  	(pc) =	sbr.rel .LBB2_6-.Ltmp1, $4  }
0x2b: {  	[spmem:s21], [sflag:s18] =	dma.local [hbm:s9], $0x500  }
0x2c: {  	_ =	swait.ge [sflag:s20], $0x500  }
0x2d: {  	[sflag:s20] =	ssyncset.done $0x0  }
0x2e: {  	[sflag:s20] =	ssyncadd.s32 $0xFFFFFB00  }
.LBB2_3:
0x2f: {  	s0 =	simm.s32 $0x40;
	s25 =	simm.s32 $0x0  }
.LBB2_4:
0x30: {  	p2 =	sne.s32 s0, $0x1FC0;
	[tilespmem:s25+$0x5000] =	vst v0;
	s25 =	smov.u32 s0;
	s0 =	sadd.s32 $0x40, s0  }
.Ltmp2:
0x31: {  	(pc) =	sbr.rel @p2 .LBB2_4-.Ltmp2, $2  }
0x32: {  	_ =	sdelay $0x2  }
0x33: {  	s25 =	sshra.s32 s25, $0x2  }
0x34: {  	[tilespmem:s25+$0x5000] =	vst v0  }
0x35: {  	[spmem:s10] =	stream.linear.scatter [tilespmem:s22], [sflag:$0x3], $0x800, $0x38;
	[tilespmem:$0xB000] =	vst v63  }
0x36: {  	_ =	swait.ge [sflag:s20], $0x800  }
0x37: {  	[sflag:s20] =	ssyncset.done $0x0  }
0x38: {  	s0 =	rddreg [dreg:$0x4];
	[sflag:s20] =	ssyncadd.s32 $0xFFFFF800  }
0x39: {  	[spmem:s0] =	stream.linear.scatter [tilespmem:s22], [sflag:$0x3], $0x800, $0x38;
	[tilespmem:$0xB000] =	vst v63  }
0x3a: {  	_ =	swait.ge [sflag:s20], $0x800  }
0x3b: {  	[sflag:s20] =	ssyncset.done $0x0  }
0x3c: {  	[sflag:s20] =	ssyncadd.s32 $0xFFFFF800  }
0x3d: {  	[spmem:s12] =	stream.linear.scatter [tilespmem:s22], [sflag:$0x3], $0x800, $0x38;
	[tilespmem:$0xB000] =	vst v63  }
0x3e: {  	_ =	swait.ge [sflag:s20], $0x800  }
0x3f: {  	[sflag:s20] =	ssyncset.done $0x0  }
0x40: {  	[sflag:s20] =	ssyncadd.s32 $0xFFFFF800  }
0x41: {  	[spmem:s13] =	stream.linear.scatter [tilespmem:s22], [sflag:$0x3], $0x800, $0x38;
	[tilespmem:$0xB000] =	vst v63  }
0x42: {  	_ =	swait.ge [sflag:s20], $0x800  }
0x43: {  	[sflag:s20] =	ssyncset.done $0x0  }
0x44: {  	[sflag:s20] =	ssyncadd.s32 $0xFFFFF800  }
0x45: {  	[spmem:s14] =	stream.linear.scatter [tilespmem:s22], [sflag:$0x3], $0x800, $0x38;
	[tilespmem:$0xB000] =	vst v63  }
0x46: {  	_ =	swait.ge [sflag:s20], $0x800  }
0x47: {  	[sflag:s20] =	ssyncset.done $0x0  }
0x48: {  	[sflag:s20] =	ssyncadd.s32 $0xFFFFF800  }
.LBB2_6:
0x49: {  	p3 =	sne.s32 s15, $0x2  }
.Ltmp3:
0x4a: {  	[bflag:$0x0] =	sbarrier.arrive $0xFFFF;
	(pc) =	sbr.rel @!p3 .LBB2_10-.Ltmp3, $4  }
0x4b: {  	s25 =	simm.s32 $0x80;
	s0 =	simm.s32 $0x0;
	s29 =	simm.s32 $0x0  }
0x4c: {  	[tilespmem:s22], [sflag:$0x1] =	stream.indirect.gather [spmem:s2], $0x10, s0, s25, $0xb8;
	[tilespmem:$0xB000] =	vst v63  }
0x4d: {  	s26 =	simm.s32 $0x1;
	s31 =	simm.s32 $0x2800;
	s30 =	sand.u32 $0x1, s29  }
0x4e: {  	p2 =	por $0x0, $0x0;
	s0 =	sxor.u32 $0x1, s30;
	s28 =	sshll.u32 s30, $0xB  }
0x4f: {  	s26 =	sshll.u32 s0, $0xB;
	s4 =	sadd.s32 $0x1, s0  }
0x50: {  	s30 =	sadd.s32 $0x1, s30;
	s29 =	simm.s32 $0x3;
	s26 =	sor.u32 $0x5000, s26  }
0x51: {  	[tilespmem:s26], [sflag:s4] =	stream.indirect.gather [spmem:s2], $0x10, s25, s23, $0xb8;
	[tilespmem:$0xB000] =	vst v63  }
0x52: {  	s11 =	simm.s32 $0x1;
	p3 =	sne.s32 s15, $0x3;
	_ =	swait.ge [sflag:s30], $0x800  }
.Ltmp4:
0x53: {  	p2 =	por $0x1, $0x1;
	[sflag:s30] =	ssyncset.done $0x0;
	(pc) =	sbr.rel @!p3 .LBB2_8-.Ltmp4, $4  }
0x54: {  	s26 =	sor.u32 $0x5000, s28;
	s25 =	simm.s32 $0x100;
	[sflag:s30] =	ssyncadd.s32 $0xFFFFF800  }
0x55: {  	[spmem:s3] =	stream.indirect.scatter.add.f32 [tilespmem:s26], [sflag:$0x3], $0x10, s31, s23, $0xb8;
	[tilespmem:$0xB000] =	vst v63  }
0x56: {  	s30 =	sand.u32 $0x1, s11;
	s31 =	simm.s32 $0x2880;
	_ =	swait.ge [sflag:s20], $0x800  }
0x57: {  	s0 =	sxor.u32 $0x1, s30;
	s28 =	sshll.u32 s30, $0xB;
	[sflag:s20] =	ssyncset.done $0x0  }
.LBB2_9:
0x58: {  	s26 =	smov.u32 s29;
	s1 =	sshll.u32 s0, $0xB;
	s4 =	smov.u32 s29  }
0x59: {  	s29 =	sadd.s32 $0x1, s29;
	s11 =	smov.u32 s31;
	[sflag:s20] =	ssyncadd.s32 $0xFFFFF800  }
0x5a: {  	s0 =	sadd.s32 $0x1, s0;
	s30 =	sadd.s32 $0x1, s30;
	s1 =	sor.u32 $0x5000, s1  }
0x5b: {  	[tilespmem:s1], [sflag:s0] =	stream.indirect.gather [spmem:s2], $0x10, s25, s23, $0xb8;
	[tilespmem:$0xB000] =	vst v63  }
0x5c: {  	p3 =	sne.s32 s15, s29;
	_ =	swait.ge [sflag:s30], $0x800  }
.Ltmp5:
0x5d: {  	s31 =	sadd.s32 $0x80, s31;
	[sflag:s30] =	ssyncset.done $0x0;
	(pc) =	sbr.rel @p3 .LBB2_9-.Ltmp5, $4  }
0x5e: {  	s0 =	sadd.s32 $0xFFFFFFFF, s4;
	s1 =	sor.u32 $0x5000, s28;
	[sflag:s30] =	ssyncadd.s32 $0xFFFFF800  }
0x5f: {  	[spmem:s3] =	stream.indirect.scatter.add.f32 [tilespmem:s1], [sflag:$0x3], $0x10, s11, s23, $0xb8;
	[tilespmem:$0xB000] =	vst v63  }
0x60: {  	s25 =	sadd.s32 $0x80, s25;
	s30 =	sand.u32 $0x1, s0;
	_ =	swait.ge [sflag:s20], $0x800  }
0x61: {  	s0 =	sxor.u32 $0x1, s30;
	s28 =	sshll.u32 s30, $0xB;
	[sflag:s20] =	ssyncset.done $0x0  }
.LBB2_10:
0x62: {  	s1 =	sshll.u32 s0, $0xB;
	[sflag:s20] =	ssyncadd.s32 @p2 $0xFFFFF800  }
0x63: {  	s11 =	sadd.s32 $0x1, s0;
	s4 =	sadd.s32 $0x1, s30;
	s1 =	sor.u32 $0x5000, s1  }
0x64: {  	[tilespmem:s1], [sflag:s11] =	stream.indirect.gather [spmem:s2], $0x10, s25, s23, $0xb8;
	[tilespmem:$0xB000] =	vst v63  }
0x65: {  	_ =	swait.ge [sflag:s4], $0x800  }
0x66: {  	[sflag:s4] =	ssyncset.done $0x0  }
0x67: {  	s28 =	sor.u32 $0x5000, s28;
	[sflag:s4] =	ssyncadd.s32 $0xFFFFF800  }
0x68: {  	[spmem:s3] =	stream.indirect.scatter.add.f32 [tilespmem:s28], [sflag:$0x3], $0x10, s31, s23, $0xb8;
	[tilespmem:$0xB000] =	vst v63  }
0x69: {  	_ =	swait.ge [sflag:s20], $0x800  }
0x6a: {  	s29 =	sand.u32 $0x1, s26;
	[sflag:s20] =	ssyncset.done $0x0  }
0x6b: {  	s30 =	sadd.s32 $0x1, s29;
	[sflag:s20] =	ssyncadd.s32 $0xFFFFF800  }
0x6c: {  	_ =	swait.ge [sflag:s30], $0x800  }
0x6d: {  	s0 =	sshll.u32 s29, $0xB;
	[sflag:s30] =	ssyncset.done $0x0  }
0x6e: {  	s0 =	sor.u32 $0x5000, s0;
	s31 =	sadd.s32 $0x80, s31;
	[sflag:s30] =	ssyncadd.s32 $0xFFFFF800  }
0x6f: {  	[spmem:s3] =	stream.indirect.scatter.add.f32 [tilespmem:s0], [sflag:$0x3], $0x10, s31, s23, $0xb8;
	[tilespmem:$0xB000] =	vst v63  }
0x70: {  	_ =	swait.ge [sflag:s20], $0x800  }
0x71: {  	[sflag:s20] =	ssyncset.done $0x0  }
0x72: {  	s24 =	sadd.s32 $0x1, s24;
	[sflag:s20] =	ssyncadd.s32 $0xFFFFF800  }
0x73: {  	p2 =	sne.s32 s24, s17;
	[bflag:$0x0] =	sbarrier.arrive $0xFFFF  }
0x74: {  	[hbm:s16], [sflag:s18] =	dma.local [spmem:s21], $0x500  }
.Ltmp6:
0x75: {  	_ = 	snop;
	(pc) =	sbr.rel @p2 .LBB2_1-.Ltmp6, $4  }
.Ltmp7:
0x76: {  	_ = 	snop;
	(pc) =	sbr.rel @!p2 .LBB2_11-.Ltmp7, $4  }
0x77: {  	_ =	swait.ge [sflag:s20], $0x500  }
0x78: {  	[sflag:s20] =	ssyncset.done $0x0  }
0x79: {  	[sflag:s20] =	ssyncadd.s32 $0xFFFFFB00  }
0x7a: {  	_ = 	snop  }
.LBB2_8:
.Ltmp8:
0x7b: {  	(pc) =	sbr.rel .LBB2_10-.Ltmp8, $2  }
0x7c: {  	_ =	sdelay $0x2  }
0x7d: {  	s26 =	simm.s32 $0x2;
	s31 =	simm.s32 $0x2880  }
.LBB2_11:
0x7e: {  	_ =	sfence.sel $0x180000  }
0x7f: {  	[bflag:$0x0] =	sbarrier.arrive $0xFFFF  }
0x80: {  	_ =	strace $0x9000004D  }
0x81: {  	s0 =	stileid.u32;
	[bflag:$0x2] =	sbarrier.arrive $0xFFFF  }
0x82: {  	p0 =	sne.s32 s0, $0x0;
	s0 =	rddreg [dreg:$0x3]  }
0x83: {  	s0 =	sadd.s32 @!p0 $0x100000, s0  }
0x84: {  	[sflag:s0] =	ssyncadd.tile.s32 @!p0 $0x1;
	_ =	shalt  }
.Lfunc_end2:
_tile_overlayer_lowered:
.L_overlay_start_2:
0x85: {  	(tag) =	ssettag $0x2  }
0x86: {  	s0 =	rddreg [dreg:$0x0];
	s2 =	stileid.u32  }
0x87: {  	s1 =	rddreg [dreg:$0x1];
	p0 =	sne.s32 s2, $0x0  }
0x88: {  	s3 =	rddreg [dreg:$0x2];
	[bflag:$0x3] =	sbarrier.arrive $0xFFFF;
	s2 =	simm.s32 @!p0 $0x1C03  }
0x89: {  	[timem:s3], [sflag:s2] =	dma.local @!p0 [hbm:s0], s1  }
0x8a: {  	s0 =	simm.s32 @!p0 $0x3  }
0x8b: {  	_ =	swait.ge @!p0 [sflag:s0], s1  }
0x8c: {  	s1 =	ssub.s32 @!p0 $0x0, s1;
	[sflag:s0] =	ssyncset.done @!p0 $0x0  }
0x8d: {  	[sflag:s0] =	ssyncadd.s32 @!p0 s1  }
0x8e: {  	[bflag:$0x3] =	sbarrier.arrive $0xFFFF  }
0x8f: {  	_ =	shalt  }

// kernel: kernel.7.cloned.1.call-start
scs
__scs_entry_jumppad:
0x0: {  	(pc) =	sbr.rel $0x88, $3  }
0x1: {  	(tag) =	ssettag $0x0;
	lr =	simm.s32 $0x1  }
0x2: {  	[smem:$0x3F9B] =	sst lr;
	_ =	strace $0xD0000000  }
0x3: {  	_ = 	snop  }
0x4: {  	_ = 	snop  }
0x5: {  	_ = 	snop  }
0x6: {  	_ = 	snop  }
0x7: {  	_ = 	snop  }
__scs_overlays_trampoline_lowered:
0x8: {  	[smem:$0x3FAA] =	sst s0  }
0x9: {  	[smem:$0x3FAB] =	sst s1  }
0xa: {  	[smem:$0x3FAC] =	sst s2  }
0xb: {  	[smem:$0x3FAD] =	sst s3  }
0xc: {  	[smem:$0x3FAE] =	sst s4  }
0xd: {  	[smem:$0x3FAF] =	sst s5  }
0xe: {  	[smem:$0x3FB0] =	sst s6  }
0xf: {  	[smem:$0x3FB1] =	sst s7  }
0x10: {  	[smem:$0x3FB2] =	sst s8  }
0x11: {  	[smem:$0x3FB3] =	sst s9;
	s0 =	simm.s32 @!p0 $0x0  }
0x12: {  	s1 =	sld [smem:$0x3F99];
	s0 =	simm.s32 @p0 $0x1  }
0x13: {  	[smem:$0x3FB4] =	sst s0;
	s0 =	simm.s32 @!p1 $0x0  }
0x14: {  	s2 =	sld [smem:$0x3F98];
	s0 =	simm.s32 @p1 $0x1  }
0x15: {  	[smem:$0x3FB5] =	sst s0;
	s0 =	simm.s32 @!p2 $0x0  }
0x16: {  	s3 =	sld [smem:$0x3FDB];
	s0 =	simm.s32 @p2 $0x1  }
0x17: {  	s4 =	simm.s32 $0x1BF5;
	[smem:$0x3FB7] =	sst s0  }
0x18: {  	s0 =	sld [smem:$0x3F9A];
	_ =	swait.ge [sflag:s4], $0x0  }
0x19: {  	s7 =	sld [smem:$0x3F9B]  }
0x1a: {  	s8 =	sadd.s32 $0xFFFFE003, lr  }
0x1b: {  	s9 =	sadd.s32 $0xFFFFFEF7, lr;
	s5 =	simm.s32 $0xFFFFFFFF;
	p2 =	slt.u32 s8, $0xFFFFF086  }
0x1c: {  	p1 =	slt.u32 s9, $0xF7A;
	s5 =	simm.s32 @!p2 $0x0  }
0x1d: {  	s5 =	simm.s32 @p1 $0x1;
	p0 =	seq.s32 s7, s2  }
0x1e: {  	s7 =	smul.u32 @!p0 $0xF7A, s2;
	p2 =	seq.s32 @!p0 s5, $0x0  }
0x1f: {  	s9 =	smul.u32 $0xF7A, s1;
	s8 =	simm.s32 @!p0 $0x1BF5;
	p2 =	por !p2, p0  }
0x20: {  	[sflag:s8] =	ssyncset.s32 @!p0 $0xFFFFF086;
	s6 =	sadd.s32 @!p0 s3, s7;
	s7 =	simm.s32 @!p0 $0x108  }
0x21: {  	s3 =	sadd.s32 s3, s9;
	s6 =	sadd.s32 @!p0 $0x88, s6;
	s7 =	simm.s32 @p2 $0x1082  }
0x22: {  	[simem:s7], [sflag:s8] =	dma.local @!p0 [hbm:s6], $0xF7A  }
0x23: {  	s9 =	sor.u32 $0xD0000000, s2;
	s6 =	simm.s32 $0x108;
	_ =	swait.ge @!p0 [sflag:s8], $0x0  }
0x24: {  	s3 =	sadd.s32 $0x88, s3;
	s6 =	simm.s32 @!p1 $0x1082;
	[sflag:s4] =	ssyncset.s32 $0xFFFFF086  }
0x25: {  	[simem:s6], [sflag:s4] =	dma.local [hbm:s3], $0xF7A  }
0x26: {  	[smem:$0x3F9B] =	sst s1;
	(tag) =	ssettag s2;
	_ =	strace s9  }
0x27: {  	s1 =	sld [smem:$0x3FAB]  }
0x28: {  	s2 =	sld [smem:$0x3FAC]  }
0x29: {  	s4 =	sld [smem:$0x3FAE]  }
0x2a: {  	p0 =	seq.s32 s5, $0x0;
	s5 =	sld [smem:$0x3FAF]  }
0x2b: {  	s6 =	sld [smem:$0x3FB0]  }
0x2c: {  	s7 =	sld [smem:$0x3FB1]  }
0x2d: {  	s3 =	simm.s32 $0x108;
	s8 =	sld [smem:$0x3FB2]  }
0x2e: {  	s3 =	simm.s32 @!p0 $0x1082;
	s9 =	sld [smem:$0x3FB3]  }
0x2f: {  	lr =	sadd.s32 s0, s3;
	s0 =	sld [smem:$0x3FAA]  }
0x30: {  	s3 =	sld [smem:$0x3FAD]  }
0x31: {  	[smem:$0x3FB6] =	sst s10  }
0x32: {  	s10 =	sld [smem:$0x3FB4];
	_ =	sdelay $0x3  }
0x33: {  	p0 =	seq.s32 s10, $0x1;
	s10 =	sld [smem:$0x3FB6];
	_ =	sdelay $0x3  }
0x34: {  	[smem:$0x3FB6] =	sst s10  }
0x35: {  	s10 =	sld [smem:$0x3FB5];
	_ =	sdelay $0x3  }
0x36: {  	p1 =	seq.s32 s10, $0x1;
	s10 =	sld [smem:$0x3FB6];
	_ =	sdelay $0x3  }
0x37: {  	[smem:$0x3FB6] =	sst s10  }
0x38: {  	s10 =	sld [smem:$0x3FB7]  }
0x39: {  	_ = 	snop;
	(pc) =	sbr.ind lr, $3  }
0x3a: {  	_ = 	snop  }
0x3b: {  	_ = 	snop  }
0x3c: {  	p2 =	seq.s32 s10, $0x1;
	s10 =	sld [smem:$0x3FB6]  }
0x3d: {  	_ =	shalt  }
0x3e: {  	_ =	shalt  }
0x3f: {  	_ =	shalt  }
0x40: {  	_ =	shalt  }
0x41: {  	_ =	shalt  }
0x42: {  	_ =	shalt  }
0x43: {  	_ =	shalt  }
0x44: {  	_ =	shalt  }
0x45: {  	_ =	shalt  }
0x46: {  	_ =	shalt  }
0x47: {  	_ =	shalt  }
0x48: {  	_ =	shalt  }
0x49: {  	_ =	shalt  }
0x4a: {  	_ =	shalt  }
0x4b: {  	_ =	shalt  }
0x4c: {  	_ =	shalt  }
0x4d: {  	_ =	shalt  }
0x4e: {  	_ =	shalt  }
0x4f: {  	_ =	shalt  }
0x50: {  	_ =	shalt  }
0x51: {  	_ =	shalt  }
0x52: {  	_ =	shalt  }
0x53: {  	_ =	shalt  }
0x54: {  	_ =	shalt  }
0x55: {  	_ =	shalt  }
0x56: {  	_ =	shalt  }
0x57: {  	_ =	shalt  }
0x58: {  	_ =	shalt  }
0x59: {  	_ =	shalt  }
0x5a: {  	_ =	shalt  }
0x5b: {  	_ =	shalt  }
0x5c: {  	_ =	shalt  }
0x5d: {  	_ =	shalt  }
0x5e: {  	_ =	shalt  }
0x5f: {  	_ =	shalt  }
0x60: {  	_ =	shalt  }
0x61: {  	_ =	shalt  }
0x62: {  	_ =	shalt  }
0x63: {  	_ =	shalt  }
0x64: {  	_ =	shalt  }
0x65: {  	_ =	shalt  }
0x66: {  	_ =	shalt  }
0x67: {  	_ =	shalt  }
0x68: {  	_ =	shalt  }
0x69: {  	_ =	shalt  }
0x6a: {  	_ =	shalt  }
0x6b: {  	_ =	shalt  }
0x6c: {  	_ =	shalt  }
0x6d: {  	_ =	shalt  }
0x6e: {  	_ =	shalt  }
0x6f: {  	_ =	shalt  }
0x70: {  	_ =	shalt  }
0x71: {  	_ =	shalt  }
0x72: {  	_ =	shalt  }
0x73: {  	_ =	shalt  }
0x74: {  	_ =	shalt  }
0x75: {  	_ =	shalt  }
0x76: {  	_ =	shalt  }
0x77: {  	_ =	shalt  }
0x78: {  	_ =	shalt  }
0x79: {  	_ =	shalt  }
0x7a: {  	_ =	shalt  }
0x7b: {  	_ =	shalt  }
0x7c: {  	_ =	shalt  }
0x7d: {  	_ =	shalt  }
0x7e: {  	_ =	shalt  }
0x7f: {  	_ =	shalt  }
0x80: {  	_ =	shalt  }
0x81: {  	_ =	shalt  }
0x82: {  	_ =	shalt  }
0x83: {  	_ =	shalt  }
0x84: {  	_ =	shalt  }
0x85: {  	_ =	shalt  }
0x86: {  	_ =	shalt  }
0x87: {  	_ =	shalt  }
.Lfunc_end0:
.L_simem_size_0:
called_computation_lowered:
.L_overlay_start_0:
0x88: {  	s2 =	sld [smem:$0x3FD9]  }
0x89: {  	s3 =	sld [smem:$0x3FFE];
	_ =	sdelay $0x1  }
0x8a: {  	s1 =	srdreg.scid  }
0x8b: {  	s0 =	sand.u32 $0x1, s1  }
0x8c: {  	s16 =	sshll.u32 s0, $0xA;
	s2 =	sadd.s32 s3, s2  }
0x8d: {  	s2 =	sadd.s32 s2, s16  }
0x8e: {  	[smem:$0x3FC2] =	sst s2  }
0x8f: {  	_ = 	snop  }
0x90: {  	(tm) =	ssettm $0x1  }
0x91: {  	s17 =	sld [smem:$0x3FFB];
	_ =	sdelay $0x3  }
0x92: {  	_ =	strace s17  }
0x93: {  	s2 =	sld [smem:$0x3FFC];
	_ =	sdelay $0x3  }
0x94: {  	_ =	strace s2  }
0x95: {  	s2 =	sld [smem:$0x3FFD];
	_ =	sdelay $0x3  }
0x96: {  	_ =	strace s2  }
0x97: {  	_ =	strace $0x8FFFFFFF  }
0x98: {  	s18 =	sld [smem:$0x3FDB];
	_ =	sdelay $0x1  }
0x99: {  	s19 =	simm.s32 $_scs_section_size  }
0x9a: {  	s4 =	simm.s32 $_size__tile_overlayer_lowered;
	s5 =	simm.s32 $_tile_overlayer_lowered  }
0x9b: {  	s22 =	simm.s32 $0x1BFF;
	s21 =	sshll.u32 s5, $0x1;
	s2 =	sadd.s32 s19, s18  }
0x9c: {  	s6 =	simm.s32 $0x0;
	s20 =	sshll.u32 s4, $0x1;
	s4 =	sadd.s32 s21, s2  }
0x9d: {  	[timem:s6], [sflag:s22] =	dma.local [hbm:s4], s20  }
0x9e: {  	_ =	swait.ge [sflag:s22], s20  }
0x9f: {  	s3 =	ssub.s32 $0x0, s20;
	[sflag:s22] =	ssyncset.done $0x0  }
0xa0: {  	[sflag:s22] =	ssyncadd.s32 s3;
	_ =	sdelay $0x1  }
0xa1: {  	s23 =	simm.s32 $0x1B8B  }
0xa2: {  	_ =	swait.ge [sflag:s23], $0x1  }
0xa3: {  	[sflag:s23] =	ssyncset.done $0x0  }
0xa4: {  	s25 =	simm.s32 $0x1B8E;
	s24 =	sld [smem:$0x3FFE];
	[sflag:s23] =	ssyncadd.s32 $0xFFFFFFFF  }
0xa5: {  	s26 =	simm.s32 $execute0_lowered;
	[smem:$0x3FD2] =	sst s25  }
0xa6: {  	s4 =	sshll.u32 s26, $0x1;
	_ =	strace $0x80000046;
	[dreg:$0x1] =	wrdreg $0xFFFFFFFF  }
0xa7: {  	s28 =	simm.s32 $_size_execute0_lowered;
	s2 =	sadd.s32 s2, s4;
	[dreg:$0x0] =	wrdreg $0x0  }
0xa8: {  	s4 =	sshll.u32 s28, $0x1;
	[dreg:$0x2] =	wrdreg s2  }
0xa9: {  	[dreg:$0x3] =	wrdreg s4  }
0xaa: {  	[dreg:$0x4] =	wrdreg $0xC0  }
0xab: {  	_ =	task [dreg:s6], $0x5FFFF  }
0xac: {  	[dreg:$0x1] =	wrdreg $0xFFFFFFFF  }
0xad: {  	[dreg:$0x0] =	wrdreg $0x60  }
0xae: {  	[dreg:$0x2] =	wrdreg s24  }
0xaf: {  	[dreg:$0x3] =	wrdreg $0x30000  }
0xb0: {  	[dreg:$0x4] =	wrdreg $0x9  }
0xb1: {  	_ =	task.clear_ibuf [dreg:s6], $0x5FFFF;
	_ =	strace $0x90000046  }
0xb2: {  	s29 =	simm.s32 $0x9;
	_ =	strace $0x80000048  }
0xb3: {  	_ =	swait.ge [sflag:s29], $0x1  }
0xb4: {  	[sflag:s29] =	ssyncadd.s32 $0xFFFFFFFF  }
0xb5: {  	_ =	strace $0x90000048  }
0xb6: {  	_ =	sfence  }
0xb7: {  	s30 =	sld [smem:$0x0];
	_ =	sdelay $0x2  }
0xb8: {  	s31 =	sshll.u32 s1, $0xD;
	s1 =	sshrl.u32 s1, $0x2  }
0xb9: {  	s3 =	sand.u32 $0x4000, s31;
	s1 =	sadd.s32 s1, s30  }
0xba: {  	s0 =	sor.u32 s3, s0;
	s1 =	sshll.u32 s1, $0x11  }
0xbb: {  	s0 =	sor.u32 s1, s0  }
0xbc: {  	s0 =	sadd.s32 $0x8F2B, s0  }
0xbd: {  	[sflag:s0] =	ssyncadd.remote.s32 $0x1  }
0xbe: {  	_ =	sfence.sel $0xFFFF  }
0xbf: {  	[dreg:$0x0] =	wrdreg $0xFFFFFFFF;
	(pc) =	sbr.abs _section_cstart, $3  }
0xc0: {  	[dreg:$0x1] =	wrdreg $0xFFFFFFFF  }
0xc1: {  	_ =	task.clear_ibuf [dreg:s6], $0x2FFFF;
	_ =	strace $0x9FFFFFFF  }
0xc2: {  	(tm) =	ssettm $0x7FFFFFFF  }
0xc3: {  	_ =	shalt  }
tec
execute0_lowered:
.L_overlay_start_1:
0x0: {  	(tag) =	ssettag $0x1  }
0x1: {  	s6 =	rddreg [dreg:$0x0]  }
0x2: {  	s2 =	rddreg [dreg:$0x1]  }
0x3: {  	s0 =	rddreg [dreg:$0x2];
	s3 =	simm.s32 $0x0;
	s4 =	srdreg.scid  }
0x4: {  	s1 =	stileid.u32;
	s11 =	simm.s32 $0x14;
	s15 =	simm.s32 $0x2800  }
0x5: {  	s16 =	simm.s32 $0x1;
	s17 =	simm.s32 $0x2;
	s26 =	smul.u32 $0x500, s1  }
0x6: {  	s14 =	sand.u32 $0x1, s4;
	s5 =	sshll.u32 s1, $0x1;
	s9 =	smul.u32 $0xA000, s1  }
0x7: {  	[smem:$0x7FF] =	sst s3;
	s7 =	smul.u32 $0x5000, s14;
	s5 =	sor.u32 s14, s5  }
0x8: {  	_ =	strace $0x80000047;
	s28 =	ssub.s32 $0x2, s14;
	p1 =	seq.s32 s14, $0x0  }
0x9: {  	p2 =	sne.s32 s14, $0x0;
	s14 =	simm.s32 $0x80;
	s8 =	smul.u32 $0x2800, s5  }
0xa: {  	s29 =	sshrl.u32 s28, $0x1;
	s31 =	sshrl.u32 s9, $0x2;
	p0 =	seq.s32 s5, $0x1F  }
0xb: {  	s4 =	sadd.s32 s26, s7;
	s13 =	ssub.s32 s28, s29;
	s5 =	sadd.s32 s31, s2  }
0xc: {  	s11 =	simm.s32 @!p0 $0x50;
	s12 =	sadd.s32 s4, s6;
	s8 =	sshrl.u32 s8, $0x3  }
0xd: {  	s7 =	sadd.s32 $0x800, s5;
	s9 =	sadd.s32 $0x1800, s5;
	s10 =	sadd.s32 $0x2000, s5  }
0xe: {  	s13 =	smax.u32 s13, $0x1;
	s30 =	sadd.s32 s6, s8;
	s6 =	sadd.s32 $0x15140, s6  }
0xf: {  	v0 =	vimm.f32 $0.0e+00;
	v1 =	vimm.f32 $1.000000000e+00;
	s8 =	sadd.s32 $0x1000, s5;
	s12 =	sadd.s32 $0x15400, s12;
	s4 =	sadd.s32 $0xB640, s30  }
.LBB2_1:
0x10: {  	s18 =	simm.s32 @p0 $0x0  }
0x11: {  	[tilespmem:s18], [sflag:$0x2] =	stream.linear.gather @p0 [hbm4b:s6+s18], $0xA00, $0x38;
	[tilespmem:$0x5800] =	vst v63  }
0x12: {  	s18 =	simm.s32 @p0 $0x2  }
0x13: {  	_ =	swait.ge @p0 [sflag:s18], $0xA00  }
0x14: {  	[sflag:s18] =	ssyncset.done @p0 $0x0  }
0x15: {  	[sflag:s18] =	ssyncadd.s32 @p0 $0xFFFFF600;
	s18 =	simm.s32 @!p0 $0x0  }
0x16: {  	[tilespmem:s18], [sflag:$0x2] =	stream.linear.gather @!p0 [hbm4b:s4+s18], $0x2800, $0x38;
	[tilespmem:$0x5800] =	vst v63  }
0x17: {  	s18 =	simm.s32 @!p0 $0x2  }
0x18: {  	_ =	swait.ge @!p0 [sflag:s18], $0x2800  }
0x19: {  	[sflag:s18] =	ssyncset.done @!p0 $0x0  }
0x1a: {  	s19 =	simm.s32 $0x0;
	[sflag:s18] =	ssyncadd.s32 @!p0 $0xFFFFD800;
	s18 =	simm.s32 $0x40  }
.LBB2_2:
0x1b: {  	p3 =	sne.s32 s18, $0x1FC0;
	[tilespmem:s19+$0x2800] =	vst v0;
	s19 =	smov.u32 s18;
	s18 =	sadd.s32 $0x40, s18  }
.Ltmp0:
0x1c: {  	(pc) =	sbr.rel @p3 .LBB2_2-.Ltmp0, $2  }
0x1d: {  	_ =	sdelay $0x2  }
0x1e: {  	s19 =	sshra.s32 s19, $0x2  }
0x1f: {  	[tilespmem:s19+$0x2800] =	vst v0;
	s18 =	simm.s32 @!p1 $0x2800;
	s19 =	simm.s32 @!p1 $0x2  }
0x20: {  	[spmem:s5] =	stream.linear.scatter @!p1 [tilespmem:s18], [sflag:$0x2], $0x800, $0x38;
	[tilespmem:$0x5800] =	vst v63  }
0x21: {  	_ =	swait.ge @!p1 [sflag:s19], $0x800  }
0x22: {  	[sflag:s19] =	ssyncset.done @!p1 $0x0  }
0x23: {  	[sflag:s19] =	ssyncadd.s32 @!p1 $0xFFFFF800  }
0x24: {  	[spmem:s7] =	stream.linear.scatter @!p1 [tilespmem:s18], [sflag:$0x2], $0x800, $0x38;
	[tilespmem:$0x5800] =	vst v63  }
0x25: {  	_ =	swait.ge @!p1 [sflag:s19], $0x800  }
0x26: {  	[sflag:s19] =	ssyncset.done @!p1 $0x0  }
0x27: {  	[sflag:s19] =	ssyncadd.s32 @!p1 $0xFFFFF800  }
0x28: {  	[spmem:s8] =	stream.linear.scatter @!p1 [tilespmem:s18], [sflag:$0x2], $0x800, $0x38;
	[tilespmem:$0x5800] =	vst v63  }
0x29: {  	_ =	swait.ge @!p1 [sflag:s19], $0x800  }
0x2a: {  	[sflag:s19] =	ssyncset.done @!p1 $0x0  }
0x2b: {  	[sflag:s19] =	ssyncadd.s32 @!p1 $0xFFFFF800  }
0x2c: {  	[spmem:s9] =	stream.linear.scatter @!p1 [tilespmem:s18], [sflag:$0x2], $0x800, $0x38;
	[tilespmem:$0x5800] =	vst v63  }
0x2d: {  	_ =	swait.ge @!p1 [sflag:s19], $0x800  }
0x2e: {  	[sflag:s19] =	ssyncset.done @!p1 $0x0  }
0x2f: {  	[sflag:s19] =	ssyncadd.s32 @!p1 $0xFFFFF800  }
0x30: {  	[spmem:s10] =	stream.linear.scatter @!p1 [tilespmem:s18], [sflag:$0x2], $0x800, $0x38;
	[tilespmem:$0x5800] =	vst v63  }
0x31: {  	_ =	swait.ge @!p1 [sflag:s19], $0x800  }
0x32: {  	[sflag:s19] =	ssyncset.done @!p1 $0x0  }
0x33: {  	s18 =	simm.s32 $0x40;
	[sflag:s19] =	ssyncadd.s32 @!p1 $0xFFFFF800;
	s19 =	simm.s32 $0x0  }
.LBB2_4:
0x34: {  	p3 =	sne.s32 s18, $0x1FC0;
	[tilespmem:s19+$0x2800] =	vst v1;
	s19 =	smov.u32 s18;
	s18 =	sadd.s32 $0x40, s18  }
.Ltmp1:
0x35: {  	(pc) =	sbr.rel @p3 .LBB2_4-.Ltmp1, $2  }
0x36: {  	_ =	sdelay $0x2  }
0x37: {  	s19 =	sshra.s32 s19, $0x2  }
0x38: {  	[tilespmem:s19+$0x2800] =	vst v1;
	s18 =	simm.s32 @!p2 $0x2800;
	s19 =	simm.s32 @!p2 $0x2  }
0x39: {  	[spmem:s5] =	stream.linear.scatter @!p2 [tilespmem:s18], [sflag:$0x2], $0x800, $0x38;
	[tilespmem:$0x5800] =	vst v63  }
0x3a: {  	_ =	swait.ge @!p2 [sflag:s19], $0x800  }
0x3b: {  	[sflag:s19] =	ssyncset.done @!p2 $0x0  }
0x3c: {  	[sflag:s19] =	ssyncadd.s32 @!p2 $0xFFFFF800  }
0x3d: {  	[spmem:s7] =	stream.linear.scatter @!p2 [tilespmem:s18], [sflag:$0x2], $0x800, $0x38;
	[tilespmem:$0x5800] =	vst v63  }
0x3e: {  	_ =	swait.ge @!p2 [sflag:s19], $0x800  }
0x3f: {  	[sflag:s19] =	ssyncset.done @!p2 $0x0  }
0x40: {  	[sflag:s19] =	ssyncadd.s32 @!p2 $0xFFFFF800  }
0x41: {  	[spmem:s8] =	stream.linear.scatter @!p2 [tilespmem:s18], [sflag:$0x2], $0x800, $0x38;
	[tilespmem:$0x5800] =	vst v63  }
0x42: {  	_ =	swait.ge @!p2 [sflag:s19], $0x800  }
0x43: {  	[sflag:s19] =	ssyncset.done @!p2 $0x0  }
0x44: {  	[sflag:s19] =	ssyncadd.s32 @!p2 $0xFFFFF800  }
0x45: {  	[spmem:s9] =	stream.linear.scatter @!p2 [tilespmem:s18], [sflag:$0x2], $0x800, $0x38;
	[tilespmem:$0x5800] =	vst v63  }
0x46: {  	_ =	swait.ge @!p2 [sflag:s19], $0x800  }
0x47: {  	[sflag:s19] =	ssyncset.done @!p2 $0x0  }
0x48: {  	[sflag:s19] =	ssyncadd.s32 @!p2 $0xFFFFF800  }
0x49: {  	[spmem:s10] =	stream.linear.scatter @!p2 [tilespmem:s18], [sflag:$0x2], $0x800, $0x38;
	[tilespmem:$0x5800] =	vst v63  }
0x4a: {  	_ =	swait.ge @!p2 [sflag:s19], $0x800  }
0x4b: {  	p4 =	sne.s32 s11, $0x1;
	[sflag:s19] =	ssyncset.done @!p2 $0x0  }
.Ltmp2:
0x4c: {  	p3 =	por $0x1, $0x1;
	[sflag:s19] =	ssyncadd.s32 @!p2 $0xFFFFF800;
	(pc) =	sbr.rel @!p4 .LBB2_7-.Ltmp2, $4  }
0x4d: {  	s19 =	simm.s32 @!p3 $0x1;
	[bflag:$0x0] =	sbarrier.arrive $0xFFFF  }
0x4e: {  	_ =	swait.ge @!p3 [sflag:s19], $0x800  }
0x4f: {  	s20 =	simm.s32 $0x0;
	[sflag:s19] =	ssyncset.done @!p3 $0x0  }
0x50: {  	s18 =	simm.s32 $0x1;
	[sflag:s19] =	ssyncadd.s32 @!p3 $0xFFFFF800;
	s19 =	simm.s32 $0x80  }
.LBB2_6:
0x51: {  	[spmem:s2] =	stream.indirect.scatter.add.f32 [tilespmem:s15], [sflag:$0x1], $0x10, s20, s14, $0xb8;
	[tilespmem:$0x5800] =	vst v63  }
0x52: {  	p3 =	slt.u32 s18, $0x8;
	s18 =	sadd.s32 $0x1, s18  }
0x53: {  	p4 =	sne.s32 s11, s18  }
.Ltmp3:
0x54: {  	(pc) =	sbr.rel @p4 .LBB2_6-.Ltmp3, $4  }
0x55: {  	s20 =	smov.u32 s19;
	s21 =	simm.s32 @!p3 $0x1  }
0x56: {  	_ =	swait.ge @!p3 [sflag:s21], $0x800  }
0x57: {  	[sflag:s21] =	ssyncset.done @!p3 $0x0  }
0x58: {  	s19 =	sadd.s32 $0x80, s19;
	[sflag:s21] =	ssyncadd.s32 @!p3 $0xFFFFF800  }
.LBB2_7:
0x59: {  	[spmem:s2] =	stream.indirect.scatter.add.f32 [tilespmem:s15], [sflag:$0x1], $0x10, s20, s14, $0xb8;
	[tilespmem:$0x5800] =	vst v63  }
0x5a: {  	_ =	swait.ge [sflag:s16], $0x800  }
0x5b: {  	[sflag:s16] =	ssyncset.done $0x0  }
0x5c: {  	[sflag:s16] =	ssyncadd.s32 $0xFFFFF800  }
0x5d: {  	_ =	swait.ge [sflag:s16], $0x800  }
0x5e: {  	[sflag:s16] =	ssyncset.done $0x0  }
0x5f: {  	[sflag:s16] =	ssyncadd.s32 $0xFFFFF800  }
0x60: {  	_ =	swait.ge [sflag:s16], $0x800  }
0x61: {  	[sflag:s16] =	ssyncset.done $0x0  }
0x62: {  	[sflag:s16] =	ssyncadd.s32 $0xFFFFF800  }
0x63: {  	_ =	swait.ge [sflag:s16], $0x800  }
0x64: {  	[sflag:s16] =	ssyncset.done $0x0  }
0x65: {  	[sflag:s16] =	ssyncadd.s32 $0xFFFFF800  }
0x66: {  	_ =	swait.ge [sflag:s16], $0x800  }
0x67: {  	[sflag:s16] =	ssyncset.done $0x0  }
0x68: {  	[sflag:s16] =	ssyncadd.s32 $0xFFFFF800  }
0x69: {  	_ =	swait.ge [sflag:s16], $0x800  }
0x6a: {  	[sflag:s16] =	ssyncset.done $0x0  }
0x6b: {  	[sflag:s16] =	ssyncadd.s32 $0xFFFFF800  }
0x6c: {  	_ =	swait.ge [sflag:s16], $0x800  }
0x6d: {  	[sflag:s16] =	ssyncset.done $0x0  }
0x6e: {  	[sflag:s16] =	ssyncadd.s32 $0xFFFFF800  }
0x6f: {  	_ =	swait.ge [sflag:s16], $0x800  }
0x70: {  	s18 =	sshll.u32 s1, $0x6;
	s3 =	sadd.s32 $0x1, s3;
	[sflag:s16] =	ssyncset.done $0x0  }
0x71: {  	s19 =	sshrl.u32 s5, $0x3;
	p3 =	sne.s32 s3, s13;
	[sflag:s16] =	ssyncadd.s32 $0xFFFFF800  }
.Ltmp4:
0x72: {  	s18 =	sor.u32 $0x1C02, s18;
	[bflag:$0x0] =	sbarrier.arrive $0xFFFF;
	(pc) =	sbr.rel @p3 .LBB2_1-.Ltmp4, $4  }
0x73: {  	[hbm:s12], [sflag:s18] =	dma.local [spmem:s19], $0x500  }
0x74: {  	_ =	swait.ge [sflag:s17], $0x500  }
0x75: {  	[sflag:s17] =	ssyncset.done $0x0  }
0x76: {  	[sflag:s17] =	ssyncadd.s32 $0xFFFFFB00  }
0x77: {  	_ =	sfence.sel $0x180000  }
0x78: {  	[bflag:$0x0] =	sbarrier.arrive $0xFFFF  }
0x79: {  	p0 =	sne.s32 s1, $0x0;
	_ =	strace $0x90000047  }
0x7a: {  	s0 =	sadd.s32 @!p0 $0x100000, s0;
	[bflag:$0x2] =	sbarrier.arrive $0xFFFF  }
0x7b: {  	[sflag:s0] =	ssyncadd.tile.s32 @!p0 $0x1;
	_ =	shalt  }
.Lfunc_end2:
_tile_overlayer_lowered:
.L_overlay_start_2:
0x7c: {  	(tag) =	ssettag $0x2  }
0x7d: {  	s0 =	rddreg [dreg:$0x0];
	s2 =	stileid.u32  }
0x7e: {  	s1 =	rddreg [dreg:$0x1];
	p0 =	sne.s32 s2, $0x0  }
0x7f: {  	s3 =	rddreg [dreg:$0x2];
	[bflag:$0x3] =	sbarrier.arrive $0xFFFF;
	s2 =	simm.s32 @!p0 $0x1C02  }
0x80: {  	[timem:s3], [sflag:s2] =	dma.local @!p0 [hbm:s0], s1  }
0x81: {  	s0 =	simm.s32 @!p0 $0x2  }
0x82: {  	_ =	swait.ge @!p0 [sflag:s0], s1  }
0x83: {  	s1 =	ssub.s32 @!p0 $0x0, s1;
	[sflag:s0] =	ssyncset.done @!p0 $0x0  }
0x84: {  	[sflag:s0] =	ssyncadd.s32 @!p0 s1  }
0x85: {  	[bflag:$0x3] =	sbarrier.arrive $0xFFFF  }
0x86: {  	_ =	shalt  }

</sc_bundles>
